<compile_context>
chip_gen: v7x
topology: tpu7x:2x2x1
jax: 0.10.2.dev20260603
libtpu: 0.0.44.dev20260713+nightly
codegen_flags: <defaults>
</compile_context>

<pallas_src>
import functools

import jax
import jax.numpy as jnp
from jax import lax
from jax.experimental import pallas as pl
from jax.experimental.pallas import tpu as pltpu
from jax.experimental.pallas import tpu_sc as plsc


def _argmin_kernel(z_ref, embn2_ref, idx_ref):
    z = z_ref[0]
    embn2 = embn2_ref[...]

    e_sq = 0.25 * jnp.sum(embn2 * embn2, axis=1, keepdims=True)
    scores = jax.lax.dot_general(
        embn2, z, (((1,), (0,)), ((), ())),
        preferred_element_type=jnp.float32)
    d2 = scores + e_sq
    idx_ref[0] = jnp.argmin(d2, axis=0)[None, :]


def _sc_gather_kernel(c_dim, k_dim, t_dim, embt_hbm, idx_hbm, out_hbm,
                      et_v, idx_v, out_v):
    nc = lax.axis_size("c")
    wid = lax.axis_index("s") * nc + lax.axis_index("c")
    pltpu.sync_copy(embt_hbm, et_v)
    pltpu.sync_copy(idx_hbm.at[pl.ds(wid * t_dim, t_dim)], idx_v)

    @plsc.parallel_loop(0, t_dim // 16, unroll=2)
    def body(j):
        iv = idx_v[pl.ds(j * 16, 16)]
        for c in range(c_dim):
            idxc = iv + jnp.int32(c * k_dim)
            out_v[c, pl.ds(j * 16, 16)] = plsc.load_gather(et_v, [idxc])

    pltpu.sync_copy(out_v, out_hbm.at[wid])


def kernel(z_e, embedding):
    B, C, H, W = z_e.shape
    K = embedding.shape[0]
    T = H * W
    z = z_e.reshape(B, C, T)

    idx3 = pl.pallas_call(
        _argmin_kernel,
        grid=(B,),
        in_specs=[
            pl.BlockSpec((1, C, T), lambda b: (b, 0, 0)),
            pl.BlockSpec((K, C), lambda b: (0, 0)),
        ],
        out_specs=pl.BlockSpec((1, 1, T), lambda b: (b, 0, 0)),
        out_shape=jax.ShapeDtypeStruct((B, 1, T), jnp.int32),
    )(z, -2.0 * embedding)

    mesh = plsc.VectorSubcoreMesh(core_axis_name="c", subcore_axis_name="s")
    sc_gather = functools.partial(
        pl.kernel,
        mesh=mesh,
        compiler_params=pltpu.CompilerParams(needs_layout_passes=False),
        out_type=jax.ShapeDtypeStruct((B, C, T), jnp.float32),
        scratch_types=[
            pltpu.VMEM((C * K,), jnp.float32),
            pltpu.VMEM((T,), jnp.int32),
            pltpu.VMEM((C, T), jnp.float32),
        ],
    )(functools.partial(_sc_gather_kernel, C, K, T))

    out = sc_gather(embedding.T.reshape(C * K), idx3.reshape(B * T))
    return out.reshape(B, C, H, W)

# --- scband reference (transcript-rebuilt; emitter-appended) ---
"""Pipeline reference for scband-vector-quantizer-ema-29497835389284 (READ-ONLY COPY).

The authoritative reference and input builder live on the scoring server;
editing this copy changes nothing except your own understanding.
"""

import jax, jax.numpy as jnp
import numpy as np


def setup_inputs(seed: int = 0) -> dict:
    key = jax.random.key(seed)
    k1, k2 = jax.random.split(key)
    z_e = jax.random.normal(k1, (32, 64, 32, 32), dtype=jnp.float32)
    embedding = jax.random.normal(k2, (512, 64), dtype=jnp.float32)
    return {"z_e": z_e, "embedding": embedding}


def reference(z_e, embedding):
    B, C, H, W = z_e.shape
    z_flat = jnp.transpose(z_e, (0, 2, 3, 1)).reshape(-1, C)
    n = z_flat.shape[0]
    e_sq = jnp.sum(embedding ** 2, axis=1)[None, :]
    idxs = []
    for i in range(0, n, 1024):
        chunk = z_flat[i:i + 1024]
        d2 = jnp.sum(chunk ** 2, axis=1, keepdims=True) - 2.0 * (chunk @ embedding.T) + e_sq
        dist = jnp.sqrt(jnp.maximum(d2, 0.0))
        idxs.append(jnp.argmin(dist, axis=1))
    indices = jnp.concatenate(idxs)
    z_q = jnp.take(embedding, indices, axis=0).reshape(B, H, W, C)
    z_q = jnp.transpose(z_q, (0, 3, 1, 2))
    return z_q

if __name__ == "__main__":
    import jax
    _d = setup_inputs()
    print(jax.jit(kernel)(*tuple(_d.values())))

</pallas_src>

<mosaic_0001>
#map = affine_map<(d0, d1) -> (0)>
#map1 = affine_map<(d0, d1) -> (0, 0, 0)>
module attributes {stable_mosaic.version = 14 : i64} {
  func.func @_sc_gather_kernel(%arg0: i32, %arg1: i32, %arg2: memref<32768xf32, #tpu.memory_space<hbm>>, %arg3: memref<32768xi32, #tpu.memory_space<hbm>>, %arg4: memref<32x64x1024xf32, #tpu.memory_space<hbm>>, %arg5: memref<32768xf32, #tpu.memory_space<vmem>>, %arg6: memref<1024xi32, #tpu.memory_space<vmem>>, %arg7: memref<64x1024xf32, #tpu.memory_space<vmem>>) attributes {dimension_semantics = [#tpu.dimension_semantics<core_parallel>, #tpu.dimension_semantics<subcore_parallel>], iteration_bounds = array<i64: 2, 16>, scalar_prefetch = 0 : i64, scratch_operands = 3 : i64, tpu.core_type = #tpu.core_type<sc_vector_subcore>, window_params = [{transform_indices = #map}, {transform_indices = #map}, {transform_indices = #map1}]} {
    %mul3A = arith.constant 2 : i32
    %mul3A_0 = arith.muli %arg1, %mul3A : i32
    %add3A = arith.addi %mul3A_0, %arg0 : i32
    "tpu.region"() ({
      %run_scoped3A = tpu.sem_alloc : memref<!tpu.dma_semaphore, #tpu.memory_space<semaphore_mem>>
      tpu.enqueue_dma source(%arg2 : memref<32768xf32, #tpu.memory_space<hbm>>) target(%arg5 : memref<32768xf32, #tpu.memory_space<vmem>>) target_semaphore(%run_scoped3A : memref<!tpu.dma_semaphore, #tpu.memory_space<semaphore_mem>>)
      tpu.wait_dma2 semaphore(%run_scoped3A : memref<!tpu.dma_semaphore, #tpu.memory_space<semaphore_mem>>) src(%arg2 : memref<32768xf32, #tpu.memory_space<hbm>>) dst(%arg5 : memref<32768xf32, #tpu.memory_space<vmem>>)
      tpu.yield
    }) : () -> ()
    %mul3A_1 = arith.constant 1024 : i32
    %mul3A_2 = arith.muli %add3A, %mul3A_1 : i32
    "tpu.region"() ({
      %run_scoped3A = tpu.sem_alloc : memref<!tpu.dma_semaphore, #tpu.memory_space<semaphore_mem>>
      %dma_start3A = tpu.memref_slice %arg3[%mul3A_2] : memref<32768xi32, #tpu.memory_space<hbm>> -> memref<1024xi32, #tpu.memory_space<hbm>>
      %dma_start3A_5 = tpu.memref_slice %arg3[%mul3A_2] : memref<32768xi32, #tpu.memory_space<hbm>> -> memref<1024xi32, #tpu.memory_space<hbm>>
      tpu.enqueue_dma source(%dma_start3A_5 : memref<1024xi32, #tpu.memory_space<hbm>>) target(%arg6 : memref<1024xi32, #tpu.memory_space<vmem>>) target_semaphore(%run_scoped3A : memref<!tpu.dma_semaphore, #tpu.memory_space<semaphore_mem>>)
      %dma_wait3A = tpu.memref_slice %arg3[%mul3A_2] : memref<32768xi32, #tpu.memory_space<hbm>> -> memref<1024xi32, #tpu.memory_space<hbm>>
      %dma_wait3A_6 = tpu.memref_slice %arg3[%mul3A_2] : memref<32768xi32, #tpu.memory_space<hbm>> -> memref<1024xi32, #tpu.memory_space<hbm>>
      tpu.wait_dma2 semaphore(%run_scoped3A : memref<!tpu.dma_semaphore, #tpu.memory_space<semaphore_mem>>) src(%dma_wait3A_6 : memref<1024xi32, #tpu.memory_space<hbm>>) dst(%arg6 : memref<1024xi32, #tpu.memory_space<vmem>>)
      tpu.yield
    }) : () -> ()
    %parallel_loop3A = arith.constant 0 : i32
    %parallel_loop3A_3 = arith.constant 64 : i32
    %parallel_loop3A_4 = arith.constant 1 : i32
    scf.for %parallel_loop3A_5 = %parallel_loop3A to %parallel_loop3A_3 step %parallel_loop3A_4  : i32 {
      %parallel_loop3A_6 = arith.constant 16 : i32
      %parallel_loop3A_7 = arith.muli %parallel_loop3A_5, %parallel_loop3A_6 : i32
      %parallel_loop3A_8 = arith.index_cast %parallel_loop3A_7 : i32 to index
      %parallel_loop3A_9 = tpu.vector_load %arg6[%parallel_loop3A_8] {strides = array<i32>} : memref<1024xi32, #tpu.memory_space<vmem>>, vector<16xi32>,
      %parallel_loop3A_10 = arith.constant 0 : i32
      %parallel_loop3A_11 = vector.broadcast %parallel_loop3A_10 : i32 to vector<16xi32>
      %parallel_loop3A_12 = arith.addi %parallel_loop3A_9, %parallel_loop3A_11 : vector<16xi32>
      %parallel_loop3A_13 = tpu.vector_load_idx %arg5[%parallel_loop3A_12] : memref<32768xf32, #tpu.memory_space<vmem>>[vector<16xi32>], vector<16xf32>,
      %parallel_loop3A_14 = arith.constant 16 : i32
      %parallel_loop3A_15 = arith.muli %parallel_loop3A_5, %parallel_loop3A_14 : i32
      %parallel_loop3A_16 = arith.constant 0 : i32
      %parallel_loop3A_17 = arith.index_cast %parallel_loop3A_16 : i32 to index
      %parallel_loop3A_18 = arith.index_cast %parallel_loop3A_15 : i32 to index
      %parallel_loop3A_19 = tpu.vector_load %arg7[%parallel_loop3A_17, %parallel_loop3A_18] {strides = array<i32>} : memref<64x1024xf32, #tpu.memory_space<vmem>>, vector<16xf32>,
      tpu.vector_store %arg7[%parallel_loop3A_17, %parallel_loop3A_18], %parallel_loop3A_13 {strides = array<i32>} : memref<64x1024xf32, #tpu.memory_space<vmem>>, vector<16xf32>,
      %parallel_loop3A_20 = arith.constant 512 : i32
      %parallel_loop3A_21 = vector.broadcast %parallel_loop3A_20 : i32 to vector<16xi32>
      %parallel_loop3A_22 = arith.addi %parallel_loop3A_9, %parallel_loop3A_21 : vector<16xi32>
      %parallel_loop3A_23 = tpu.vector_load_idx %arg5[%parallel_loop3A_22] : memref<32768xf32, #tpu.memory_space<vmem>>[vector<16xi32>], vector<16xf32>,
      %parallel_loop3A_24 = arith.constant 16 : i32
      %parallel_loop3A_25 = arith.muli %parallel_loop3A_5, %parallel_loop3A_24 : i32
      %parallel_loop3A_26 = arith.constant 1 : i32
      %parallel_loop3A_27 = arith.index_cast %parallel_loop3A_26 : i32 to index
      %parallel_loop3A_28 = arith.index_cast %parallel_loop3A_25 : i32 to index
      %parallel_loop3A_29 = tpu.vector_load %arg7[%parallel_loop3A_27, %parallel_loop3A_28] {strides = array<i32>} : memref<64x1024xf32, #tpu.memory_space<vmem>>, vector<16xf32>,
      tpu.vector_store %arg7[%parallel_loop3A_27, %parallel_loop3A_28], %parallel_loop3A_23 {strides = array<i32>} : memref<64x1024xf32, #tpu.memory_space<vmem>>, vector<16xf32>,
      %parallel_loop3A_30 = arith.constant 1024 : i32
      %parallel_loop3A_31 = vector.broadcast %parallel_loop3A_30 : i32 to vector<16xi32>
      %parallel_loop3A_32 = arith.addi %parallel_loop3A_9, %parallel_loop3A_31 : vector<16xi32>
      %parallel_loop3A_33 = tpu.vector_load_idx %arg5[%parallel_loop3A_32] : memref<32768xf32, #tpu.memory_space<vmem>>[vector<16xi32>], vector<16xf32>,
      %parallel_loop3A_34 = arith.constant 16 : i32
      %parallel_loop3A_35 = arith.muli %parallel_loop3A_5, %parallel_loop3A_34 : i32
      %parallel_loop3A_36 = arith.constant 2 : i32
      %parallel_loop3A_37 = arith.index_cast %parallel_loop3A_36 : i32 to index
      %parallel_loop3A_38 = arith.index_cast %parallel_loop3A_35 : i32 to index
      %parallel_loop3A_39 = tpu.vector_load %arg7[%parallel_loop3A_37, %parallel_loop3A_38] {strides = array<i32>} : memref<64x1024xf32, #tpu.memory_space<vmem>>, vector<16xf32>,
      tpu.vector_store %arg7[%parallel_loop3A_37, %parallel_loop3A_38], %parallel_loop3A_33 {strides = array<i32>} : memref<64x1024xf32, #tpu.memory_space<vmem>>, vector<16xf32>,
      %parallel_loop3A_40 = arith.constant 1536 : i32
      %parallel_loop3A_41 = vector.broadcast %parallel_loop3A_40 : i32 to vector<16xi32>
      %parallel_loop3A_42 = arith.addi %parallel_loop3A_9, %parallel_loop3A_41 : vector<16xi32>
      %parallel_loop3A_43 = tpu.vector_load_idx %arg5[%parallel_loop3A_42] : memref<32768xf32, #tpu.memory_space<vmem>>[vector<16xi32>], vector<16xf32>,
      %parallel_loop3A_44 = arith.constant 16 : i32
      %parallel_loop3A_45 = arith.muli %parallel_loop3A_5, %parallel_loop3A_44 : i32
      %parallel_loop3A_46 = arith.constant 3 : i32
      %parallel_loop3A_47 = arith.index_cast %parallel_loop3A_46 : i32 to index
      %parallel_loop3A_48 = arith.index_cast %parallel_loop3A_45 : i32 to index
      %parallel_loop3A_49 = tpu.vector_load %arg7[%parallel_loop3A_47, %parallel_loop3A_48] {strides = array<i32>} : memref<64x1024xf32, #tpu.memory_space<vmem>>, vector<16xf32>,
      tpu.vector_store %arg7[%parallel_loop3A_47, %parallel_loop3A_48], %parallel_loop3A_43 {strides = array<i32>} : memref<64x1024xf32, #tpu.memory_space<vmem>>, vector<16xf32>,
      %parallel_loop3A_50 = arith.constant 2048 : i32
      %parallel_loop3A_51 = vector.broadcast %parallel_loop3A_50 : i32 to vector<16xi32>
      %parallel_loop3A_52 = arith.addi %parallel_loop3A_9, %parallel_loop3A_51 : vector<16xi32>
      %parallel_loop3A_53 = tpu.vector_load_idx %arg5[%parallel_loop3A_52] : memref<32768xf32, #tpu.memory_space<vmem>>[vector<16xi32>], vector<16xf32>,
      %parallel_loop3A_54 = arith.constant 16 : i32
      %parallel_loop3A_55 = arith.muli %parallel_loop3A_5, %parallel_loop3A_54 : i32
      %parallel_loop3A_56 = arith.constant 4 : i32
      %parallel_loop3A_57 = arith.index_cast %parallel_loop3A_56 : i32 to index
      %parallel_loop3A_58 = arith.index_cast %parallel_loop3A_55 : i32 to index
      %parallel_loop3A_59 = tpu.vector_load %arg7[%parallel_loop3A_57, %parallel_loop3A_58] {strides = array<i32>} : memref<64x1024xf32, #tpu.memory_space<vmem>>, vector<16xf32>,
      tpu.vector_store %arg7[%parallel_loop3A_57, %parallel_loop3A_58], %parallel_loop3A_53 {strides = array<i32>} : memref<64x1024xf32, #tpu.memory_space<vmem>>, vector<16xf32>,
      %parallel_loop3A_60 = arith.constant 2560 : i32
      %parallel_loop3A_61 = vector.broadcast %parallel_loop3A_60 : i32 to vector<16xi32>
      %parallel_loop3A_62 = arith.addi %parallel_loop3A_9, %parallel_loop3A_61 : vector<16xi32>
      %parallel_loop3A_63 = tpu.vector_load_idx %arg5[%parallel_loop3A_62] : memref<32768xf32, #tpu.memory_space<vmem>>[vector<16xi32>], vector<16xf32>,
      %parallel_loop3A_64 = arith.constant 16 : i32
      %parallel_loop3A_65 = arith.muli %parallel_loop3A_5, %parallel_loop3A_64 : i32
      %parallel_loop3A_66 = arith.constant 5 : i32
      %parallel_loop3A_67 = arith.index_cast %parallel_loop3A_66 : i32 to index
      %parallel_loop3A_68 = arith.index_cast %parallel_loop3A_65 : i32 to index
      %parallel_loop3A_69 = tpu.vector_load %arg7[%parallel_loop3A_67, %parallel_loop3A_68] {strides = array<i32>} : memref<64x1024xf32, #tpu.memory_space<vmem>>, vector<16xf32>,
      tpu.vector_store %arg7[%parallel_loop3A_67, %parallel_loop3A_68], %parallel_loop3A_63 {strides = array<i32>} : memref<64x1024xf32, #tpu.memory_space<vmem>>, vector<16xf32>,
      %parallel_loop3A_70 = arith.constant 3072 : i32
      %parallel_loop3A_71 = vector.broadcast %parallel_loop3A_70 : i32 to vector<16xi32>
      %parallel_loop3A_72 = arith.addi %parallel_loop3A_9, %parallel_loop3A_71 : vector<16xi32>
      %parallel_loop3A_73 = tpu.vector_load_idx %arg5[%parallel_loop3A_72] : memref<32768xf32, #tpu.memory_space<vmem>>[vector<16xi32>], vector<16xf32>,
      %parallel_loop3A_74 = arith.constant 16 : i32
      %parallel_loop3A_75 = arith.muli %parallel_loop3A_5, %parallel_loop3A_74 : i32
      %parallel_loop3A_76 = arith.constant 6 : i32
      %parallel_loop3A_77 = arith.index_cast %parallel_loop3A_76 : i32 to index
      %parallel_loop3A_78 = arith.index_cast %parallel_loop3A_75 : i32 to index
      %parallel_loop3A_79 = tpu.vector_load %arg7[%parallel_loop3A_77, %parallel_loop3A_78] {strides = array<i32>} : memref<64x1024xf32, #tpu.memory_space<vmem>>, vector<16xf32>,
      tpu.vector_store %arg7[%parallel_loop3A_77, %parallel_loop3A_78], %parallel_loop3A_73 {strides = array<i32>} : memref<64x1024xf32, #tpu.memory_space<vmem>>, vector<16xf32>,
      %parallel_loop3A_80 = arith.constant 3584 : i32
      %parallel_loop3A_81 = vector.broadcast %parallel_loop3A_80 : i32 to vector<16xi32>
      %parallel_loop3A_82 = arith.addi %parallel_loop3A_9, %parallel_loop3A_81 : vector<16xi32>
      %parallel_loop3A_83 = tpu.vector_load_idx %arg5[%parallel_loop3A_82] : memref<32768xf32, #tpu.memory_space<vmem>>[vector<16xi32>], vector<16xf32>,
      %parallel_loop3A_84 = arith.constant 16 : i32
      %parallel_loop3A_85 = arith.muli %parallel_loop3A_5, %parallel_loop3A_84 : i32
      %parallel_loop3A_86 = arith.constant 7 : i32
      %parallel_loop3A_87 = arith.index_cast %parallel_loop3A_86 : i32 to index
      %parallel_loop3A_88 = arith.index_cast %parallel_loop3A_85 : i32 to index
      %parallel_loop3A_89 = tpu.vector_load %arg7[%parallel_loop3A_87, %parallel_loop3A_88] {strides = array<i32>} : memref<64x1024xf32, #tpu.memory_space<vmem>>, vector<16xf32>,
      tpu.vector_store %arg7[%parallel_loop3A_87, %parallel_loop3A_88], %parallel_loop3A_83 {strides = array<i32>} : memref<64x1024xf32, #tpu.memory_space<vmem>>, vector<16xf32>,
      %parallel_loop3A_90 = arith.constant 4096 : i32
      %parallel_loop3A_91 = vector.broadcast %parallel_loop3A_90 : i32 to vector<16xi32>
      %parallel_loop3A_92 = arith.addi %parallel_loop3A_9, %parallel_loop3A_91 : vector<16xi32>
      %parallel_loop3A_93 = tpu.vector_load_idx %arg5[%parallel_loop3A_92] : memref<32768xf32, #tpu.memory_space<vmem>>[vector<16xi32>], vector<16xf32>,
      %parallel_loop3A_94 = arith.constant 16 : i32
      %parallel_loop3A_95 = arith.muli %parallel_loop3A_5, %parallel_loop3A_94 : i32
      %parallel_loop3A_96 = arith.constant 8 : i32
      %parallel_loop3A_97 = arith.index_cast %parallel_loop3A_96 : i32 to index
      %parallel_loop3A_98 = arith.index_cast %parallel_loop3A_95 : i32 to index
      %parallel_loop3A_99 = tpu.vector_load %arg7[%parallel_loop3A_97, %parallel_loop3A_98] {strides = array<i32>} : memref<64x1024xf32, #tpu.memory_space<vmem>>, vector<16xf32>,
      tpu.vector_store %arg7[%parallel_loop3A_97, %parallel_loop3A_98], %parallel_loop3A_93 {strides = array<i32>} : memref<64x1024xf32, #tpu.memory_space<vmem>>, vector<16xf32>,
      %parallel_loop3A_100 = arith.constant 4608 : i32
      %parallel_loop3A_101 = vector.broadcast %parallel_loop3A_100 : i32 to vector<16xi32>
      %parallel_loop3A_102 = arith.addi %parallel_loop3A_9, %parallel_loop3A_101 : vector<16xi32>
      %parallel_loop3A_103 = tpu.vector_load_idx %arg5[%parallel_loop3A_102] : memref<32768xf32, #tpu.memory_space<vmem>>[vector<16xi32>], vector<16xf32>,
      %parallel_loop3A_104 = arith.constant 16 : i32
      %parallel_loop3A_105 = arith.muli %parallel_loop3A_5, %parallel_loop3A_104 : i32
      %parallel_loop3A_106 = arith.constant 9 : i32
      %parallel_loop3A_107 = arith.index_cast %parallel_loop3A_106 : i32 to index
      %parallel_loop3A_108 = arith.index_cast %parallel_loop3A_105 : i32 to index
      %parallel_loop3A_109 = tpu.vector_load %arg7[%parallel_loop3A_107, %parallel_loop3A_108] {strides = array<i32>} : memref<64x1024xf32, #tpu.memory_space<vmem>>, vector<16xf32>,
      tpu.vector_store %arg7[%parallel_loop3A_107, %parallel_loop3A_108], %parallel_loop3A_103 {strides = array<i32>} : memref<64x1024xf32, #tpu.memory_space<vmem>>, vector<16xf32>,
      %parallel_loop3A_110 = arith.constant 5120 : i32
      %parallel_loop3A_111 = vector.broadcast %parallel_loop3A_110 : i32 to vector<16xi32>
      %parallel_loop3A_112 = arith.addi %parallel_loop3A_9, %parallel_loop3A_111 : vector<16xi32>
      %parallel_loop3A_113 = tpu.vector_load_idx %arg5[%parallel_loop3A_112] : memref<32768xf32, #tpu.memory_space<vmem>>[vector<16xi32>], vector<16xf32>,
      %parallel_loop3A_114 = arith.constant 16 : i32
      %parallel_loop3A_115 = arith.muli %parallel_loop3A_5, %parallel_loop3A_114 : i32
      %parallel_loop3A_116 = arith.constant 10 : i32
      %parallel_loop3A_117 = arith.index_cast %parallel_loop3A_116 : i32 to index
      %parallel_loop3A_118 = arith.index_cast %parallel_loop3A_115 : i32 to index
      %parallel_loop3A_119 = tpu.vector_load %arg7[%parallel_loop3A_117, %parallel_loop3A_118] {strides = array<i32>} : memref<64x1024xf32, #tpu.memory_space<vmem>>, vector<16xf32>,
      tpu.vector_store %arg7[%parallel_loop3A_117, %parallel_loop3A_118], %parallel_loop3A_113 {strides = array<i32>} : memref<64x1024xf32, #tpu.memory_space<vmem>>, vector<16xf32>,
      %parallel_loop3A_120 = arith.constant 5632 : i32
      %parallel_loop3A_121 = vector.broadcast %parallel_loop3A_120 : i32 to vector<16xi32>
      %parallel_loop3A_122 = arith.addi %parallel_loop3A_9, %parallel_loop3A_121 : vector<16xi32>
      %parallel_loop3A_123 = tpu.vector_load_idx %arg5[%parallel_loop3A_122] : memref<32768xf32, #tpu.memory_space<vmem>>[vector<16xi32>], vector<16xf32>,
      %parallel_loop3A_124 = arith.constant 16 : i32
      %parallel_loop3A_125 = arith.muli %parallel_loop3A_5, %parallel_loop3A_124 : i32
      %parallel_loop3A_126 = arith.constant 11 : i32
      %parallel_loop3A_127 = arith.index_cast %parallel_loop3A_126 : i32 to index
      %parallel_loop3A_128 = arith.index_cast %parallel_loop3A_125 : i32 to index
      %parallel_loop3A_129 = tpu.vector_load %arg7[%parallel_loop3A_127, %parallel_loop3A_128] {strides = array<i32>} : memref<64x1024xf32, #tpu.memory_space<vmem>>, vector<16xf32>,
      tpu.vector_store %arg7[%parallel_loop3A_127, %parallel_loop3A_128], %parallel_loop3A_123 {strides = array<i32>} : memref<64x1024xf32, #tpu.memory_space<vmem>>, vector<16xf32>,
      %parallel_loop3A_130 = arith.constant 6144 : i32
      %parallel_loop3A_131 = vector.broadcast %parallel_loop3A_130 : i32 to vector<16xi32>
      %parallel_loop3A_132 = arith.addi %parallel_loop3A_9, %parallel_loop3A_131 : vector<16xi32>
      %parallel_loop3A_133 = tpu.vector_load_idx %arg5[%parallel_loop3A_132] : memref<32768xf32, #tpu.memory_space<vmem>>[vector<16xi32>], vector<16xf32>,
      %parallel_loop3A_134 = arith.constant 16 : i32
      %parallel_loop3A_135 = arith.muli %parallel_loop3A_5, %parallel_loop3A_134 : i32
      %parallel_loop3A_136 = arith.constant 12 : i32
      %parallel_loop3A_137 = arith.index_cast %parallel_loop3A_136 : i32 to index
      %parallel_loop3A_138 = arith.index_cast %parallel_loop3A_135 : i32 to index
      %parallel_loop3A_139 = tpu.vector_load %arg7[%parallel_loop3A_137, %parallel_loop3A_138] {strides = array<i32>} : memref<64x1024xf32, #tpu.memory_space<vmem>>, vector<16xf32>,
      tpu.vector_store %arg7[%parallel_loop3A_137, %parallel_loop3A_138], %parallel_loop3A_133 {strides = array<i32>} : memref<64x1024xf32, #tpu.memory_space<vmem>>, vector<16xf32>,
      %parallel_loop3A_140 = arith.constant 6656 : i32
      %parallel_loop3A_141 = vector.broadcast %parallel_loop3A_140 : i32 to vector<16xi32>
      %parallel_loop3A_142 = arith.addi %parallel_loop3A_9, %parallel_loop3A_141 : vector<16xi32>
      %parallel_loop3A_143 = tpu.vector_load_idx %arg5[%parallel_loop3A_142] : memref<32768xf32, #tpu.memory_space<vmem>>[vector<16xi32>], vector<16xf32>,
      %parallel_loop3A_144 = arith.constant 16 : i32
      %parallel_loop3A_145 = arith.muli %parallel_loop3A_5, %parallel_loop3A_144 : i32
      %parallel_loop3A_146 = arith.constant 13 : i32
      %parallel_loop3A_147 = arith.index_cast %parallel_loop3A_146 : i32 to index
      %parallel_loop3A_148 = arith.index_cast %parallel_loop3A_145 : i32 to index
      %parallel_loop3A_149 = tpu.vector_load %arg7[%parallel_loop3A_147, %parallel_loop3A_148] {strides = array<i32>} : memref<64x1024xf32, #tpu.memory_space<vmem>>, vector<16xf32>,
      tpu.vector_store %arg7[%parallel_loop3A_147, %parallel_loop3A_148], %parallel_loop3A_143 {strides = array<i32>} : memref<64x1024xf32, #tpu.memory_space<vmem>>, vector<16xf32>,
      %parallel_loop3A_150 = arith.constant 7168 : i32
      %parallel_loop3A_151 = vector.broadcast %parallel_loop3A_150 : i32 to vector<16xi32>
      %parallel_loop3A_152 = arith.addi %parallel_loop3A_9, %parallel_loop3A_151 : vector<16xi32>
      %parallel_loop3A_153 = tpu.vector_load_idx %arg5[%parallel_loop3A_152] : memref<32768xf32, #tpu.memory_space<vmem>>[vector<16xi32>], vector<16xf32>,
      %parallel_loop3A_154 = arith.constant 16 : i32
      %parallel_loop3A_155 = arith.muli %parallel_loop3A_5, %parallel_loop3A_154 : i32
      %parallel_loop3A_156 = arith.constant 14 : i32
      %parallel_loop3A_157 = arith.index_cast %parallel_loop3A_156 : i32 to index
      %parallel_loop3A_158 = arith.index_cast %parallel_loop3A_155 : i32 to index
      %parallel_loop3A_159 = tpu.vector_load %arg7[%parallel_loop3A_157, %parallel_loop3A_158] {strides = array<i32>} : memref<64x1024xf32, #tpu.memory_space<vmem>>, vector<16xf32>,
      tpu.vector_store %arg7[%parallel_loop3A_157, %parallel_loop3A_158], %parallel_loop3A_153 {strides = array<i32>} : memref<64x1024xf32, #tpu.memory_space<vmem>>, vector<16xf32>,
      %parallel_loop3A_160 = arith.constant 7680 : i32
      %parallel_loop3A_161 = vector.broadcast %parallel_loop3A_160 : i32 to vector<16xi32>
      %parallel_loop3A_162 = arith.addi %parallel_loop3A_9, %parallel_loop3A_161 : vector<16xi32>
      %parallel_loop3A_163 = tpu.vector_load_idx %arg5[%parallel_loop3A_162] : memref<32768xf32, #tpu.memory_space<vmem>>[vector<16xi32>], vector<16xf32>,
      %parallel_loop3A_164 = arith.constant 16 : i32
      %parallel_loop3A_165 = arith.muli %parallel_loop3A_5, %parallel_loop3A_164 : i32
      %parallel_loop3A_166 = arith.constant 15 : i32
      %parallel_loop3A_167 = arith.index_cast %parallel_loop3A_166 : i32 to index
      %parallel_loop3A_168 = arith.index_cast %parallel_loop3A_165 : i32 to index
      %parallel_loop3A_169 = tpu.vector_load %arg7[%parallel_loop3A_167, %parallel_loop3A_168] {strides = array<i32>} : memref<64x1024xf32, #tpu.memory_space<vmem>>, vector<16xf32>,
      tpu.vector_store %arg7[%parallel_loop3A_167, %parallel_loop3A_168], %parallel_loop3A_163 {strides = array<i32>} : memref<64x1024xf32, #tpu.memory_space<vmem>>, vector<16xf32>,
      %parallel_loop3A_170 = arith.constant 8192 : i32
      %parallel_loop3A_171 = vector.broadcast %parallel_loop3A_170 : i32 to vector<16xi32>
      %parallel_loop3A_172 = arith.addi %parallel_loop3A_9, %parallel_loop3A_171 : vector<16xi32>
      %parallel_loop3A_173 = tpu.vector_load_idx %arg5[%parallel_loop3A_172] : memref<32768xf32, #tpu.memory_space<vmem>>[vector<16xi32>], vector<16xf32>,
      %parallel_loop3A_174 = arith.constant 16 : i32
      %parallel_loop3A_175 = arith.muli %parallel_loop3A_5, %parallel_loop3A_174 : i32
      %parallel_loop3A_176 = arith.constant 16 : i32
      %parallel_loop3A_177 = arith.index_cast %parallel_loop3A_176 : i32 to index
      %parallel_loop3A_178 = arith.index_cast %parallel_loop3A_175 : i32 to index
      %parallel_loop3A_179 = tpu.vector_load %arg7[%parallel_loop3A_177, %parallel_loop3A_178] {strides = array<i32>} : memref<64x1024xf32, #tpu.memory_space<vmem>>, vector<16xf32>,
      tpu.vector_store %arg7[%parallel_loop3A_177, %parallel_loop3A_178], %parallel_loop3A_173 {strides = array<i32>} : memref<64x1024xf32, #tpu.memory_space<vmem>>, vector<16xf32>,
      %parallel_loop3A_180 = arith.constant 8704 : i32
      %parallel_loop3A_181 = vector.broadcast %parallel_loop3A_180 : i32 to vector<16xi32>
      %parallel_loop3A_182 = arith.addi %parallel_loop3A_9, %parallel_loop3A_181 : vector<16xi32>
      %parallel_loop3A_183 = tpu.vector_load_idx %arg5[%parallel_loop3A_182] : memref<32768xf32, #tpu.memory_space<vmem>>[vector<16xi32>], vector<16xf32>,
      %parallel_loop3A_184 = arith.constant 16 : i32
      %parallel_loop3A_185 = arith.muli %parallel_loop3A_5, %parallel_loop3A_184 : i32
      %parallel_loop3A_186 = arith.constant 17 : i32
      %parallel_loop3A_187 = arith.index_cast %parallel_loop3A_186 : i32 to index
      %parallel_loop3A_188 = arith.index_cast %parallel_loop3A_185 : i32 to index
      %parallel_loop3A_189 = tpu.vector_load %arg7[%parallel_loop3A_187, %parallel_loop3A_188] {strides = array<i32>} : memref<64x1024xf32, #tpu.memory_space<vmem>>, vector<16xf32>,
      tpu.vector_store %arg7[%parallel_loop3A_187, %parallel_loop3A_188], %parallel_loop3A_183 {strides = array<i32>} : memref<64x1024xf32, #tpu.memory_space<vmem>>, vector<16xf32>,
      %parallel_loop3A_190 = arith.constant 9216 : i32
      %parallel_loop3A_191 = vector.broadcast %parallel_loop3A_190 : i32 to vector<16xi32>
      %parallel_loop3A_192 = arith.addi %parallel_loop3A_9, %parallel_loop3A_191 : vector<16xi32>
      %parallel_loop3A_193 = tpu.vector_load_idx %arg5[%parallel_loop3A_192] : memref<32768xf32, #tpu.memory_space<vmem>>[vector<16xi32>], vector<16xf32>,
      %parallel_loop3A_194 = arith.constant 16 : i32
      %parallel_loop3A_195 = arith.muli %parallel_loop3A_5, %parallel_loop3A_194 : i32
      %parallel_loop3A_196 = arith.constant 18 : i32
      %parallel_loop3A_197 = arith.index_cast %parallel_loop3A_196 : i32 to index
      %parallel_loop3A_198 = arith.index_cast %parallel_loop3A_195 : i32 to index
      %parallel_loop3A_199 = tpu.vector_load %arg7[%parallel_loop3A_197, %parallel_loop3A_198] {strides = array<i32>} : memref<64x1024xf32, #tpu.memory_space<vmem>>, vector<16xf32>,
      tpu.vector_store %arg7[%parallel_loop3A_197, %parallel_loop3A_198], %parallel_loop3A_193 {strides = array<i32>} : memref<64x1024xf32, #tpu.memory_space<vmem>>, vector<16xf32>,
      %parallel_loop3A_200 = arith.constant 9728 : i32
      %parallel_loop3A_201 = vector.broadcast %parallel_loop3A_200 : i32 to vector<16xi32>
      %parallel_loop3A_202 = arith.addi %parallel_loop3A_9, %parallel_loop3A_201 : vector<16xi32>
      %parallel_loop3A_203 = tpu.vector_load_idx %arg5[%parallel_loop3A_202] : memref<32768xf32, #tpu.memory_space<vmem>>[vector<16xi32>], vector<16xf32>,
      %parallel_loop3A_204 = arith.constant 16 : i32
      %parallel_loop3A_205 = arith.muli %parallel_loop3A_5, %parallel_loop3A_204 : i32
      %parallel_loop3A_206 = arith.constant 19 : i32
      %parallel_loop3A_207 = arith.index_cast %parallel_loop3A_206 : i32 to index
      %parallel_loop3A_208 = arith.index_cast %parallel_loop3A_205 : i32 to index
      %parallel_loop3A_209 = tpu.vector_load %arg7[%parallel_loop3A_207, %parallel_loop3A_208] {strides = array<i32>} : memref<64x1024xf32, #tpu.memory_space<vmem>>, vector<16xf32>,
      tpu.vector_store %arg7[%parallel_loop3A_207, %parallel_loop3A_208], %parallel_loop3A_203 {strides = array<i32>} : memref<64x1024xf32, #tpu.memory_space<vmem>>, vector<16xf32>,
      %parallel_loop3A_210 = arith.constant 10240 : i32
      %parallel_loop3A_211 = vector.broadcast %parallel_loop3A_210 : i32 to vector<16xi32>
      %parallel_loop3A_212 = arith.addi %parallel_loop3A_9, %parallel_loop3A_211 : vector<16xi32>
      %parallel_loop3A_213 = tpu.vector_load_idx %arg5[%parallel_loop3A_212] : memref<32768xf32, #tpu.memory_space<vmem>>[vector<16xi32>], vector<16xf32>,
      %parallel_loop3A_214 = arith.constant 16 : i32
      %parallel_loop3A_215 = arith.muli %parallel_loop3A_5, %parallel_loop3A_214 : i32
      %parallel_loop3A_216 = arith.constant 20 : i32
      %parallel_loop3A_217 = arith.index_cast %parallel_loop3A_216 : i32 to index
      %parallel_loop3A_218 = arith.index_cast %parallel_loop3A_215 : i32 to index
      %parallel_loop3A_219 = tpu.vector_load %arg7[%parallel_loop3A_217, %parallel_loop3A_218] {strides = array<i32>} : memref<64x1024xf32, #tpu.memory_space<vmem>>, vector<16xf32>,
      tpu.vector_store %arg7[%parallel_loop3A_217, %parallel_loop3A_218], %parallel_loop3A_213 {strides = array<i32>} : memref<64x1024xf32, #tpu.memory_space<vmem>>, vector<16xf32>,
      %parallel_loop3A_220 = arith.constant 10752 : i32
      %parallel_loop3A_221 = vector.broadcast %parallel_loop3A_220 : i32 to vector<16xi32>
      %parallel_loop3A_222 = arith.addi %parallel_loop3A_9, %parallel_loop3A_221 : vector<16xi32>
      %parallel_loop3A_223 = tpu.vector_load_idx %arg5[%parallel_loop3A_222] : memref<32768xf32, #tpu.memory_space<vmem>>[vector<16xi32>], vector<16xf32>,
      %parallel_loop3A_224 = arith.constant 16 : i32
      %parallel_loop3A_225 = arith.muli %parallel_loop3A_5, %parallel_loop3A_224 : i32
      %parallel_loop3A_226 = arith.constant 21 : i32
      %parallel_loop3A_227 = arith.index_cast %parallel_loop3A_226 : i32 to index
      %parallel_loop3A_228 = arith.index_cast %parallel_loop3A_225 : i32 to index
      %parallel_loop3A_229 = tpu.vector_load %arg7[%parallel_loop3A_227, %parallel_loop3A_228] {strides = array<i32>} : memref<64x1024xf32, #tpu.memory_space<vmem>>, vector<16xf32>,
      tpu.vector_store %arg7[%parallel_loop3A_227, %parallel_loop3A_228], %parallel_loop3A_223 {strides = array<i32>} : memref<64x1024xf32, #tpu.memory_space<vmem>>, vector<16xf32>,
      %parallel_loop3A_230 = arith.constant 11264 : i32
      %parallel_loop3A_231 = vector.broadcast %parallel_loop3A_230 : i32 to vector<16xi32>
      %parallel_loop3A_232 = arith.addi %parallel_loop3A_9, %parallel_loop3A_231 : vector<16xi32>
      %parallel_loop3A_233 = tpu.vector_load_idx %arg5[%parallel_loop3A_232] : memref<32768xf32, #tpu.memory_space<vmem>>[vector<16xi32>], vector<16xf32>,
      %parallel_loop3A_234 = arith.constant 16 : i32
      %parallel_loop3A_235 = arith.muli %parallel_loop3A_5, %parallel_loop3A_234 : i32
      %parallel_loop3A_236 = arith.constant 22 : i32
      %parallel_loop3A_237 = arith.index_cast %parallel_loop3A_236 : i32 to index
      %parallel_loop3A_238 = arith.index_cast %parallel_loop3A_235 : i32 to index
      %parallel_loop3A_239 = tpu.vector_load %arg7[%parallel_loop3A_237, %parallel_loop3A_238] {strides = array<i32>} : memref<64x1024xf32, #tpu.memory_space<vmem>>, vector<16xf32>,
      tpu.vector_store %arg7[%parallel_loop3A_237, %parallel_loop3A_238], %parallel_loop3A_233 {strides = array<i32>} : memref<64x1024xf32, #tpu.memory_space<vmem>>, vector<16xf32>,
      %parallel_loop3A_240 = arith.constant 11776 : i32
      %parallel_loop3A_241 = vector.broadcast %parallel_loop3A_240 : i32 to vector<16xi32>
      %parallel_loop3A_242 = arith.addi %parallel_loop3A_9, %parallel_loop3A_241 : vector<16xi32>
      %parallel_loop3A_243 = tpu.vector_load_idx %arg5[%parallel_loop3A_242] : memref<32768xf32, #tpu.memory_space<vmem>>[vector<16xi32>], vector<16xf32>,
      %parallel_loop3A_244 = arith.constant 16 : i32
      %parallel_loop3A_245 = arith.muli %parallel_loop3A_5, %parallel_loop3A_244 : i32
      %parallel_loop3A_246 = arith.constant 23 : i32
      %parallel_loop3A_247 = arith.index_cast %parallel_loop3A_246 : i32 to index
      %parallel_loop3A_248 = arith.index_cast %parallel_loop3A_245 : i32 to index
      %parallel_loop3A_249 = tpu.vector_load %arg7[%parallel_loop3A_247, %parallel_loop3A_248] {strides = array<i32>} : memref<64x1024xf32, #tpu.memory_space<vmem>>, vector<16xf32>,
      tpu.vector_store %arg7[%parallel_loop3A_247, %parallel_loop3A_248], %parallel_loop3A_243 {strides = array<i32>} : memref<64x1024xf32, #tpu.memory_space<vmem>>, vector<16xf32>,
      %parallel_loop3A_250 = arith.constant 12288 : i32
      %parallel_loop3A_251 = vector.broadcast %parallel_loop3A_250 : i32 to vector<16xi32>
      %parallel_loop3A_252 = arith.addi %parallel_loop3A_9, %parallel_loop3A_251 : vector<16xi32>
      %parallel_loop3A_253 = tpu.vector_load_idx %arg5[%parallel_loop3A_252] : memref<32768xf32, #tpu.memory_space<vmem>>[vector<16xi32>], vector<16xf32>,
      %parallel_loop3A_254 = arith.constant 16 : i32
      %parallel_loop3A_255 = arith.muli %parallel_loop3A_5, %parallel_loop3A_254 : i32
      %parallel_loop3A_256 = arith.constant 24 : i32
      %parallel_loop3A_257 = arith.index_cast %parallel_loop3A_256 : i32 to index
      %parallel_loop3A_258 = arith.index_cast %parallel_loop3A_255 : i32 to index
      %parallel_loop3A_259 = tpu.vector_load %arg7[%parallel_loop3A_257, %parallel_loop3A_258] {strides = array<i32>} : memref<64x1024xf32, #tpu.memory_space<vmem>>, vector<16xf32>,
      tpu.vector_store %arg7[%parallel_loop3A_257, %parallel_loop3A_258], %parallel_loop3A_253 {strides = array<i32>} : memref<64x1024xf32, #tpu.memory_space<vmem>>, vector<16xf32>,
      %parallel_loop3A_260 = arith.constant 12800 : i32
      %parallel_loop3A_261 = vector.broadcast %parallel_loop3A_260 : i32 to vector<16xi32>
      %parallel_loop3A_262 = arith.addi %parallel_loop3A_9, %parallel_loop3A_261 : vector<16xi32>
      %parallel_loop3A_263 = tpu.vector_load_idx %arg5[%parallel_loop3A_262] : memref<32768xf32, #tpu.memory_space<vmem>>[vector<16xi32>], vector<16xf32>,
      %parallel_loop3A_264 = arith.constant 16 : i32
      %parallel_loop3A_265 = arith.muli %parallel_loop3A_5, %parallel_loop3A_264 : i32
      %parallel_loop3A_266 = arith.constant 25 : i32
      %parallel_loop3A_267 = arith.index_cast %parallel_loop3A_266 : i32 to index
      %parallel_loop3A_268 = arith.index_cast %parallel_loop3A_265 : i32 to index
      %parallel_loop3A_269 = tpu.vector_load %arg7[%parallel_loop3A_267, %parallel_loop3A_268] {strides = array<i32>} : memref<64x1024xf32, #tpu.memory_space<vmem>>, vector<16xf32>,
      tpu.vector_store %arg7[%parallel_loop3A_267, %parallel_loop3A_268], %parallel_loop3A_263 {strides = array<i32>} : memref<64x1024xf32, #tpu.memory_space<vmem>>, vector<16xf32>,
      %parallel_loop3A_270 = arith.constant 13312 : i32
      %parallel_loop3A_271 = vector.broadcast %parallel_loop3A_270 : i32 to vector<16xi32>
      %parallel_loop3A_272 = arith.addi %parallel_loop3A_9, %parallel_loop3A_271 : vector<16xi32>
      %parallel_loop3A_273 = tpu.vector_load_idx %arg5[%parallel_loop3A_272] : memref<32768xf32, #tpu.memory_space<vmem>>[vector<16xi32>], vector<16xf32>,
      %parallel_loop3A_274 = arith.constant 16 : i32
      %parallel_loop3A_275 = arith.muli %parallel_loop3A_5, %parallel_loop3A_274 : i32
      %parallel_loop3A_276 = arith.constant 26 : i32
      %parallel_loop3A_277 = arith.index_cast %parallel_loop3A_276 : i32 to index
      %parallel_loop3A_278 = arith.index_cast %parallel_loop3A_275 : i32 to index
      %parallel_loop3A_279 = tpu.vector_load %arg7[%parallel_loop3A_277, %parallel_loop3A_278] {strides = array<i32>} : memref<64x1024xf32, #tpu.memory_space<vmem>>, vector<16xf32>,
      tpu.vector_store %arg7[%parallel_loop3A_277, %parallel_loop3A_278], %parallel_loop3A_273 {strides = array<i32>} : memref<64x1024xf32, #tpu.memory_space<vmem>>, vector<16xf32>,
      %parallel_loop3A_280 = arith.constant 13824 : i32
      %parallel_loop3A_281 = vector.broadcast %parallel_loop3A_280 : i32 to vector<16xi32>
      %parallel_loop3A_282 = arith.addi %parallel_loop3A_9, %parallel_loop3A_281 : vector<16xi32>
      %parallel_loop3A_283 = tpu.vector_load_idx %arg5[%parallel_loop3A_282] : memref<32768xf32, #tpu.memory_space<vmem>>[vector<16xi32>], vector<16xf32>,
      %parallel_loop3A_284 = arith.constant 16 : i32
      %parallel_loop3A_285 = arith.muli %parallel_loop3A_5, %parallel_loop3A_284 : i32
      %parallel_loop3A_286 = arith.constant 27 : i32
      %parallel_loop3A_287 = arith.index_cast %parallel_loop3A_286 : i32 to index
      %parallel_loop3A_288 = arith.index_cast %parallel_loop3A_285 : i32 to index
      %parallel_loop3A_289 = tpu.vector_load %arg7[%parallel_loop3A_287, %parallel_loop3A_288] {strides = array<i32>} : memref<64x1024xf32, #tpu.memory_space<vmem>>, vector<16xf32>,
      tpu.vector_store %arg7[%parallel_loop3A_287, %parallel_loop3A_288], %parallel_loop3A_283 {strides = array<i32>} : memref<64x1024xf32, #tpu.memory_space<vmem>>, vector<16xf32>,
      %parallel_loop3A_290 = arith.constant 14336 : i32
      %parallel_loop3A_291 = vector.broadcast %parallel_loop3A_290 : i32 to vector<16xi32>
      %parallel_loop3A_292 = arith.addi %parallel_loop3A_9, %parallel_loop3A_291 : vector<16xi32>
      %parallel_loop3A_293 = tpu.vector_load_idx %arg5[%parallel_loop3A_292] : memref<32768xf32, #tpu.memory_space<vmem>>[vector<16xi32>], vector<16xf32>,
      %parallel_loop3A_294 = arith.constant 16 : i32
      %parallel_loop3A_295 = arith.muli %parallel_loop3A_5, %parallel_loop3A_294 : i32
      %parallel_loop3A_296 = arith.constant 28 : i32
      %parallel_loop3A_297 = arith.index_cast %parallel_loop3A_296 : i32 to index
      %parallel_loop3A_298 = arith.index_cast %parallel_loop3A_295 : i32 to index
      %parallel_loop3A_299 = tpu.vector_load %arg7[%parallel_loop3A_297, %parallel_loop3A_298] {strides = array<i32>} : memref<64x1024xf32, #tpu.memory_space<vmem>>, vector<16xf32>,
      tpu.vector_store %arg7[%parallel_loop3A_297, %parallel_loop3A_298], %parallel_loop3A_293 {strides = array<i32>} : memref<64x1024xf32, #tpu.memory_space<vmem>>, vector<16xf32>,
      %parallel_loop3A_300 = arith.constant 14848 : i32
      %parallel_loop3A_301 = vector.broadcast %parallel_loop3A_300 : i32 to vector<16xi32>
      %parallel_loop3A_302 = arith.addi %parallel_loop3A_9, %parallel_loop3A_301 : vector<16xi32>
      %parallel_loop3A_303 = tpu.vector_load_idx %arg5[%parallel_loop3A_302] : memref<32768xf32, #tpu.memory_space<vmem>>[vector<16xi32>], vector<16xf32>,
      %parallel_loop3A_304 = arith.constant 16 : i32
      %parallel_loop3A_305 = arith.muli %parallel_loop3A_5, %parallel_loop3A_304 : i32
      %parallel_loop3A_306 = arith.constant 29 : i32
      %parallel_loop3A_307 = arith.index_cast %parallel_loop3A_306 : i32 to index
      %parallel_loop3A_308 = arith.index_cast %parallel_loop3A_305 : i32 to index
      %parallel_loop3A_309 = tpu.vector_load %arg7[%parallel_loop3A_307, %parallel_loop3A_308] {strides = array<i32>} : memref<64x1024xf32, #tpu.memory_space<vmem>>, vector<16xf32>,
      tpu.vector_store %arg7[%parallel_loop3A_307, %parallel_loop3A_308], %parallel_loop3A_303 {strides = array<i32>} : memref<64x1024xf32, #tpu.memory_space<vmem>>, vector<16xf32>,
      %parallel_loop3A_310 = arith.constant 15360 : i32
      %parallel_loop3A_311 = vector.broadcast %parallel_loop3A_310 : i32 to vector<16xi32>
      %parallel_loop3A_312 = arith.addi %parallel_loop3A_9, %parallel_loop3A_311 : vector<16xi32>
      %parallel_loop3A_313 = tpu.vector_load_idx %arg5[%parallel_loop3A_312] : memref<32768xf32, #tpu.memory_space<vmem>>[vector<16xi32>], vector<16xf32>,
      %parallel_loop3A_314 = arith.constant 16 : i32
      %parallel_loop3A_315 = arith.muli %parallel_loop3A_5, %parallel_loop3A_314 : i32
      %parallel_loop3A_316 = arith.constant 30 : i32
      %parallel_loop3A_317 = arith.index_cast %parallel_loop3A_316 : i32 to index
      %parallel_loop3A_318 = arith.index_cast %parallel_loop3A_315 : i32 to index
      %parallel_loop3A_319 = tpu.vector_load %arg7[%parallel_loop3A_317, %parallel_loop3A_318] {strides = array<i32>} : memref<64x1024xf32, #tpu.memory_space<vmem>>, vector<16xf32>,
      tpu.vector_store %arg7[%parallel_loop3A_317, %parallel_loop3A_318], %parallel_loop3A_313 {strides = array<i32>} : memref<64x1024xf32, #tpu.memory_space<vmem>>, vector<16xf32>,
      %parallel_loop3A_320 = arith.constant 15872 : i32
      %parallel_loop3A_321 = vector.broadcast %parallel_loop3A_320 : i32 to vector<16xi32>
      %parallel_loop3A_322 = arith.addi %parallel_loop3A_9, %parallel_loop3A_321 : vector<16xi32>
      %parallel_loop3A_323 = tpu.vector_load_idx %arg5[%parallel_loop3A_322] : memref<32768xf32, #tpu.memory_space<vmem>>[vector<16xi32>], vector<16xf32>,
      %parallel_loop3A_324 = arith.constant 16 : i32
      %parallel_loop3A_325 = arith.muli %parallel_loop3A_5, %parallel_loop3A_324 : i32
      %parallel_loop3A_326 = arith.constant 31 : i32
      %parallel_loop3A_327 = arith.index_cast %parallel_loop3A_326 : i32 to index
      %parallel_loop3A_328 = arith.index_cast %parallel_loop3A_325 : i32 to index
      %parallel_loop3A_329 = tpu.vector_load %arg7[%parallel_loop3A_327, %parallel_loop3A_328] {strides = array<i32>} : memref<64x1024xf32, #tpu.memory_space<vmem>>, vector<16xf32>,
      tpu.vector_store %arg7[%parallel_loop3A_327, %parallel_loop3A_328], %parallel_loop3A_323 {strides = array<i32>} : memref<64x1024xf32, #tpu.memory_space<vmem>>, vector<16xf32>,
      %parallel_loop3A_330 = arith.constant 16384 : i32
      %parallel_loop3A_331 = vector.broadcast %parallel_loop3A_330 : i32 to vector<16xi32>
      %parallel_loop3A_332 = arith.addi %parallel_loop3A_9, %parallel_loop3A_331 : vector<16xi32>
      %parallel_loop3A_333 = tpu.vector_load_idx %arg5[%parallel_loop3A_332] : memref<32768xf32, #tpu.memory_space<vmem>>[vector<16xi32>], vector<16xf32>,
      %parallel_loop3A_334 = arith.constant 16 : i32
      %parallel_loop3A_335 = arith.muli %parallel_loop3A_5, %parallel_loop3A_334 : i32
      %parallel_loop3A_336 = arith.constant 32 : i32
      %parallel_loop3A_337 = arith.index_cast %parallel_loop3A_336 : i32 to index
      %parallel_loop3A_338 = arith.index_cast %parallel_loop3A_335 : i32 to index
      %parallel_loop3A_339 = tpu.vector_load %arg7[%parallel_loop3A_337, %parallel_loop3A_338] {strides = array<i32>} : memref<64x1024xf32, #tpu.memory_space<vmem>>, vector<16xf32>,
      tpu.vector_store %arg7[%parallel_loop3A_337, %parallel_loop3A_338], %parallel_loop3A_333 {strides = array<i32>} : memref<64x1024xf32, #tpu.memory_space<vmem>>, vector<16xf32>,
      %parallel_loop3A_340 = arith.constant 16896 : i32
      %parallel_loop3A_341 = vector.broadcast %parallel_loop3A_340 : i32 to vector<16xi32>
      %parallel_loop3A_342 = arith.addi %parallel_loop3A_9, %parallel_loop3A_341 : vector<16xi32>
      %parallel_loop3A_343 = tpu.vector_load_idx %arg5[%parallel_loop3A_342] : memref<32768xf32, #tpu.memory_space<vmem>>[vector<16xi32>], vector<16xf32>,
      %parallel_loop3A_344 = arith.constant 16 : i32
      %parallel_loop3A_345 = arith.muli %parallel_loop3A_5, %parallel_loop3A_344 : i32
      %parallel_loop3A_346 = arith.constant 33 : i32
      %parallel_loop3A_347 = arith.index_cast %parallel_loop3A_346 : i32 to index
      %parallel_loop3A_348 = arith.index_cast %parallel_loop3A_345 : i32 to index
      %parallel_loop3A_349 = tpu.vector_load %arg7[%parallel_loop3A_347, %parallel_loop3A_348] {strides = array<i32>} : memref<64x1024xf32, #tpu.memory_space<vmem>>, vector<16xf32>,
      tpu.vector_store %arg7[%parallel_loop3A_347, %parallel_loop3A_348], %parallel_loop3A_343 {strides = array<i32>} : memref<64x1024xf32, #tpu.memory_space<vmem>>, vector<16xf32>,
      %parallel_loop3A_350 = arith.constant 17408 : i32
      %parallel_loop3A_351 = vector.broadcast %parallel_loop3A_350 : i32 to vector<16xi32>
      %parallel_loop3A_352 = arith.addi %parallel_loop3A_9, %parallel_loop3A_351 : vector<16xi32>
      %parallel_loop3A_353 = tpu.vector_load_idx %arg5[%parallel_loop3A_352] : memref<32768xf32, #tpu.memory_space<vmem>>[vector<16xi32>], vector<16xf32>,
      %parallel_loop3A_354 = arith.constant 16 : i32
      %parallel_loop3A_355 = arith.muli %parallel_loop3A_5, %parallel_loop3A_354 : i32
      %parallel_loop3A_356 = arith.constant 34 : i32
      %parallel_loop3A_357 = arith.index_cast %parallel_loop3A_356 : i32 to index
      %parallel_loop3A_358 = arith.index_cast %parallel_loop3A_355 : i32 to index
      %parallel_loop3A_359 = tpu.vector_load %arg7[%parallel_loop3A_357, %parallel_loop3A_358] {strides = array<i32>} : memref<64x1024xf32, #tpu.memory_space<vmem>>, vector<16xf32>,
      tpu.vector_store %arg7[%parallel_loop3A_357, %parallel_loop3A_358], %parallel_loop3A_353 {strides = array<i32>} : memref<64x1024xf32, #tpu.memory_space<vmem>>, vector<16xf32>,
      %parallel_loop3A_360 = arith.constant 17920 : i32
      %parallel_loop3A_361 = vector.broadcast %parallel_loop3A_360 : i32 to vector<16xi32>
      %parallel_loop3A_362 = arith.addi %parallel_loop3A_9, %parallel_loop3A_361 : vector<16xi32>
      %parallel_loop3A_363 = tpu.vector_load_idx %arg5[%parallel_loop3A_362] : memref<32768xf32, #tpu.memory_space<vmem>>[vector<16xi32>], vector<16xf32>,
      %parallel_loop3A_364 = arith.constant 16 : i32
      %parallel_loop3A_365 = arith.muli %parallel_loop3A_5, %parallel_loop3A_364 : i32
      %parallel_loop3A_366 = arith.constant 35 : i32
      %parallel_loop3A_367 = arith.index_cast %parallel_loop3A_366 : i32 to index
      %parallel_loop3A_368 = arith.index_cast %parallel_loop3A_365 : i32 to index
      %parallel_loop3A_369 = tpu.vector_load %arg7[%parallel_loop3A_367, %parallel_loop3A_368] {strides = array<i32>} : memref<64x1024xf32, #tpu.memory_space<vmem>>, vector<16xf32>,
      tpu.vector_store %arg7[%parallel_loop3A_367, %parallel_loop3A_368], %parallel_loop3A_363 {strides = array<i32>} : memref<64x1024xf32, #tpu.memory_space<vmem>>, vector<16xf32>,
      %parallel_loop3A_370 = arith.constant 18432 : i32
      %parallel_loop3A_371 = vector.broadcast %parallel_loop3A_370 : i32 to vector<16xi32>
      %parallel_loop3A_372 = arith.addi %parallel_loop3A_9, %parallel_loop3A_371 : vector<16xi32>
      %parallel_loop3A_373 = tpu.vector_load_idx %arg5[%parallel_loop3A_372] : memref<32768xf32, #tpu.memory_space<vmem>>[vector<16xi32>], vector<16xf32>,
      %parallel_loop3A_374 = arith.constant 16 : i32
      %parallel_loop3A_375 = arith.muli %parallel_loop3A_5, %parallel_loop3A_374 : i32
      %parallel_loop3A_376 = arith.constant 36 : i32
      %parallel_loop3A_377 = arith.index_cast %parallel_loop3A_376 : i32 to index
      %parallel_loop3A_378 = arith.index_cast %parallel_loop3A_375 : i32 to index
      %parallel_loop3A_379 = tpu.vector_load %arg7[%parallel_loop3A_377, %parallel_loop3A_378] {strides = array<i32>} : memref<64x1024xf32, #tpu.memory_space<vmem>>, vector<16xf32>,
      tpu.vector_store %arg7[%parallel_loop3A_377, %parallel_loop3A_378], %parallel_loop3A_373 {strides = array<i32>} : memref<64x1024xf32, #tpu.memory_space<vmem>>, vector<16xf32>,
      %parallel_loop3A_380 = arith.constant 18944 : i32
      %parallel_loop3A_381 = vector.broadcast %parallel_loop3A_380 : i32 to vector<16xi32>
      %parallel_loop3A_382 = arith.addi %parallel_loop3A_9, %parallel_loop3A_381 : vector<16xi32>
      %parallel_loop3A_383 = tpu.vector_load_idx %arg5[%parallel_loop3A_382] : memref<32768xf32, #tpu.memory_space<vmem>>[vector<16xi32>], vector<16xf32>,
      %parallel_loop3A_384 = arith.constant 16 : i32
      %parallel_loop3A_385 = arith.muli %parallel_loop3A_5, %parallel_loop3A_384 : i32
      %parallel_loop3A_386 = arith.constant 37 : i32
      %parallel_loop3A_387 = arith.index_cast %parallel_loop3A_386 : i32 to index
      %parallel_loop3A_388 = arith.index_cast %parallel_loop3A_385 : i32 to index
      %parallel_loop3A_389 = tpu.vector_load %arg7[%parallel_loop3A_387, %parallel_loop3A_388] {strides = array<i32>} : memref<64x1024xf32, #tpu.memory_space<vmem>>, vector<16xf32>,
      tpu.vector_store %arg7[%parallel_loop3A_387, %parallel_loop3A_388], %parallel_loop3A_383 {strides = array<i32>} : memref<64x1024xf32, #tpu.memory_space<vmem>>, vector<16xf32>,
      %parallel_loop3A_390 = arith.constant 19456 : i32
      %parallel_loop3A_391 = vector.broadcast %parallel_loop3A_390 : i32 to vector<16xi32>
      %parallel_loop3A_392 = arith.addi %parallel_loop3A_9, %parallel_loop3A_391 : vector<16xi32>
      %parallel_loop3A_393 = tpu.vector_load_idx %arg5[%parallel_loop3A_392] : memref<32768xf32, #tpu.memory_space<vmem>>[vector<16xi32>], vector<16xf32>,
      %parallel_loop3A_394 = arith.constant 16 : i32
      %parallel_loop3A_395 = arith.muli %parallel_loop3A_5, %parallel_loop3A_394 : i32
      %parallel_loop3A_396 = arith.constant 38 : i32
      %parallel_loop3A_397 = arith.index_cast %parallel_loop3A_396 : i32 to index
      %parallel_loop3A_398 = arith.index_cast %parallel_loop3A_395 : i32 to index
      %parallel_loop3A_399 = tpu.vector_load %arg7[%parallel_loop3A_397, %parallel_loop3A_398] {strides = array<i32>} : memref<64x1024xf32, #tpu.memory_space<vmem>>, vector<16xf32>,
      tpu.vector_store %arg7[%parallel_loop3A_397, %parallel_loop3A_398], %parallel_loop3A_393 {strides = array<i32>} : memref<64x1024xf32, #tpu.memory_space<vmem>>, vector<16xf32>,
      %parallel_loop3A_400 = arith.constant 19968 : i32
      %parallel_loop3A_401 = vector.broadcast %parallel_loop3A_400 : i32 to vector<16xi32>
      %parallel_loop3A_402 = arith.addi %parallel_loop3A_9, %parallel_loop3A_401 : vector<16xi32>
      %parallel_loop3A_403 = tpu.vector_load_idx %arg5[%parallel_loop3A_402] : memref<32768xf32, #tpu.memory_space<vmem>>[vector<16xi32>], vector<16xf32>,
      %parallel_loop3A_404 = arith.constant 16 : i32
      %parallel_loop3A_405 = arith.muli %parallel_loop3A_5, %parallel_loop3A_404 : i32
      %parallel_loop3A_406 = arith.constant 39 : i32
      %parallel_loop3A_407 = arith.index_cast %parallel_loop3A_406 : i32 to index
      %parallel_loop3A_408 = arith.index_cast %parallel_loop3A_405 : i32 to index
      %parallel_loop3A_409 = tpu.vector_load %arg7[%parallel_loop3A_407, %parallel_loop3A_408] {strides = array<i32>} : memref<64x1024xf32, #tpu.memory_space<vmem>>, vector<16xf32>,
      tpu.vector_store %arg7[%parallel_loop3A_407, %parallel_loop3A_408], %parallel_loop3A_403 {strides = array<i32>} : memref<64x1024xf32, #tpu.memory_space<vmem>>, vector<16xf32>,
      %parallel_loop3A_410 = arith.constant 20480 : i32
      %parallel_loop3A_411 = vector.broadcast %parallel_loop3A_410 : i32 to vector<16xi32>
      %parallel_loop3A_412 = arith.addi %parallel_loop3A_9, %parallel_loop3A_411 : vector<16xi32>
      %parallel_loop3A_413 = tpu.vector_load_idx %arg5[%parallel_loop3A_412] : memref<32768xf32, #tpu.memory_space<vmem>>[vector<16xi32>], vector<16xf32>,
      %parallel_loop3A_414 = arith.constant 16 : i32
      %parallel_loop3A_415 = arith.muli %parallel_loop3A_5, %parallel_loop3A_414 : i32
      %parallel_loop3A_416 = arith.constant 40 : i32
      %parallel_loop3A_417 = arith.index_cast %parallel_loop3A_416 : i32 to index
      %parallel_loop3A_418 = arith.index_cast %parallel_loop3A_415 : i32 to index
      %parallel_loop3A_419 = tpu.vector_load %arg7[%parallel_loop3A_417, %parallel_loop3A_418] {strides = array<i32>} : memref<64x1024xf32, #tpu.memory_space<vmem>>, vector<16xf32>,
      tpu.vector_store %arg7[%parallel_loop3A_417, %parallel_loop3A_418], %parallel_loop3A_413 {strides = array<i32>} : memref<64x1024xf32, #tpu.memory_space<vmem>>, vector<16xf32>,
      %parallel_loop3A_420 = arith.constant 20992 : i32
      %parallel_loop3A_421 = vector.broadcast %parallel_loop3A_420 : i32 to vector<16xi32>
      %parallel_loop3A_422 = arith.addi %parallel_loop3A_9, %parallel_loop3A_421 : vector<16xi32>
      %parallel_loop3A_423 = tpu.vector_load_idx %arg5[%parallel_loop3A_422] : memref<32768xf32, #tpu.memory_space<vmem>>[vector<16xi32>], vector<16xf32>,
      %parallel_loop3A_424 = arith.constant 16 : i32
      %parallel_loop3A_425 = arith.muli %parallel_loop3A_5, %parallel_loop3A_424 : i32
      %parallel_loop3A_426 = arith.constant 41 : i32
      %parallel_loop3A_427 = arith.index_cast %parallel_loop3A_426 : i32 to index
      %parallel_loop3A_428 = arith.index_cast %parallel_loop3A_425 : i32 to index
      %parallel_loop3A_429 = tpu.vector_load %arg7[%parallel_loop3A_427, %parallel_loop3A_428] {strides = array<i32>} : memref<64x1024xf32, #tpu.memory_space<vmem>>, vector<16xf32>,
      tpu.vector_store %arg7[%parallel_loop3A_427, %parallel_loop3A_428], %parallel_loop3A_423 {strides = array<i32>} : memref<64x1024xf32, #tpu.memory_space<vmem>>, vector<16xf32>,
      %parallel_loop3A_430 = arith.constant 21504 : i32
      %parallel_loop3A_431 = vector.broadcast %parallel_loop3A_430 : i32 to vector<16xi32>
      %parallel_loop3A_432 = arith.addi %parallel_loop3A_9, %parallel_loop3A_431 : vector<16xi32>
      %parallel_loop3A_433 = tpu.vector_load_idx %arg5[%parallel_loop3A_432] : memref<32768xf32, #tpu.memory_space<vmem>>[vector<16xi32>], vector<16xf32>,
      %parallel_loop3A_434 = arith.constant 16 : i32
      %parallel_loop3A_435 = arith.muli %parallel_loop3A_5, %parallel_loop3A_434 : i32
      %parallel_loop3A_436 = arith.constant 42 : i32
      %parallel_loop3A_437 = arith.index_cast %parallel_loop3A_436 : i32 to index
      %parallel_loop3A_438 = arith.index_cast %parallel_loop3A_435 : i32 to index
      %parallel_loop3A_439 = tpu.vector_load %arg7[%parallel_loop3A_437, %parallel_loop3A_438] {strides = array<i32>} : memref<64x1024xf32, #tpu.memory_space<vmem>>, vector<16xf32>,
      tpu.vector_store %arg7[%parallel_loop3A_437, %parallel_loop3A_438], %parallel_loop3A_433 {strides = array<i32>} : memref<64x1024xf32, #tpu.memory_space<vmem>>, vector<16xf32>,
      %parallel_loop3A_440 = arith.constant 22016 : i32
      %parallel_loop3A_441 = vector.broadcast %parallel_loop3A_440 : i32 to vector<16xi32>
      %parallel_loop3A_442 = arith.addi %parallel_loop3A_9, %parallel_loop3A_441 : vector<16xi32>
      %parallel_loop3A_443 = tpu.vector_load_idx %arg5[%parallel_loop3A_442] : memref<32768xf32, #tpu.memory_space<vmem>>[vector<16xi32>], vector<16xf32>,
      %parallel_loop3A_444 = arith.constant 16 : i32
      %parallel_loop3A_445 = arith.muli %parallel_loop3A_5, %parallel_loop3A_444 : i32
      %parallel_loop3A_446 = arith.constant 43 : i32
      %parallel_loop3A_447 = arith.index_cast %parallel_loop3A_446 : i32 to index
      %parallel_loop3A_448 = arith.index_cast %parallel_loop3A_445 : i32 to index
      %parallel_loop3A_449 = tpu.vector_load %arg7[%parallel_loop3A_447, %parallel_loop3A_448] {strides = array<i32>} : memref<64x1024xf32, #tpu.memory_space<vmem>>, vector<16xf32>,
      tpu.vector_store %arg7[%parallel_loop3A_447, %parallel_loop3A_448], %parallel_loop3A_443 {strides = array<i32>} : memref<64x1024xf32, #tpu.memory_space<vmem>>, vector<16xf32>,
      %parallel_loop3A_450 = arith.constant 22528 : i32
      %parallel_loop3A_451 = vector.broadcast %parallel_loop3A_450 : i32 to vector<16xi32>
      %parallel_loop3A_452 = arith.addi %parallel_loop3A_9, %parallel_loop3A_451 : vector<16xi32>
      %parallel_loop3A_453 = tpu.vector_load_idx %arg5[%parallel_loop3A_452] : memref<32768xf32, #tpu.memory_space<vmem>>[vector<16xi32>], vector<16xf32>,
      %parallel_loop3A_454 = arith.constant 16 : i32
      %parallel_loop3A_455 = arith.muli %parallel_loop3A_5, %parallel_loop3A_454 : i32
      %parallel_loop3A_456 = arith.constant 44 : i32
      %parallel_loop3A_457 = arith.index_cast %parallel_loop3A_456 : i32 to index
      %parallel_loop3A_458 = arith.index_cast %parallel_loop3A_455 : i32 to index
      %parallel_loop3A_459 = tpu.vector_load %arg7[%parallel_loop3A_457, %parallel_loop3A_458] {strides = array<i32>} : memref<64x1024xf32, #tpu.memory_space<vmem>>, vector<16xf32>,
      tpu.vector_store %arg7[%parallel_loop3A_457, %parallel_loop3A_458], %parallel_loop3A_453 {strides = array<i32>} : memref<64x1024xf32, #tpu.memory_space<vmem>>, vector<16xf32>,
      %parallel_loop3A_460 = arith.constant 23040 : i32
      %parallel_loop3A_461 = vector.broadcast %parallel_loop3A_460 : i32 to vector<16xi32>
      %parallel_loop3A_462 = arith.addi %parallel_loop3A_9, %parallel_loop3A_461 : vector<16xi32>
      %parallel_loop3A_463 = tpu.vector_load_idx %arg5[%parallel_loop3A_462] : memref<32768xf32, #tpu.memory_space<vmem>>[vector<16xi32>], vector<16xf32>,
      %parallel_loop3A_464 = arith.constant 16 : i32
      %parallel_loop3A_465 = arith.muli %parallel_loop3A_5, %parallel_loop3A_464 : i32
      %parallel_loop3A_466 = arith.constant 45 : i32
      %parallel_loop3A_467 = arith.index_cast %parallel_loop3A_466 : i32 to index
      %parallel_loop3A_468 = arith.index_cast %parallel_loop3A_465 : i32 to index
      %parallel_loop3A_469 = tpu.vector_load %arg7[%parallel_loop3A_467, %parallel_loop3A_468] {strides = array<i32>} : memref<64x1024xf32, #tpu.memory_space<vmem>>, vector<16xf32>,
      tpu.vector_store %arg7[%parallel_loop3A_467, %parallel_loop3A_468], %parallel_loop3A_463 {strides = array<i32>} : memref<64x1024xf32, #tpu.memory_space<vmem>>, vector<16xf32>,
      %parallel_loop3A_470 = arith.constant 23552 : i32
      %parallel_loop3A_471 = vector.broadcast %parallel_loop3A_470 : i32 to vector<16xi32>
      %parallel_loop3A_472 = arith.addi %parallel_loop3A_9, %parallel_loop3A_471 : vector<16xi32>
      %parallel_loop3A_473 = tpu.vector_load_idx %arg5[%parallel_loop3A_472] : memref<32768xf32, #tpu.memory_space<vmem>>[vector<16xi32>], vector<16xf32>,
      %parallel_loop3A_474 = arith.constant 16 : i32
      %parallel_loop3A_475 = arith.muli %parallel_loop3A_5, %parallel_loop3A_474 : i32
      %parallel_loop3A_476 = arith.constant 46 : i32
      %parallel_loop3A_477 = arith.index_cast %parallel_loop3A_476 : i32 to index
      %parallel_loop3A_478 = arith.index_cast %parallel_loop3A_475 : i32 to index
      %parallel_loop3A_479 = tpu.vector_load %arg7[%parallel_loop3A_477, %parallel_loop3A_478] {strides = array<i32>} : memref<64x1024xf32, #tpu.memory_space<vmem>>, vector<16xf32>,
      tpu.vector_store %arg7[%parallel_loop3A_477, %parallel_loop3A_478], %parallel_loop3A_473 {strides = array<i32>} : memref<64x1024xf32, #tpu.memory_space<vmem>>, vector<16xf32>,
      %parallel_loop3A_480 = arith.constant 24064 : i32
      %parallel_loop3A_481 = vector.broadcast %parallel_loop3A_480 : i32 to vector<16xi32>
      %parallel_loop3A_482 = arith.addi %parallel_loop3A_9, %parallel_loop3A_481 : vector<16xi32>
      %parallel_loop3A_483 = tpu.vector_load_idx %arg5[%parallel_loop3A_482] : memref<32768xf32, #tpu.memory_space<vmem>>[vector<16xi32>], vector<16xf32>,
      %parallel_loop3A_484 = arith.constant 16 : i32
      %parallel_loop3A_485 = arith.muli %parallel_loop3A_5, %parallel_loop3A_484 : i32
      %parallel_loop3A_486 = arith.constant 47 : i32
      %parallel_loop3A_487 = arith.index_cast %parallel_loop3A_486 : i32 to index
      %parallel_loop3A_488 = arith.index_cast %parallel_loop3A_485 : i32 to index
      %parallel_loop3A_489 = tpu.vector_load %arg7[%parallel_loop3A_487, %parallel_loop3A_488] {strides = array<i32>} : memref<64x1024xf32, #tpu.memory_space<vmem>>, vector<16xf32>,
      tpu.vector_store %arg7[%parallel_loop3A_487, %parallel_loop3A_488], %parallel_loop3A_483 {strides = array<i32>} : memref<64x1024xf32, #tpu.memory_space<vmem>>, vector<16xf32>,
      %parallel_loop3A_490 = arith.constant 24576 : i32
      %parallel_loop3A_491 = vector.broadcast %parallel_loop3A_490 : i32 to vector<16xi32>
      %parallel_loop3A_492 = arith.addi %parallel_loop3A_9, %parallel_loop3A_491 : vector<16xi32>
      %parallel_loop3A_493 = tpu.vector_load_idx %arg5[%parallel_loop3A_492] : memref<32768xf32, #tpu.memory_space<vmem>>[vector<16xi32>], vector<16xf32>,
      %parallel_loop3A_494 = arith.constant 16 : i32
      %parallel_loop3A_495 = arith.muli %parallel_loop3A_5, %parallel_loop3A_494 : i32
      %parallel_loop3A_496 = arith.constant 48 : i32
      %parallel_loop3A_497 = arith.index_cast %parallel_loop3A_496 : i32 to index
      %parallel_loop3A_498 = arith.index_cast %parallel_loop3A_495 : i32 to index
      %parallel_loop3A_499 = tpu.vector_load %arg7[%parallel_loop3A_497, %parallel_loop3A_498] {strides = array<i32>} : memref<64x1024xf32, #tpu.memory_space<vmem>>, vector<16xf32>,
      tpu.vector_store %arg7[%parallel_loop3A_497, %parallel_loop3A_498], %parallel_loop3A_493 {strides = array<i32>} : memref<64x1024xf32, #tpu.memory_space<vmem>>, vector<16xf32>,
      %parallel_loop3A_500 = arith.constant 25088 : i32
      %parallel_loop3A_501 = vector.broadcast %parallel_loop3A_500 : i32 to vector<16xi32>
      %parallel_loop3A_502 = arith.addi %parallel_loop3A_9, %parallel_loop3A_501 : vector<16xi32>
      %parallel_loop3A_503 = tpu.vector_load_idx %arg5[%parallel_loop3A_502] : memref<32768xf32, #tpu.memory_space<vmem>>[vector<16xi32>], vector<16xf32>,
      %parallel_loop3A_504 = arith.constant 16 : i32
      %parallel_loop3A_505 = arith.muli %parallel_loop3A_5, %parallel_loop3A_504 : i32
      %parallel_loop3A_506 = arith.constant 49 : i32
      %parallel_loop3A_507 = arith.index_cast %parallel_loop3A_506 : i32 to index
      %parallel_loop3A_508 = arith.index_cast %parallel_loop3A_505 : i32 to index
      %parallel_loop3A_509 = tpu.vector_load %arg7[%parallel_loop3A_507, %parallel_loop3A_508] {strides = array<i32>} : memref<64x1024xf32, #tpu.memory_space<vmem>>, vector<16xf32>,
      tpu.vector_store %arg7[%parallel_loop3A_507, %parallel_loop3A_508], %parallel_loop3A_503 {strides = array<i32>} : memref<64x1024xf32, #tpu.memory_space<vmem>>, vector<16xf32>,
      %parallel_loop3A_510 = arith.constant 25600 : i32
      %parallel_loop3A_511 = vector.broadcast %parallel_loop3A_510 : i32 to vector<16xi32>
      %parallel_loop3A_512 = arith.addi %parallel_loop3A_9, %parallel_loop3A_511 : vector<16xi32>
      %parallel_loop3A_513 = tpu.vector_load_idx %arg5[%parallel_loop3A_512] : memref<32768xf32, #tpu.memory_space<vmem>>[vector<16xi32>], vector<16xf32>,
      %parallel_loop3A_514 = arith.constant 16 : i32
      %parallel_loop3A_515 = arith.muli %parallel_loop3A_5, %parallel_loop3A_514 : i32
      %parallel_loop3A_516 = arith.constant 50 : i32
      %parallel_loop3A_517 = arith.index_cast %parallel_loop3A_516 : i32 to index
      %parallel_loop3A_518 = arith.index_cast %parallel_loop3A_515 : i32 to index
      %parallel_loop3A_519 = tpu.vector_load %arg7[%parallel_loop3A_517, %parallel_loop3A_518] {strides = array<i32>} : memref<64x1024xf32, #tpu.memory_space<vmem>>, vector<16xf32>,
      tpu.vector_store %arg7[%parallel_loop3A_517, %parallel_loop3A_518], %parallel_loop3A_513 {strides = array<i32>} : memref<64x1024xf32, #tpu.memory_space<vmem>>, vector<16xf32>,
      %parallel_loop3A_520 = arith.constant 26112 : i32
      %parallel_loop3A_521 = vector.broadcast %parallel_loop3A_520 : i32 to vector<16xi32>
      %parallel_loop3A_522 = arith.addi %parallel_loop3A_9, %parallel_loop3A_521 : vector<16xi32>
      %parallel_loop3A_523 = tpu.vector_load_idx %arg5[%parallel_loop3A_522] : memref<32768xf32, #tpu.memory_space<vmem>>[vector<16xi32>], vector<16xf32>,
      %parallel_loop3A_524 = arith.constant 16 : i32
      %parallel_loop3A_525 = arith.muli %parallel_loop3A_5, %parallel_loop3A_524 : i32
      %parallel_loop3A_526 = arith.constant 51 : i32
      %parallel_loop3A_527 = arith.index_cast %parallel_loop3A_526 : i32 to index
      %parallel_loop3A_528 = arith.index_cast %parallel_loop3A_525 : i32 to index
      %parallel_loop3A_529 = tpu.vector_load %arg7[%parallel_loop3A_527, %parallel_loop3A_528] {strides = array<i32>} : memref<64x1024xf32, #tpu.memory_space<vmem>>, vector<16xf32>,
      tpu.vector_store %arg7[%parallel_loop3A_527, %parallel_loop3A_528], %parallel_loop3A_523 {strides = array<i32>} : memref<64x1024xf32, #tpu.memory_space<vmem>>, vector<16xf32>,
      %parallel_loop3A_530 = arith.constant 26624 : i32
      %parallel_loop3A_531 = vector.broadcast %parallel_loop3A_530 : i32 to vector<16xi32>
      %parallel_loop3A_532 = arith.addi %parallel_loop3A_9, %parallel_loop3A_531 : vector<16xi32>
      %parallel_loop3A_533 = tpu.vector_load_idx %arg5[%parallel_loop3A_532] : memref<32768xf32, #tpu.memory_space<vmem>>[vector<16xi32>], vector<16xf32>,
      %parallel_loop3A_534 = arith.constant 16 : i32
      %parallel_loop3A_535 = arith.muli %parallel_loop3A_5, %parallel_loop3A_534 : i32
      %parallel_loop3A_536 = arith.constant 52 : i32
      %parallel_loop3A_537 = arith.index_cast %parallel_loop3A_536 : i32 to index
      %parallel_loop3A_538 = arith.index_cast %parallel_loop3A_535 : i32 to index
      %parallel_loop3A_539 = tpu.vector_load %arg7[%parallel_loop3A_537, %parallel_loop3A_538] {strides = array<i32>} : memref<64x1024xf32, #tpu.memory_space<vmem>>, vector<16xf32>,
      tpu.vector_store %arg7[%parallel_loop3A_537, %parallel_loop3A_538], %parallel_loop3A_533 {strides = array<i32>} : memref<64x1024xf32, #tpu.memory_space<vmem>>, vector<16xf32>,
      %parallel_loop3A_540 = arith.constant 27136 : i32
      %parallel_loop3A_541 = vector.broadcast %parallel_loop3A_540 : i32 to vector<16xi32>
      %parallel_loop3A_542 = arith.addi %parallel_loop3A_9, %parallel_loop3A_541 : vector<16xi32>
      %parallel_loop3A_543 = tpu.vector_load_idx %arg5[%parallel_loop3A_542] : memref<32768xf32, #tpu.memory_space<vmem>>[vector<16xi32>], vector<16xf32>,
      %parallel_loop3A_544 = arith.constant 16 : i32
      %parallel_loop3A_545 = arith.muli %parallel_loop3A_5, %parallel_loop3A_544 : i32
      %parallel_loop3A_546 = arith.constant 53 : i32
      %parallel_loop3A_547 = arith.index_cast %parallel_loop3A_546 : i32 to index
      %parallel_loop3A_548 = arith.index_cast %parallel_loop3A_545 : i32 to index
      %parallel_loop3A_549 = tpu.vector_load %arg7[%parallel_loop3A_547, %parallel_loop3A_548] {strides = array<i32>} : memref<64x1024xf32, #tpu.memory_space<vmem>>, vector<16xf32>,
      tpu.vector_store %arg7[%parallel_loop3A_547, %parallel_loop3A_548], %parallel_loop3A_543 {strides = array<i32>} : memref<64x1024xf32, #tpu.memory_space<vmem>>, vector<16xf32>,
      %parallel_loop3A_550 = arith.constant 27648 : i32
      %parallel_loop3A_551 = vector.broadcast %parallel_loop3A_550 : i32 to vector<16xi32>
      %parallel_loop3A_552 = arith.addi %parallel_loop3A_9, %parallel_loop3A_551 : vector<16xi32>
      %parallel_loop3A_553 = tpu.vector_load_idx %arg5[%parallel_loop3A_552] : memref<32768xf32, #tpu.memory_space<vmem>>[vector<16xi32>], vector<16xf32>,
      %parallel_loop3A_554 = arith.constant 16 : i32
      %parallel_loop3A_555 = arith.muli %parallel_loop3A_5, %parallel_loop3A_554 : i32
      %parallel_loop3A_556 = arith.constant 54 : i32
      %parallel_loop3A_557 = arith.index_cast %parallel_loop3A_556 : i32 to index
      %parallel_loop3A_558 = arith.index_cast %parallel_loop3A_555 : i32 to index
      %parallel_loop3A_559 = tpu.vector_load %arg7[%parallel_loop3A_557, %parallel_loop3A_558] {strides = array<i32>} : memref<64x1024xf32, #tpu.memory_space<vmem>>, vector<16xf32>,
      tpu.vector_store %arg7[%parallel_loop3A_557, %parallel_loop3A_558], %parallel_loop3A_553 {strides = array<i32>} : memref<64x1024xf32, #tpu.memory_space<vmem>>, vector<16xf32>,
      %parallel_loop3A_560 = arith.constant 28160 : i32
      %parallel_loop3A_561 = vector.broadcast %parallel_loop3A_560 : i32 to vector<16xi32>
      %parallel_loop3A_562 = arith.addi %parallel_loop3A_9, %parallel_loop3A_561 : vector<16xi32>
      %parallel_loop3A_563 = tpu.vector_load_idx %arg5[%parallel_loop3A_562] : memref<32768xf32, #tpu.memory_space<vmem>>[vector<16xi32>], vector<16xf32>,
      %parallel_loop3A_564 = arith.constant 16 : i32
      %parallel_loop3A_565 = arith.muli %parallel_loop3A_5, %parallel_loop3A_564 : i32
      %parallel_loop3A_566 = arith.constant 55 : i32
      %parallel_loop3A_567 = arith.index_cast %parallel_loop3A_566 : i32 to index
      %parallel_loop3A_568 = arith.index_cast %parallel_loop3A_565 : i32 to index
      %parallel_loop3A_569 = tpu.vector_load %arg7[%parallel_loop3A_567, %parallel_loop3A_568] {strides = array<i32>} : memref<64x1024xf32, #tpu.memory_space<vmem>>, vector<16xf32>,
      tpu.vector_store %arg7[%parallel_loop3A_567, %parallel_loop3A_568], %parallel_loop3A_563 {strides = array<i32>} : memref<64x1024xf32, #tpu.memory_space<vmem>>, vector<16xf32>,
      %parallel_loop3A_570 = arith.constant 28672 : i32
      %parallel_loop3A_571 = vector.broadcast %parallel_loop3A_570 : i32 to vector<16xi32>
      %parallel_loop3A_572 = arith.addi %parallel_loop3A_9, %parallel_loop3A_571 : vector<16xi32>
      %parallel_loop3A_573 = tpu.vector_load_idx %arg5[%parallel_loop3A_572] : memref<32768xf32, #tpu.memory_space<vmem>>[vector<16xi32>], vector<16xf32>,
      %parallel_loop3A_574 = arith.constant 16 : i32
      %parallel_loop3A_575 = arith.muli %parallel_loop3A_5, %parallel_loop3A_574 : i32
      %parallel_loop3A_576 = arith.constant 56 : i32
      %parallel_loop3A_577 = arith.index_cast %parallel_loop3A_576 : i32 to index
      %parallel_loop3A_578 = arith.index_cast %parallel_loop3A_575 : i32 to index
      %parallel_loop3A_579 = tpu.vector_load %arg7[%parallel_loop3A_577, %parallel_loop3A_578] {strides = array<i32>} : memref<64x1024xf32, #tpu.memory_space<vmem>>, vector<16xf32>,
      tpu.vector_store %arg7[%parallel_loop3A_577, %parallel_loop3A_578], %parallel_loop3A_573 {strides = array<i32>} : memref<64x1024xf32, #tpu.memory_space<vmem>>, vector<16xf32>,
      %parallel_loop3A_580 = arith.constant 29184 : i32
      %parallel_loop3A_581 = vector.broadcast %parallel_loop3A_580 : i32 to vector<16xi32>
      %parallel_loop3A_582 = arith.addi %parallel_loop3A_9, %parallel_loop3A_581 : vector<16xi32>
      %parallel_loop3A_583 = tpu.vector_load_idx %arg5[%parallel_loop3A_582] : memref<32768xf32, #tpu.memory_space<vmem>>[vector<16xi32>], vector<16xf32>,
      %parallel_loop3A_584 = arith.constant 16 : i32
      %parallel_loop3A_585 = arith.muli %parallel_loop3A_5, %parallel_loop3A_584 : i32
      %parallel_loop3A_586 = arith.constant 57 : i32
      %parallel_loop3A_587 = arith.index_cast %parallel_loop3A_586 : i32 to index
      %parallel_loop3A_588 = arith.index_cast %parallel_loop3A_585 : i32 to index
      %parallel_loop3A_589 = tpu.vector_load %arg7[%parallel_loop3A_587, %parallel_loop3A_588] {strides = array<i32>} : memref<64x1024xf32, #tpu.memory_space<vmem>>, vector<16xf32>,
      tpu.vector_store %arg7[%parallel_loop3A_587, %parallel_loop3A_588], %parallel_loop3A_583 {strides = array<i32>} : memref<64x1024xf32, #tpu.memory_space<vmem>>, vector<16xf32>,
      %parallel_loop3A_590 = arith.constant 29696 : i32
      %parallel_loop3A_591 = vector.broadcast %parallel_loop3A_590 : i32 to vector<16xi32>
      %parallel_loop3A_592 = arith.addi %parallel_loop3A_9, %parallel_loop3A_591 : vector<16xi32>
      %parallel_loop3A_593 = tpu.vector_load_idx %arg5[%parallel_loop3A_592] : memref<32768xf32, #tpu.memory_space<vmem>>[vector<16xi32>], vector<16xf32>,
      %parallel_loop3A_594 = arith.constant 16 : i32
      %parallel_loop3A_595 = arith.muli %parallel_loop3A_5, %parallel_loop3A_594 : i32
      %parallel_loop3A_596 = arith.constant 58 : i32
      %parallel_loop3A_597 = arith.index_cast %parallel_loop3A_596 : i32 to index
      %parallel_loop3A_598 = arith.index_cast %parallel_loop3A_595 : i32 to index
      %parallel_loop3A_599 = tpu.vector_load %arg7[%parallel_loop3A_597, %parallel_loop3A_598] {strides = array<i32>} : memref<64x1024xf32, #tpu.memory_space<vmem>>, vector<16xf32>,
      tpu.vector_store %arg7[%parallel_loop3A_597, %parallel_loop3A_598], %parallel_loop3A_593 {strides = array<i32>} : memref<64x1024xf32, #tpu.memory_space<vmem>>, vector<16xf32>,
      %parallel_loop3A_600 = arith.constant 30208 : i32
      %parallel_loop3A_601 = vector.broadcast %parallel_loop3A_600 : i32 to vector<16xi32>
      %parallel_loop3A_602 = arith.addi %parallel_loop3A_9, %parallel_loop3A_601 : vector<16xi32>
      %parallel_loop3A_603 = tpu.vector_load_idx %arg5[%parallel_loop3A_602] : memref<32768xf32, #tpu.memory_space<vmem>>[vector<16xi32>], vector<16xf32>,
      %parallel_loop3A_604 = arith.constant 16 : i32
      %parallel_loop3A_605 = arith.muli %parallel_loop3A_5, %parallel_loop3A_604 : i32
      %parallel_loop3A_606 = arith.constant 59 : i32
      %parallel_loop3A_607 = arith.index_cast %parallel_loop3A_606 : i32 to index
      %parallel_loop3A_608 = arith.index_cast %parallel_loop3A_605 : i32 to index
      %parallel_loop3A_609 = tpu.vector_load %arg7[%parallel_loop3A_607, %parallel_loop3A_608] {strides = array<i32>} : memref<64x1024xf32, #tpu.memory_space<vmem>>, vector<16xf32>,
      tpu.vector_store %arg7[%parallel_loop3A_607, %parallel_loop3A_608], %parallel_loop3A_603 {strides = array<i32>} : memref<64x1024xf32, #tpu.memory_space<vmem>>, vector<16xf32>,
      %parallel_loop3A_610 = arith.constant 30720 : i32
      %parallel_loop3A_611 = vector.broadcast %parallel_loop3A_610 : i32 to vector<16xi32>
      %parallel_loop3A_612 = arith.addi %parallel_loop3A_9, %parallel_loop3A_611 : vector<16xi32>
      %parallel_loop3A_613 = tpu.vector_load_idx %arg5[%parallel_loop3A_612] : memref<32768xf32, #tpu.memory_space<vmem>>[vector<16xi32>], vector<16xf32>,
      %parallel_loop3A_614 = arith.constant 16 : i32
      %parallel_loop3A_615 = arith.muli %parallel_loop3A_5, %parallel_loop3A_614 : i32
      %parallel_loop3A_616 = arith.constant 60 : i32
      %parallel_loop3A_617 = arith.index_cast %parallel_loop3A_616 : i32 to index
      %parallel_loop3A_618 = arith.index_cast %parallel_loop3A_615 : i32 to index
      %parallel_loop3A_619 = tpu.vector_load %arg7[%parallel_loop3A_617, %parallel_loop3A_618] {strides = array<i32>} : memref<64x1024xf32, #tpu.memory_space<vmem>>, vector<16xf32>,
      tpu.vector_store %arg7[%parallel_loop3A_617, %parallel_loop3A_618], %parallel_loop3A_613 {strides = array<i32>} : memref<64x1024xf32, #tpu.memory_space<vmem>>, vector<16xf32>,
      %parallel_loop3A_620 = arith.constant 31232 : i32
      %parallel_loop3A_621 = vector.broadcast %parallel_loop3A_620 : i32 to vector<16xi32>
      %parallel_loop3A_622 = arith.addi %parallel_loop3A_9, %parallel_loop3A_621 : vector<16xi32>
      %parallel_loop3A_623 = tpu.vector_load_idx %arg5[%parallel_loop3A_622] : memref<32768xf32, #tpu.memory_space<vmem>>[vector<16xi32>], vector<16xf32>,
      %parallel_loop3A_624 = arith.constant 16 : i32
      %parallel_loop3A_625 = arith.muli %parallel_loop3A_5, %parallel_loop3A_624 : i32
      %parallel_loop3A_626 = arith.constant 61 : i32
      %parallel_loop3A_627 = arith.index_cast %parallel_loop3A_626 : i32 to index
      %parallel_loop3A_628 = arith.index_cast %parallel_loop3A_625 : i32 to index
      %parallel_loop3A_629 = tpu.vector_load %arg7[%parallel_loop3A_627, %parallel_loop3A_628] {strides = array<i32>} : memref<64x1024xf32, #tpu.memory_space<vmem>>, vector<16xf32>,
      tpu.vector_store %arg7[%parallel_loop3A_627, %parallel_loop3A_628], %parallel_loop3A_623 {strides = array<i32>} : memref<64x1024xf32, #tpu.memory_space<vmem>>, vector<16xf32>,
      %parallel_loop3A_630 = arith.constant 31744 : i32
      %parallel_loop3A_631 = vector.broadcast %parallel_loop3A_630 : i32 to vector<16xi32>
      %parallel_loop3A_632 = arith.addi %parallel_loop3A_9, %parallel_loop3A_631 : vector<16xi32>
      %parallel_loop3A_633 = tpu.vector_load_idx %arg5[%parallel_loop3A_632] : memref<32768xf32, #tpu.memory_space<vmem>>[vector<16xi32>], vector<16xf32>,
      %parallel_loop3A_634 = arith.constant 16 : i32
      %parallel_loop3A_635 = arith.muli %parallel_loop3A_5, %parallel_loop3A_634 : i32
      %parallel_loop3A_636 = arith.constant 62 : i32
      %parallel_loop3A_637 = arith.index_cast %parallel_loop3A_636 : i32 to index
      %parallel_loop3A_638 = arith.index_cast %parallel_loop3A_635 : i32 to index
      %parallel_loop3A_639 = tpu.vector_load %arg7[%parallel_loop3A_637, %parallel_loop3A_638] {strides = array<i32>} : memref<64x1024xf32, #tpu.memory_space<vmem>>, vector<16xf32>,
      tpu.vector_store %arg7[%parallel_loop3A_637, %parallel_loop3A_638], %parallel_loop3A_633 {strides = array<i32>} : memref<64x1024xf32, #tpu.memory_space<vmem>>, vector<16xf32>,
      %parallel_loop3A_640 = arith.constant 32256 : i32
      %parallel_loop3A_641 = vector.broadcast %parallel_loop3A_640 : i32 to vector<16xi32>
      %parallel_loop3A_642 = arith.addi %parallel_loop3A_9, %parallel_loop3A_641 : vector<16xi32>
      %parallel_loop3A_643 = tpu.vector_load_idx %arg5[%parallel_loop3A_642] : memref<32768xf32, #tpu.memory_space<vmem>>[vector<16xi32>], vector<16xf32>,
      %parallel_loop3A_644 = arith.constant 16 : i32
      %parallel_loop3A_645 = arith.muli %parallel_loop3A_5, %parallel_loop3A_644 : i32
      %parallel_loop3A_646 = arith.constant 63 : i32
      %parallel_loop3A_647 = arith.index_cast %parallel_loop3A_646 : i32 to index
      %parallel_loop3A_648 = arith.index_cast %parallel_loop3A_645 : i32 to index
      %parallel_loop3A_649 = tpu.vector_load %arg7[%parallel_loop3A_647, %parallel_loop3A_648] {strides = array<i32>} : memref<64x1024xf32, #tpu.memory_space<vmem>>, vector<16xf32>,
      tpu.vector_store %arg7[%parallel_loop3A_647, %parallel_loop3A_648], %parallel_loop3A_643 {strides = array<i32>} : memref<64x1024xf32, #tpu.memory_space<vmem>>, vector<16xf32>,
    } {sc.loop_unroll_factor = 2 : i64, sc.parallel_access}
    "tpu.region"() ({
      %run_scoped3A = tpu.sem_alloc : memref<!tpu.dma_semaphore, #tpu.memory_space<semaphore_mem>>
      %dma_start3A = arith.constant 0 : i32
      %dma_start3A_5 = arith.constant 0 : i32
      %dma_start3A_6 = tpu.memref_slice %arg4[%add3A, %dma_start3A, %dma_start3A_5] : memref<32x64x1024xf32, #tpu.memory_space<hbm>> -> memref<1x64x1024xf32, #tpu.memory_space<hbm>>
      %dma_start3A_7 = tpu.memref_squeeze %dma_start3A_6 : memref<1x64x1024xf32, #tpu.memory_space<hbm>> -> memref<64x1024xf32, #tpu.memory_space<hbm>>
      %dma_start3A_8 = arith.constant 0 : i32
      %dma_start3A_9 = arith.constant 0 : i32
      %dma_start3A_10 = tpu.memref_slice %arg4[%add3A, %dma_start3A_8, %dma_start3A_9] : memref<32x64x1024xf32, #tpu.memory_space<hbm>> -> memref<1x64x1024xf32, #tpu.memory_space<hbm>>
      %dma_start3A_11 = tpu.memref_squeeze %dma_start3A_10 : memref<1x64x1024xf32, #tpu.memory_space<hbm>> -> memref<64x1024xf32, #tpu.memory_space<hbm>>
      tpu.enqueue_dma source(%arg7 : memref<64x1024xf32, #tpu.memory_space<vmem>>) target(%dma_start3A_11 : memref<64x1024xf32, #tpu.memory_space<hbm>>) target_semaphore(%run_scoped3A : memref<!tpu.dma_semaphore, #tpu.memory_space<semaphore_mem>>)
      %dma_wait3A = arith.constant 0 : i32
      %dma_wait3A_12 = arith.constant 0 : i32
      %dma_wait3A_13 = tpu.memref_slice %arg4[%add3A, %dma_wait3A, %dma_wait3A_12] : memref<32x64x1024xf32, #tpu.memory_space<hbm>> -> memref<1x64x1024xf32, #tpu.memory_space<hbm>>
      %dma_wait3A_14 = tpu.memref_squeeze %dma_wait3A_13 : memref<1x64x1024xf32, #tpu.memory_space<hbm>> -> memref<64x1024xf32, #tpu.memory_space<hbm>>
      %dma_wait3A_15 = arith.constant 0 : i32
      %dma_wait3A_16 = arith.constant 0 : i32
      %dma_wait3A_17 = tpu.memref_slice %arg4[%add3A, %dma_wait3A_15, %dma_wait3A_16] : memref<32x64x1024xf32, #tpu.memory_space<hbm>> -> memref<1x64x1024xf32, #tpu.memory_space<hbm>>
      %dma_wait3A_18 = tpu.memref_squeeze %dma_wait3A_17 : memref<1x64x1024xf32, #tpu.memory_space<hbm>> -> memref<64x1024xf32, #tpu.memory_space<hbm>>
      tpu.wait_dma2 semaphore(%run_scoped3A : memref<!tpu.dma_semaphore, #tpu.memory_space<semaphore_mem>>) src(%arg7 : memref<64x1024xf32, #tpu.memory_space<vmem>>) dst(%dma_wait3A_18 : memref<64x1024xf32, #tpu.memory_space<hbm>>)
      tpu.yield
    }) : () -> ()
    return
  }
}

module attributes {stable_mosaic.version = 14 : i64} {
  func.func @_argmin_kernel(%arg0: i32, %arg1: memref<1x64x1024xf32, #tpu.memory_space<vmem>>, %arg2: memref<512x64xf32, #tpu.memory_space<vmem>>, %arg3: memref<1x1x1024xi32, #tpu.memory_space<vmem>>) attributes {dimension_semantics = [#tpu.dimension_semantics<arbitrary>], iteration_bounds = array<i64: 32>, scalar_prefetch = 0 : i64, scratch_operands = 0 : i64, tpu.core_type = #tpu.core_type<tc>, window_params = [{transform_indices = @transform_0, window_bounds = array<i64: 1, 64, 1024>}, {pipeline_mode = #tpu.pipeline_mode<synchronous>, transform_indices = @transform_1, window_bounds = array<i64: 512, 64>}, {transform_indices = @transform_2, window_bounds = array<i64: 1, 1, 1024>}]} {
    %get3A = arith.constant 0 : index
    %get3A_0 = arith.constant 0 : index
    %get3A_1 = arith.constant 0 : index
    %get3A_2 = vector.load %arg1[%get3A, %get3A_0, %get3A_1] : memref<1x64x1024xf32, #tpu.memory_space<vmem>>, vector<1x64x1024xf32>
    %get3A_3 = vector.shape_cast %get3A_2 : vector<1x64x1024xf32> to vector<64x1024xf32>
    %get3A_4 = arith.constant 0 : index
    %get3A_5 = arith.constant 0 : index
    %get3A_6 = vector.load %arg2[%get3A_4, %get3A_5] : memref<512x64xf32, #tpu.memory_space<vmem>>, vector<512x64xf32>
    %mul3A = arith.mulf %get3A_6, %get3A_6 : vector<512x64xf32>
    %reduce_sum3A = arith.constant dense<0.000000e+00> : vector<512xf32>
    %reduce_sum3A_7 = vector.multi_reduction <add>, %mul3A, %reduce_sum3A [1] : vector<512x64xf32> to vector<512xf32>
    %broadcast_in_dim3A = vector.shape_cast %reduce_sum3A_7 : vector<512xf32> to vector<512x1xf32>
    %mul3A_8 = arith.constant 2.500000e-01 : f32
    %mul3A_9 = vector.broadcast %mul3A_8 : f32 to vector<512x1xf32>
    %mul3A_10 = arith.mulf %mul3A_9, %broadcast_in_dim3A : vector<512x1xf32>
    %dot_general3A = arith.constant dense<0.000000e+00> : vector<512x1024xf32>
    %dot_general3A_11 = tpu.matmul %get3A_6, %get3A_3, %dot_general3A {dimension_numbers = #tpu.dot_dimension_numbers<[1], [0], [0], [1], [0, 0, 1, 1], [], []>, transpose_lhs_hint = false} : vector<512x64xf32>, vector<64x1024xf32>, vector<512x1024xf32> -> vector<512x1024xf32>
    %add3A = vector.broadcast %mul3A_10 : vector<512x1xf32> to vector<512x1024xf32>
    %add3A_12 = arith.addf %dot_general3A_11, %add3A : vector<512x1024xf32>
    %argmin3A = tpu.reduce_index %add3A_12 {axis = 0 : i32, kind = #tpu.reduction_kind<arg_min>} : vector<512x1024xf32> -> vector<1024xi32>
    %broadcast_in_dim3A_13 = vector.shape_cast %argmin3A : vector<1024xi32> to vector<1x1024xi32>
    %swap3A = arith.constant 0 : index
    %swap3A_14 = arith.constant 0 : index
    %swap3A_15 = arith.constant 0 : index
    %swap3A_16 = vector.load %arg3[%swap3A, %swap3A_14, %swap3A_15] : memref<1x1x1024xi32, #tpu.memory_space<vmem>>, vector<1x1x1024xi32>
    %swap3A_17 = vector.shape_cast %swap3A_16 : vector<1x1x1024xi32> to vector<1x1024xi32>
    %swap3A_18 = vector.shape_cast %broadcast_in_dim3A_13 : vector<1x1024xi32> to vector<1x1x1024xi32>
    tpu.vector_store %arg3[%swap3A, %swap3A_14, %swap3A_15], %swap3A_18 {strides = array<i32>} : memref<1x1x1024xi32, #tpu.memory_space<vmem>>, vector<1x1x1024xi32>,
    return
  }
  func.func @transform_0(%arg0: i32) -> (i32, i32, i32) {
    %c0_i32 = arith.constant 0 : i32
    %c0_i32_0 = arith.constant 0 : i32
    %c0_i32_1 = arith.constant 0 : i32
    return %arg0, %c0_i32, %c0_i32_0 : i32, i32, i32
  }
  func.func @transform_1(%arg0: i32) -> (i32, i32) {
    %c0_i32 = arith.constant 0 : i32
    %c0_i32_0 = arith.constant 0 : i32
    %c0_i32_1 = arith.constant 0 : i32
    return %c0_i32, %c0_i32_0 : i32, i32
  }
  func.func @transform_2(%arg0: i32) -> (i32, i32, i32) {
    %c0_i32 = arith.constant 0 : i32
    %c0_i32_0 = arith.constant 0 : i32
    %c0_i32_1 = arith.constant 0 : i32
    return %arg0, %c0_i32, %c0_i32_0 : i32, i32, i32
  }
}

</mosaic_0001>

<sc_bundles>
// kernel: kernel.4.cloned.1.call-start
scs
__scs_entry_jumppad:
0x0: {  	(pc) =	sbr.rel $0x88, $3  }
0x1: {  	(tag) =	ssettag $0x0;
	lr =	simm.s32 $0x1  }
0x2: {  	[smem:$0x3F9F] =	sst lr;
	_ =	strace $0xD0000000  }
0x3: {  	_ = 	snop  }
0x4: {  	_ = 	snop  }
0x5: {  	_ = 	snop  }
0x6: {  	_ = 	snop  }
0x7: {  	_ = 	snop  }
__scs_overlays_trampoline_lowered:
0x8: {  	[smem:$0x3FAE] =	sst s0  }
0x9: {  	[smem:$0x3FAF] =	sst s1  }
0xa: {  	[smem:$0x3FB0] =	sst s2  }
0xb: {  	[smem:$0x3FB1] =	sst s3  }
0xc: {  	[smem:$0x3FB2] =	sst s4  }
0xd: {  	[smem:$0x3FB3] =	sst s5  }
0xe: {  	[smem:$0x3FB4] =	sst s6  }
0xf: {  	[smem:$0x3FB5] =	sst s7  }
0x10: {  	[smem:$0x3FB6] =	sst s8  }
0x11: {  	[smem:$0x3FB7] =	sst s9;
	s0 =	simm.s32 @!p0 $0x0  }
0x12: {  	s1 =	sld [smem:$0x3F9D];
	s0 =	simm.s32 @p0 $0x1  }
0x13: {  	[smem:$0x3FB8] =	sst s0;
	s0 =	simm.s32 @!p1 $0x0  }
0x14: {  	s2 =	sld [smem:$0x3F9C];
	s0 =	simm.s32 @p1 $0x1  }
0x15: {  	[smem:$0x3FB9] =	sst s0;
	s0 =	simm.s32 @!p2 $0x0  }
0x16: {  	s3 =	sld [smem:$0x3FDB];
	s0 =	simm.s32 @p2 $0x1  }
0x17: {  	s4 =	simm.s32 $0x1BF5;
	[smem:$0x3FBB] =	sst s0  }
0x18: {  	s0 =	sld [smem:$0x3F9E];
	_ =	swait.ge [sflag:s4], $0x0  }
0x19: {  	s7 =	sld [smem:$0x3F9F]  }
0x1a: {  	s8 =	sadd.s32 $0xFFFFE003, lr  }
0x1b: {  	s9 =	sadd.s32 $0xFFFFFEF7, lr;
	s5 =	simm.s32 $0xFFFFFFFF;
	p2 =	slt.u32 s8, $0xFFFFF086  }
0x1c: {  	p1 =	slt.u32 s9, $0xF7A;
	s5 =	simm.s32 @!p2 $0x0  }
0x1d: {  	s5 =	simm.s32 @p1 $0x1;
	p0 =	seq.s32 s7, s2  }
0x1e: {  	s7 =	smul.u32 @!p0 $0xF7A, s2;
	p2 =	seq.s32 @!p0 s5, $0x0  }
0x1f: {  	s9 =	smul.u32 $0xF7A, s1;
	s8 =	simm.s32 @!p0 $0x1BF5;
	p2 =	por !p2, p0  }
0x20: {  	[sflag:s8] =	ssyncset.s32 @!p0 $0xFFFFF086;
	s6 =	sadd.s32 @!p0 s3, s7;
	s7 =	simm.s32 @!p0 $0x108  }
0x21: {  	s3 =	sadd.s32 s3, s9;
	s6 =	sadd.s32 @!p0 $0x88, s6;
	s7 =	simm.s32 @p2 $0x1082  }
0x22: {  	[simem:s7], [sflag:s8] =	dma.local @!p0 [hbm:s6], $0xF7A  }
0x23: {  	s9 =	sor.u32 $0xD0000000, s2;
	s6 =	simm.s32 $0x108;
	_ =	swait.ge @!p0 [sflag:s8], $0x0  }
0x24: {  	s3 =	sadd.s32 $0x88, s3;
	s6 =	simm.s32 @!p1 $0x1082;
	[sflag:s4] =	ssyncset.s32 $0xFFFFF086  }
0x25: {  	[simem:s6], [sflag:s4] =	dma.local [hbm:s3], $0xF7A  }
0x26: {  	[smem:$0x3F9F] =	sst s1;
	(tag) =	ssettag s2;
	_ =	strace s9  }
0x27: {  	s1 =	sld [smem:$0x3FAF]  }
0x28: {  	s2 =	sld [smem:$0x3FB0]  }
0x29: {  	s4 =	sld [smem:$0x3FB2]  }
0x2a: {  	p0 =	seq.s32 s5, $0x0;
	s5 =	sld [smem:$0x3FB3]  }
0x2b: {  	s6 =	sld [smem:$0x3FB4]  }
0x2c: {  	s7 =	sld [smem:$0x3FB5]  }
0x2d: {  	s3 =	simm.s32 $0x108;
	s8 =	sld [smem:$0x3FB6]  }
0x2e: {  	s3 =	simm.s32 @!p0 $0x1082;
	s9 =	sld [smem:$0x3FB7]  }
0x2f: {  	lr =	sadd.s32 s0, s3;
	s0 =	sld [smem:$0x3FAE]  }
0x30: {  	s3 =	sld [smem:$0x3FB1]  }
0x31: {  	[smem:$0x3FBA] =	sst s10  }
0x32: {  	s10 =	sld [smem:$0x3FB8];
	_ =	sdelay $0x3  }
0x33: {  	p0 =	seq.s32 s10, $0x1;
	s10 =	sld [smem:$0x3FBA];
	_ =	sdelay $0x3  }
0x34: {  	[smem:$0x3FBA] =	sst s10  }
0x35: {  	s10 =	sld [smem:$0x3FB9];
	_ =	sdelay $0x3  }
0x36: {  	p1 =	seq.s32 s10, $0x1;
	s10 =	sld [smem:$0x3FBA];
	_ =	sdelay $0x3  }
0x37: {  	[smem:$0x3FBA] =	sst s10  }
0x38: {  	s10 =	sld [smem:$0x3FBB]  }
0x39: {  	_ = 	snop;
	(pc) =	sbr.ind lr, $3  }
0x3a: {  	_ = 	snop  }
0x3b: {  	_ = 	snop  }
0x3c: {  	p2 =	seq.s32 s10, $0x1;
	s10 =	sld [smem:$0x3FBA]  }
0x3d: {  	_ =	shalt  }
0x3e: {  	_ =	shalt  }
0x3f: {  	_ =	shalt  }
0x40: {  	_ =	shalt  }
0x41: {  	_ =	shalt  }
0x42: {  	_ =	shalt  }
0x43: {  	_ =	shalt  }
0x44: {  	_ =	shalt  }
0x45: {  	_ =	shalt  }
0x46: {  	_ =	shalt  }
0x47: {  	_ =	shalt  }
0x48: {  	_ =	shalt  }
0x49: {  	_ =	shalt  }
0x4a: {  	_ =	shalt  }
0x4b: {  	_ =	shalt  }
0x4c: {  	_ =	shalt  }
0x4d: {  	_ =	shalt  }
0x4e: {  	_ =	shalt  }
0x4f: {  	_ =	shalt  }
0x50: {  	_ =	shalt  }
0x51: {  	_ =	shalt  }
0x52: {  	_ =	shalt  }
0x53: {  	_ =	shalt  }
0x54: {  	_ =	shalt  }
0x55: {  	_ =	shalt  }
0x56: {  	_ =	shalt  }
0x57: {  	_ =	shalt  }
0x58: {  	_ =	shalt  }
0x59: {  	_ =	shalt  }
0x5a: {  	_ =	shalt  }
0x5b: {  	_ =	shalt  }
0x5c: {  	_ =	shalt  }
0x5d: {  	_ =	shalt  }
0x5e: {  	_ =	shalt  }
0x5f: {  	_ =	shalt  }
0x60: {  	_ =	shalt  }
0x61: {  	_ =	shalt  }
0x62: {  	_ =	shalt  }
0x63: {  	_ =	shalt  }
0x64: {  	_ =	shalt  }
0x65: {  	_ =	shalt  }
0x66: {  	_ =	shalt  }
0x67: {  	_ =	shalt  }
0x68: {  	_ =	shalt  }
0x69: {  	_ =	shalt  }
0x6a: {  	_ =	shalt  }
0x6b: {  	_ =	shalt  }
0x6c: {  	_ =	shalt  }
0x6d: {  	_ =	shalt  }
0x6e: {  	_ =	shalt  }
0x6f: {  	_ =	shalt  }
0x70: {  	_ =	shalt  }
0x71: {  	_ =	shalt  }
0x72: {  	_ =	shalt  }
0x73: {  	_ =	shalt  }
0x74: {  	_ =	shalt  }
0x75: {  	_ =	shalt  }
0x76: {  	_ =	shalt  }
0x77: {  	_ =	shalt  }
0x78: {  	_ =	shalt  }
0x79: {  	_ =	shalt  }
0x7a: {  	_ =	shalt  }
0x7b: {  	_ =	shalt  }
0x7c: {  	_ =	shalt  }
0x7d: {  	_ =	shalt  }
0x7e: {  	_ =	shalt  }
0x7f: {  	_ =	shalt  }
0x80: {  	_ =	shalt  }
0x81: {  	_ =	shalt  }
0x82: {  	_ =	shalt  }
0x83: {  	_ =	shalt  }
0x84: {  	_ =	shalt  }
0x85: {  	_ =	shalt  }
0x86: {  	_ =	shalt  }
0x87: {  	_ =	shalt  }
.Lfunc_end0:
.L_simem_size_0:
called_computation_lowered:
.L_overlay_start_0:
0x88: {  	s2 =	sld [smem:$0x3FD9]  }
0x89: {  	s3 =	sld [smem:$0x3FFE];
	_ =	sdelay $0x1  }
0x8a: {  	s1 =	srdreg.scid  }
0x8b: {  	s0 =	sand.u32 $0x1, s1  }
0x8c: {  	s17 =	sshll.u32 s0, $0xA;
	s2 =	sadd.s32 s3, s2  }
0x8d: {  	s2 =	sadd.s32 s2, s17  }
0x8e: {  	[smem:$0x3FC6] =	sst s2  }
0x8f: {  	_ = 	snop  }
0x90: {  	s2 =	sld [smem:$0x3FD0];
	(tm) =	ssettm $0x1  }
0x91: {  	s18 =	sld [smem:$0x3FFB];
	_ =	sdelay $0x3  }
0x92: {  	_ =	strace s18  }
0x93: {  	s3 =	sld [smem:$0x3FFC];
	_ =	sdelay $0x3  }
0x94: {  	_ =	strace s3  }
0x95: {  	s3 =	sld [smem:$0x3FFD];
	_ =	sdelay $0x3  }
0x96: {  	_ =	strace s3  }
0x97: {  	_ =	strace $0x8FFFFFFF  }
0x98: {  	s19 =	sld [smem:$0x3FDB];
	_ =	sdelay $0x1  }
0x99: {  	s4 =	simm.s32 $_scs_section_size  }
0x9a: {  	s5 =	simm.s32 $_size__tile_overlayer_lowered;
	s6 =	simm.s32 $_tile_overlayer_lowered  }
0x9b: {  	s22 =	simm.s32 $0x1BFF;
	s21 =	sshll.u32 s6, $0x1;
	s3 =	sadd.s32 s4, s19  }
0x9c: {  	s7 =	simm.s32 $0x0;
	s20 =	sshll.u32 s5, $0x1;
	s5 =	sadd.s32 s21, s3  }
0x9d: {  	[timem:s7], [sflag:s22] =	dma.local [hbm:s5], s20  }
0x9e: {  	_ =	swait.ge [sflag:s22], s20  }
0x9f: {  	s4 =	ssub.s32 $0x0, s20;
	[sflag:s22] =	ssyncset.done $0x0  }
0xa0: {  	[sflag:s22] =	ssyncadd.s32 s4;
	_ =	sdelay $0x1  }
0xa1: {  	s23 =	simm.s32 $0x1B8B  }
0xa2: {  	_ =	swait.ge [sflag:s23], $0x1  }
0xa3: {  	[sflag:s23] =	ssyncset.done $0x0  }
0xa4: {  	s25 =	simm.s32 $0x1B8E;
	s24 =	sld [smem:$0x3FFE];
	[sflag:s23] =	ssyncadd.s32 $0xFFFFFFFF  }
0xa5: {  	s26 =	simm.s32 $execute0_lowered;
	[smem:$0x3FD2] =	sst s25  }
0xa6: {  	s5 =	sshll.u32 s26, $0x1;
	_ =	strace $0x80000046;
	[dreg:$0x1] =	wrdreg $0xFFFFFFFF  }
0xa7: {  	s28 =	simm.s32 $_size_execute0_lowered;
	s3 =	sadd.s32 s3, s5;
	[dreg:$0x0] =	wrdreg $0x0  }
0xa8: {  	s5 =	sshll.u32 s28, $0x1;
	[dreg:$0x2] =	wrdreg s3  }
0xa9: {  	[dreg:$0x3] =	wrdreg s5  }
0xaa: {  	[dreg:$0x4] =	wrdreg $0xC0  }
0xab: {  	_ =	task [dreg:s7], $0x5FFFF  }
0xac: {  	[dreg:$0x1] =	wrdreg $0xFFFFFFFF  }
0xad: {  	[dreg:$0x0] =	wrdreg $0x60  }
0xae: {  	[dreg:$0x2] =	wrdreg s2  }
0xaf: {  	[dreg:$0x3] =	wrdreg s24  }
0xb0: {  	[dreg:$0x4] =	wrdreg $0x9  }
0xb1: {  	_ =	task.clear_ibuf [dreg:s7], $0x5FFFF;
	_ =	strace $0x90000046  }
0xb2: {  	s29 =	simm.s32 $0x9;
	_ =	strace $0x80000048  }
0xb3: {  	_ =	swait.ge [sflag:s29], $0x1  }
0xb4: {  	[sflag:s29] =	ssyncadd.s32 $0xFFFFFFFF  }
0xb5: {  	_ =	strace $0x90000048  }
0xb6: {  	_ =	sfence  }
0xb7: {  	s30 =	sld [smem:$0x0];
	_ =	sdelay $0x2  }
0xb8: {  	s31 =	sshll.u32 s1, $0xD;
	s1 =	sshrl.u32 s1, $0x2  }
0xb9: {  	s3 =	sand.u32 $0x4000, s31;
	s1 =	sadd.s32 s1, s30  }
0xba: {  	s0 =	sor.u32 s3, s0;
	s1 =	sshll.u32 s1, $0x11  }
0xbb: {  	s0 =	sor.u32 s1, s0  }
0xbc: {  	s0 =	sadd.s32 $0x8F2B, s0  }
0xbd: {  	[sflag:s0] =	ssyncadd.remote.s32 $0x1  }
0xbe: {  	_ =	sfence.sel $0xFFFF  }
0xbf: {  	[dreg:$0x0] =	wrdreg $0xFFFFFFFF;
	(pc) =	sbr.abs _section_cstart, $3  }
0xc0: {  	[dreg:$0x1] =	wrdreg $0xFFFFFFFF  }
0xc1: {  	_ =	task.clear_ibuf [dreg:s7], $0x2FFFF;
	_ =	strace $0x9FFFFFFF  }
0xc2: {  	(tm) =	ssettm $0x7FFFFFFF  }
0xc3: {  	_ =	shalt  }
tec
execute0_lowered:
.L_overlay_start_1:
0x0: {  	(tag) =	ssettag $0x1  }
0x1: {  	s1 =	srdreg.scid;
	s2 =	stileid.u32  }
0x2: {  	s3 =	simm.s32 $0x0;
	s1 =	sand.u32 $0x1, s1;
	s2 =	sshll.u32 s2, $0x1  }
0x3: {  	[smem:$0x7FF] =	sst s3;
	s2 =	sor.u32 s1, s2  }
0x4: {  	s0 =	rddreg [dreg:$0x1];
	_ =	strace $0x80000047;
	s4 =	sshll.u32 s2, $0x7  }
0x5: {  	s1 =	ssub.s32 $0x2, s1;
	s2 =	sshll.u32 s2, $0xD;
	s4 =	sadd.s32 s4, s0  }
0x6: {  	s5 =	sshrl.u32 s1, $0x1;
	s0 =	sadd.s32 s2, s0;
	s30 =	sadd.s32 $0x600, s4  }
0x7: {  	s1 =	ssub.s32 s1, s5;
	s0 =	sadd.s32 $0x1600, s0;
	[dreg:$0x4] =	wrdreg s30  }
0x8: {  	s31 =	smax.u32 s1, $0x1;
	[dreg:$0x5] =	wrdreg s0  }
0x9: {  	s2 =	simm.s32 $0x1;
	s1 =	simm.s32 $0x0;
	[dreg:$0x6] =	wrdreg s31  }
.LBB2_1:
0xa: {  	[dreg:$0x7] =	wrdreg s1  }
0xb: {  	s0 =	rddreg [dreg:$0x0]  }
0xc: {  	[tilespmem:s3], [sflag:$0x1] =	stream.linear.gather [hbm4b:s0+s3], $0x8000, $0x38;
	[tilespmem:$0x18400] =	vst v63  }
0xd: {  	_ =	swait.ge [sflag:s2], $0x8000  }
0xe: {  	[sflag:s2] =	ssyncset.done $0x0  }
0xf: {  	s9 =	simm.s32 $0x8000;
	s10 =	rddreg [dreg:$0x4];
	[sflag:s2] =	ssyncadd.s32 $0xFFFF8000  }
0x10: {  	[tilespmem:s9], [sflag:$0x1] =	stream.linear.gather [hbm4b:s10+s3], $0x400, $0x38;
	[tilespmem:$0x18400] =	vst v63  }
0x11: {  	s19 =	sand.u32 $0x60, s3;
	_ =	swait.ge [sflag:s2], $0x400  }
0x12: {  	s11 =	sand.u32 $0x380, s3;
	s20 =	sor.u32 $0x10, s19;
	[sflag:s2] =	ssyncset.done $0x0  }
0x13: {  	s1 =	sor.u32 s20, s11;
	[sflag:s2] =	ssyncadd.s32 $0xFFFFFC00  }
0x14: {  	v7 =	vld [tilespmem:s1+$0x8000]  }
0x15: {  	v2 =	vld [tilespmem:s9+$0x0];
	_ =	sdelay $0x6  }
0x16: {  	v0 =	vld.idx.msk [tilespmem:v7+s3+$0x0], $0xffff  }
0x17: {  	v3 =	vadd.s32 $0x200, v7;
	v1 =	vld.idx.msk [tilespmem:v2+s3+$0x0], $0xffff  }
0x18: {  	s21 =	sand.u32 $0x1C00, s3;
	v4 =	vadd.s32 $0x200, v2  }
0x19: {  	s12 =	sadd.s32 $0x8400, s21  }
0x1a: {  	s13 =	sor.u32 s20, s12  }
0x1b: {  	s0 =	sor.u32 s19, s12;
	[tilespmem:s13+$0x0] =	vst v0  }
0x1c: {  	[tilespmem:s0+$0x0] =	vst v1;
	v0 =	vld.idx.msk [tilespmem:v3+s3+$0x0], $0xffff  }
0x1d: {  	v1 =	vld.idx.msk [tilespmem:v4+s3+$0x0], $0xffff;
	v3 =	vadd.s32 $0x400, v7  }
0x1e: {  	v4 =	vadd.s32 $0x400, v2;
	_ =	sdelay $0x2  }
0x1f: {  	[tilespmem:s13+$0x80] =	vst v0  }
0x20: {  	[tilespmem:s0+$0x80] =	vst v1;
	v0 =	vld.idx.msk [tilespmem:v3+s3+$0x0], $0xffff  }
0x21: {  	v1 =	vld.idx.msk [tilespmem:v4+s3+$0x0], $0xffff;
	v3 =	vadd.s32 $0x600, v7  }
0x22: {  	v4 =	vadd.s32 $0x600, v2;
	_ =	sdelay $0x2  }
0x23: {  	[tilespmem:s13+$0x100] =	vst v0  }
0x24: {  	[tilespmem:s0+$0x100] =	vst v1;
	v0 =	vld.idx.msk [tilespmem:v3+s3+$0x0], $0xffff  }
0x25: {  	v1 =	vld.idx.msk [tilespmem:v4+s3+$0x0], $0xffff;
	v3 =	vadd.s32 $0x800, v7  }
0x26: {  	v4 =	vadd.s32 $0x800, v2;
	_ =	sdelay $0x2  }
0x27: {  	[tilespmem:s13+$0x180] =	vst v0  }
0x28: {  	[tilespmem:s0+$0x180] =	vst v1;
	v0 =	vld.idx.msk [tilespmem:v3+s3+$0x0], $0xffff  }
0x29: {  	v1 =	vld.idx.msk [tilespmem:v4+s3+$0x0], $0xffff;
	v3 =	vadd.s32 $0xA00, v7  }
0x2a: {  	v4 =	vadd.s32 $0xA00, v2;
	_ =	sdelay $0x2  }
0x2b: {  	[tilespmem:s13+$0x200] =	vst v0  }
0x2c: {  	[tilespmem:s0+$0x200] =	vst v1;
	v0 =	vld.idx.msk [tilespmem:v3+s3+$0x0], $0xffff  }
0x2d: {  	v1 =	vld.idx.msk [tilespmem:v4+s3+$0x0], $0xffff;
	v3 =	vadd.s32 $0xC00, v7  }
0x2e: {  	v4 =	vadd.s32 $0xC00, v2;
	_ =	sdelay $0x2  }
0x2f: {  	[tilespmem:s13+$0x280] =	vst v0  }
0x30: {  	s14 =	sand.u32 $0x3, s3;
	[tilespmem:s0+$0x280] =	vst v1;
	v0 =	vld.idx.msk [tilespmem:v3+s3+$0x0], $0xffff  }
0x31: {  	s0 =	sshll.u32 s14, $0x5;
	v1 =	vld.idx.msk [tilespmem:v4+s3+$0x0], $0xffff;
	v3 =	vadd.s32 $0xE00, v7  }
0x32: {  	s0 =	sadd.s32 $0x0, s0;
	v4 =	vadd.s32 $0xE00, v2  }
0x33: {  	s15 =	sadd.s32 $0x10, s0  }
0x34: {  	s16 =	sor.u32 $0x300, s15  }
0x35: {  	s0 =	sor.u32 $0x300, s0;
	[tilespmem:s16+$0x8400] =	vst v0  }
0x36: {  	[tilespmem:s0+$0x8400] =	vst v1;
	v0 =	vld.idx.msk [tilespmem:v3+s3+$0x0], $0xffff  }
0x37: {  	v1 =	vld.idx.msk [tilespmem:v4+s3+$0x0], $0xffff;
	v3 =	vadd.s32 $0x1000, v7  }
0x38: {  	v4 =	vadd.s32 $0x1000, v2;
	_ =	sdelay $0x1  }
0x39: {  	s17 =	sor.u32 s3, s3;
	s1 =	sor.u32 $0x380, s15  }
0x3a: {  	s0 =	sor.u32 $0x380, s17;
	[tilespmem:s1+$0x8400] =	vst v0  }
0x3b: {  	[tilespmem:s0+$0x8400] =	vst v1;
	v0 =	vld.idx.msk [tilespmem:v3+s3+$0x0], $0xffff  }
0x3c: {  	v1 =	vld.idx.msk [tilespmem:v4+s3+$0x0], $0xffff;
	v3 =	vadd.s32 $0x1200, v7  }
0x3d: {  	v4 =	vadd.s32 $0x1200, v2  }
0x3e: {  	s18 =	sadd.s32 $0xA400, s21  }
0x3f: {  	s22 =	sor.u32 s20, s18  }
0x40: {  	s0 =	sor.u32 s19, s18;
	[tilespmem:s22+$0x0] =	vst v0  }
0x41: {  	[tilespmem:s0+$0x0] =	vst v1;
	v0 =	vld.idx.msk [tilespmem:v3+s3+$0x0], $0xffff  }
0x42: {  	v1 =	vld.idx.msk [tilespmem:v4+s3+$0x0], $0xffff;
	v3 =	vadd.s32 $0x1400, v7  }
0x43: {  	v4 =	vadd.s32 $0x1400, v2  }
0x44: {  	s23 =	sadd.s32 $0xA480, s21  }
0x45: {  	s24 =	sor.u32 s20, s23  }
0x46: {  	s0 =	sor.u32 s19, s23;
	[tilespmem:s24+$0x0] =	vst v0  }
0x47: {  	[tilespmem:s0+$0x0] =	vst v1;
	v0 =	vld.idx.msk [tilespmem:v3+s3+$0x0], $0xffff  }
0x48: {  	v1 =	vld.idx.msk [tilespmem:v4+s3+$0x0], $0xffff;
	v3 =	vadd.s32 $0x1600, v7  }
0x49: {  	v4 =	vadd.s32 $0x1600, v2  }
0x4a: {  	s25 =	sadd.s32 $0xA500, s21  }
0x4b: {  	s26 =	sor.u32 s20, s25  }
0x4c: {  	s0 =	sor.u32 s19, s25;
	[tilespmem:s26+$0x0] =	vst v0  }
0x4d: {  	[tilespmem:s0+$0x0] =	vst v1;
	v0 =	vld.idx.msk [tilespmem:v3+s3+$0x0], $0xffff  }
0x4e: {  	v1 =	vld.idx.msk [tilespmem:v4+s3+$0x0], $0xffff;
	v3 =	vadd.s32 $0x1800, v7  }
0x4f: {  	v4 =	vadd.s32 $0x1800, v2  }
0x50: {  	s1 =	sadd.s32 $0xA580, s21  }
0x51: {  	s2 =	sor.u32 s20, s1  }
0x52: {  	s0 =	sor.u32 s19, s1;
	[tilespmem:s2+$0x0] =	vst v0  }
0x53: {  	[tilespmem:s0+$0x0] =	vst v1;
	v0 =	vld.idx.msk [tilespmem:v3+s3+$0x0], $0xffff  }
0x54: {  	v1 =	vld.idx.msk [tilespmem:v4+s3+$0x0], $0xffff;
	v3 =	vadd.s32 $0x1A00, v7  }
0x55: {  	v4 =	vadd.s32 $0x1A00, v2  }
0x56: {  	s4 =	sadd.s32 $0xA600, s21  }
0x57: {  	s5 =	sor.u32 s20, s4  }
0x58: {  	s0 =	sor.u32 s19, s4;
	[tilespmem:s5+$0x0] =	vst v0  }
0x59: {  	[tilespmem:s0+$0x0] =	vst v1;
	v0 =	vld.idx.msk [tilespmem:v3+s3+$0x0], $0xffff  }
0x5a: {  	v1 =	vld.idx.msk [tilespmem:v4+s3+$0x0], $0xffff;
	v3 =	vadd.s32 $0x1C00, v7  }
0x5b: {  	v4 =	vadd.s32 $0x1C00, v2  }
0x5c: {  	s6 =	sadd.s32 $0xA680, s21  }
0x5d: {  	s7 =	sor.u32 s20, s6  }
0x5e: {  	s0 =	sor.u32 s19, s6;
	[tilespmem:s7+$0x0] =	vst v0  }
0x5f: {  	[tilespmem:s0+$0x0] =	vst v1;
	v0 =	vld.idx.msk [tilespmem:v3+s3+$0x0], $0xffff  }
0x60: {  	v1 =	vld.idx.msk [tilespmem:v4+s3+$0x0], $0xffff;
	v3 =	vadd.s32 $0x1E00, v7  }
0x61: {  	v4 =	vadd.s32 $0x1E00, v2  }
0x62: {  	s8 =	sadd.s32 $0xA700, s21  }
0x63: {  	s9 =	sor.u32 s20, s8  }
0x64: {  	s0 =	sor.u32 s19, s8;
	[tilespmem:s9+$0x0] =	vst v0  }
0x65: {  	[tilespmem:s0+$0x0] =	vst v1;
	v0 =	vld.idx.msk [tilespmem:v3+s3+$0x0], $0xffff  }
0x66: {  	v1 =	vld.idx.msk [tilespmem:v4+s3+$0x0], $0xffff  }
0x67: {  	v3 =	vadd.s32 $0x2000, v7  }
0x68: {  	s10 =	sadd.s32 $0xA780, s21  }
0x69: {  	s11 =	sor.u32 s20, s10;
	v4 =	vadd.s32 $0x2000, v2  }
0x6a: {  	s12 =	simm.s32 $0x8020;
	s0 =	sor.u32 s19, s10;
	[tilespmem:s11+$0x0] =	vst v0  }
0x6b: {  	v0 =	vld [tilespmem:s12+$0x0];
	[tilespmem:s0+$0x0] =	vst v1  }
0x6c: {  	v1 =	vld.idx.msk [tilespmem:v3+s3+$0x0], $0xffff  }
0x6d: {  	v3 =	vadd.s32 $0x2200, v7  }
0x6e: {  	v4 =	vld.idx.msk [tilespmem:v4+s3+$0x0], $0xffff  }
0x6f: {  	v5 =	vadd.s32 $0x2200, v2;
	s13 =	sadd.s32 $0xC400, s21;
	s0 =	simm.s32 $0x20  }
0x70: {  	s14 =	sor.u32 s20, s13;
	s10 =	sand.u32 $0x60, s0  }
0x71: {  	s4 =	sand.u32 $0x380, s0;
	s11 =	sor.u32 $0x10, s10;
	[tilespmem:s14+$0x0] =	vst v1  }
0x72: {  	s1 =	sor.u32 s19, s13;
	s15 =	sor.u32 s11, s4;
	v3 =	vld.idx.msk [tilespmem:v3+s3+$0x0], $0xffff  }
0x73: {  	[tilespmem:s1+$0x0] =	vst v4;
	v1 =	vld [tilespmem:s15+$0x8000];
	v4 =	vadd.s32 $0x2400, v7  }
0x74: {  	v5 =	vld.idx.msk [tilespmem:v5+s3+$0x0], $0xffff  }
0x75: {  	v6 =	vadd.s32 $0x2400, v2;
	s16 =	sadd.s32 $0xC480, s21  }
0x76: {  	s17 =	sor.u32 s20, s16  }
0x77: {  	[tilespmem:s17+$0x0] =	vst v3  }
0x78: {  	s1 =	sor.u32 s19, s16;
	v3 =	vld.idx.msk [tilespmem:v4+s3+$0x0], $0xffff  }
0x79: {  	[tilespmem:s1+$0x0] =	vst v5;
	v4 =	vadd.s32 $0x2600, v7  }
0x7a: {  	v5 =	vld.idx.msk [tilespmem:v6+s3+$0x0], $0xffff  }
0x7b: {  	s18 =	sadd.s32 $0xC500, s21;
	v6 =	vadd.s32 $0x2600, v2;
	v8 =	vld.idx.msk [tilespmem:v1+s3+$0x0], $0xffff  }
0x7c: {  	s22 =	sor.u32 s20, s18;
	v9 =	vld.idx.msk [tilespmem:v0+s3+$0x0], $0xffff;
	v10 =	vadd.s32 $0x200, v1;
	s1 =	simm.s32 $0x100  }
0x7d: {  	s12 =	sand.u32 $0x1C00, s1;
	[tilespmem:s22+$0x0] =	vst v3;
	v3 =	vadd.s32 $0x200, v0  }
0x7e: {  	s2 =	sor.u32 s19, s18;
	s5 =	sadd.s32 $0x8400, s12;
	v4 =	vld.idx.msk [tilespmem:v4+s3+$0x0], $0xffff  }
0x7f: {  	s23 =	sor.u32 s11, s5;
	[tilespmem:s2+$0x0] =	vst v5;
	v5 =	vadd.s32 $0x2800, v7  }
0x80: {  	s24 =	sor.u32 s10, s5;
	v6 =	vld.idx.msk [tilespmem:v6+s3+$0x0], $0xffff;
	[tilespmem:s23+$0x0] =	vst v8  }
0x81: {  	s25 =	sadd.s32 $0xC580, s21;
	[tilespmem:s24+$0x0] =	vst v9;
	v8 =	vadd.s32 $0x2800, v2;
	v9 =	vld.idx.msk [tilespmem:v10+s3+$0x0], $0xffff  }
0x82: {  	s8 =	sor.u32 s20, s25;
	v10 =	vadd.s32 $0x400, v1;
	v3 =	vld.idx.msk [tilespmem:v3+s3+$0x0], $0xffff  }
0x83: {  	[tilespmem:s8+$0x0] =	vst v4;
	v4 =	vadd.s32 $0x400, v0  }
0x84: {  	s5 =	sor.u32 s19, s25;
	v5 =	vld.idx.msk [tilespmem:v5+s3+$0x0], $0xffff  }
0x85: {  	[tilespmem:s5+$0x0] =	vst v6;
	v6 =	vadd.s32 $0x2A00, v7  }
0x86: {  	v8 =	vld.idx.msk [tilespmem:v8+s3+$0x0], $0xffff;
	[tilespmem:s23+$0x80] =	vst v9  }
0x87: {  	s26 =	sadd.s32 $0xC600, s21;
	v9 =	vadd.s32 $0x2A00, v2;
	[tilespmem:s24+$0x80] =	vst v3;
	v3 =	vld.idx.msk [tilespmem:v10+s3+$0x0], $0xffff  }
0x88: {  	s6 =	sor.u32 s20, s26;
	v10 =	vadd.s32 $0x600, v1;
	v4 =	vld.idx.msk [tilespmem:v4+s3+$0x0], $0xffff  }
0x89: {  	[tilespmem:s6+$0x0] =	vst v5;
	v5 =	vadd.s32 $0x600, v0  }
0x8a: {  	s5 =	sor.u32 s19, s26;
	v6 =	vld.idx.msk [tilespmem:v6+s3+$0x0], $0xffff  }
0x8b: {  	[tilespmem:s5+$0x0] =	vst v8;
	v8 =	vadd.s32 $0x2C00, v7  }
0x8c: {  	v9 =	vld.idx.msk [tilespmem:v9+s3+$0x0], $0xffff;
	[tilespmem:s23+$0x100] =	vst v3  }
0x8d: {  	s7 =	sadd.s32 $0xC680, s21;
	v3 =	vadd.s32 $0x2C00, v2;
	[tilespmem:s24+$0x100] =	vst v4;
	v4 =	vld.idx.msk [tilespmem:v10+s3+$0x0], $0xffff  }
0x8e: {  	s9 =	sor.u32 s20, s7;
	v10 =	vadd.s32 $0x800, v1;
	v5 =	vld.idx.msk [tilespmem:v5+s3+$0x0], $0xffff  }
0x8f: {  	[tilespmem:s9+$0x0] =	vst v6;
	v6 =	vadd.s32 $0x800, v0  }
0x90: {  	s5 =	sor.u32 s19, s7;
	v8 =	vld.idx.msk [tilespmem:v8+s3+$0x0], $0xffff  }
0x91: {  	[tilespmem:s5+$0x0] =	vst v9;
	v9 =	vadd.s32 $0x2E00, v7  }
0x92: {  	v3 =	vld.idx.msk [tilespmem:v3+s3+$0x0], $0xffff;
	[tilespmem:s23+$0x180] =	vst v4  }
0x93: {  	s13 =	sadd.s32 $0xC700, s21;
	v4 =	vadd.s32 $0x2E00, v2;
	[tilespmem:s24+$0x180] =	vst v5;
	v5 =	vld.idx.msk [tilespmem:v10+s3+$0x0], $0xffff  }
0x94: {  	s14 =	sor.u32 s20, s13;
	v10 =	vadd.s32 $0xA00, v1;
	v6 =	vld.idx.msk [tilespmem:v6+s3+$0x0], $0xffff  }
0x95: {  	[tilespmem:s14+$0x0] =	vst v8;
	v8 =	vadd.s32 $0xA00, v0  }
0x96: {  	s5 =	sor.u32 s19, s13;
	v9 =	vld.idx.msk [tilespmem:v9+s3+$0x0], $0xffff  }
0x97: {  	[tilespmem:s5+$0x0] =	vst v3;
	v3 =	vadd.s32 $0x3000, v7  }
0x98: {  	v4 =	vld.idx.msk [tilespmem:v4+s3+$0x0], $0xffff;
	[tilespmem:s23+$0x200] =	vst v5  }
0x99: {  	s15 =	sadd.s32 $0xC780, s21;
	v5 =	vadd.s32 $0x3000, v2;
	[tilespmem:s24+$0x200] =	vst v6;
	v6 =	vld.idx.msk [tilespmem:v10+s3+$0x0], $0xffff  }
0x9a: {  	s16 =	sor.u32 s20, s15;
	v10 =	vadd.s32 $0xC00, v1;
	v8 =	vld.idx.msk [tilespmem:v8+s3+$0x0], $0xffff  }
0x9b: {  	[tilespmem:s16+$0x0] =	vst v9;
	v9 =	vadd.s32 $0xC00, v0  }
0x9c: {  	s5 =	sor.u32 s19, s15;
	v3 =	vld.idx.msk [tilespmem:v3+s3+$0x0], $0xffff  }
0x9d: {  	[tilespmem:s5+$0x0] =	vst v4;
	v4 =	vadd.s32 $0x3200, v7  }
0x9e: {  	s17 =	simm.s32 $0x1;
	v5 =	vld.idx.msk [tilespmem:v5+s3+$0x0], $0xffff;
	[tilespmem:s23+$0x280] =	vst v6  }
0x9f: {  	s18 =	sadd.s32 $0xE400, s21;
	s4 =	sand.u32 $0x3, s17;
	v6 =	vadd.s32 $0x3200, v2;
	[tilespmem:s24+$0x280] =	vst v8;
	v8 =	vld.idx.msk [tilespmem:v10+s3+$0x0], $0xffff  }
0xa0: {  	s4 =	sshll.u32 s4, $0x5;
	s22 =	sor.u32 s20, s18;
	v10 =	vadd.s32 $0xE00, v1;
	v9 =	vld.idx.msk [tilespmem:v9+s3+$0x0], $0xffff  }
0xa1: {  	s4 =	sadd.s32 $0x100, s4;
	[tilespmem:s22+$0x0] =	vst v3;
	v3 =	vadd.s32 $0xE00, v0  }
0xa2: {  	s2 =	sor.u32 s19, s18;
	s23 =	sadd.s32 $0x10, s4;
	v4 =	vld.idx.msk [tilespmem:v4+s3+$0x0], $0xffff  }
0xa3: {  	s24 =	sor.u32 $0x300, s23;
	[tilespmem:s2+$0x0] =	vst v5;
	v5 =	vadd.s32 $0x3400, v7  }
0xa4: {  	s4 =	sor.u32 $0x300, s4;
	v6 =	vld.idx.msk [tilespmem:v6+s3+$0x0], $0xffff;
	[tilespmem:s24+$0x8400] =	vst v8  }
0xa5: {  	s25 =	sadd.s32 $0xE480, s21;
	v8 =	vadd.s32 $0x3400, v2;
	[tilespmem:s4+$0x8400] =	vst v9;
	v9 =	vld.idx.msk [tilespmem:v10+s3+$0x0], $0xffff  }
0xa6: {  	s26 =	sor.u32 s20, s25;
	v10 =	vadd.s32 $0x1000, v1;
	v3 =	vld.idx.msk [tilespmem:v3+s3+$0x0], $0xffff  }
0xa7: {  	[tilespmem:s26+$0x0] =	vst v4;
	v4 =	vadd.s32 $0x1000, v0  }
0xa8: {  	s2 =	sor.u32 s19, s25;
	v5 =	vld.idx.msk [tilespmem:v5+s3+$0x0], $0xffff  }
0xa9: {  	s0 =	sor.u32 s1, s0;
	s5 =	sor.u32 $0x380, s23;
	[tilespmem:s2+$0x0] =	vst v6;
	v6 =	vadd.s32 $0x3600, v7  }
0xaa: {  	s0 =	sor.u32 $0x380, s0;
	v8 =	vld.idx.msk [tilespmem:v8+s3+$0x0], $0xffff;
	[tilespmem:s5+$0x8400] =	vst v9  }
0xab: {  	s6 =	sadd.s32 $0xE500, s21;
	v9 =	vadd.s32 $0x3600, v2;
	[tilespmem:s0+$0x8400] =	vst v3;
	v3 =	vld.idx.msk [tilespmem:v10+s3+$0x0], $0xffff  }
0xac: {  	s7 =	sor.u32 s20, s6;
	v10 =	vadd.s32 $0x1200, v1;
	v4 =	vld.idx.msk [tilespmem:v4+s3+$0x0], $0xffff  }
0xad: {  	[tilespmem:s7+$0x0] =	vst v5;
	v5 =	vadd.s32 $0x1200, v0  }
0xae: {  	s8 =	sadd.s32 $0xA400, s12;
	s0 =	sor.u32 s19, s6;
	v6 =	vld.idx.msk [tilespmem:v6+s3+$0x0], $0xffff  }
0xaf: {  	s9 =	sor.u32 s11, s8;
	[tilespmem:s0+$0x0] =	vst v8;
	v8 =	vadd.s32 $0x3800, v7  }
0xb0: {  	s1 =	sor.u32 s10, s8;
	v9 =	vld.idx.msk [tilespmem:v9+s3+$0x0], $0xffff;
	[tilespmem:s9+$0x0] =	vst v3  }
0xb1: {  	s13 =	sadd.s32 $0xE580, s21;
	v3 =	vadd.s32 $0x3800, v2;
	[tilespmem:s1+$0x0] =	vst v4;
	v4 =	vld.idx.msk [tilespmem:v10+s3+$0x0], $0xffff  }
0xb2: {  	s14 =	sor.u32 s20, s13;
	v10 =	vadd.s32 $0x1400, v1;
	v5 =	vld.idx.msk [tilespmem:v5+s3+$0x0], $0xffff  }
0xb3: {  	[tilespmem:s14+$0x0] =	vst v6;
	v6 =	vadd.s32 $0x1400, v0  }
0xb4: {  	s15 =	sadd.s32 $0xA480, s12;
	s0 =	sor.u32 s19, s13;
	v8 =	vld.idx.msk [tilespmem:v8+s3+$0x0], $0xffff  }
0xb5: {  	s16 =	sor.u32 s11, s15;
	[tilespmem:s0+$0x0] =	vst v9;
	v9 =	vadd.s32 $0x3A00, v7  }
0xb6: {  	s1 =	sor.u32 s10, s15;
	v3 =	vld.idx.msk [tilespmem:v3+s3+$0x0], $0xffff;
	[tilespmem:s16+$0x0] =	vst v4  }
0xb7: {  	s17 =	sadd.s32 $0xE600, s21;
	v4 =	vadd.s32 $0x3A00, v2;
	[tilespmem:s1+$0x0] =	vst v5;
	v5 =	vld.idx.msk [tilespmem:v10+s3+$0x0], $0xffff  }
0xb8: {  	s18 =	sor.u32 s20, s17;
	v10 =	vadd.s32 $0x1600, v1;
	v6 =	vld.idx.msk [tilespmem:v6+s3+$0x0], $0xffff  }
0xb9: {  	[tilespmem:s18+$0x0] =	vst v8;
	v8 =	vadd.s32 $0x1600, v0  }
0xba: {  	s22 =	sadd.s32 $0xA500, s12;
	s0 =	sor.u32 s19, s17;
	v9 =	vld.idx.msk [tilespmem:v9+s3+$0x0], $0xffff  }
0xbb: {  	s23 =	sor.u32 s11, s22;
	[tilespmem:s0+$0x0] =	vst v3;
	v3 =	vadd.s32 $0x3C00, v7  }
0xbc: {  	s1 =	sor.u32 s10, s22;
	v4 =	vld.idx.msk [tilespmem:v4+s3+$0x0], $0xffff;
	[tilespmem:s23+$0x0] =	vst v5  }
0xbd: {  	s24 =	sadd.s32 $0xE680, s21;
	v5 =	vadd.s32 $0x3C00, v2;
	[tilespmem:s1+$0x0] =	vst v6;
	v6 =	vld.idx.msk [tilespmem:v10+s3+$0x0], $0xffff  }
0xbe: {  	s25 =	sor.u32 s20, s24;
	v10 =	vadd.s32 $0x1800, v1;
	v8 =	vld.idx.msk [tilespmem:v8+s3+$0x0], $0xffff  }
0xbf: {  	[tilespmem:s25+$0x0] =	vst v9;
	v9 =	vadd.s32 $0x1800, v0  }
0xc0: {  	s26 =	sadd.s32 $0xA580, s12;
	s0 =	sor.u32 s19, s24;
	v3 =	vld.idx.msk [tilespmem:v3+s3+$0x0], $0xffff  }
0xc1: {  	s2 =	sor.u32 s11, s26;
	[tilespmem:s0+$0x0] =	vst v4;
	v4 =	vadd.s32 $0x3E00, v7  }
0xc2: {  	s1 =	sor.u32 s10, s26;
	v5 =	vld.idx.msk [tilespmem:v5+s3+$0x0], $0xffff;
	[tilespmem:s2+$0x0] =	vst v6  }
0xc3: {  	s4 =	sadd.s32 $0xE700, s21;
	v6 =	vadd.s32 $0x3E00, v2;
	[tilespmem:s1+$0x0] =	vst v8;
	v8 =	vld.idx.msk [tilespmem:v10+s3+$0x0], $0xffff  }
0xc4: {  	s5 =	sor.u32 s20, s4;
	v10 =	vadd.s32 $0x1A00, v1;
	v9 =	vld.idx.msk [tilespmem:v9+s3+$0x0], $0xffff  }
0xc5: {  	[tilespmem:s5+$0x0] =	vst v3;
	v3 =	vadd.s32 $0x1A00, v0  }
0xc6: {  	s6 =	sadd.s32 $0xA600, s12;
	s0 =	sor.u32 s19, s4;
	v4 =	vld.idx.msk [tilespmem:v4+s3+$0x0], $0xffff  }
0xc7: {  	s7 =	sor.u32 s11, s6;
	[tilespmem:s0+$0x0] =	vst v5;
	v5 =	vadd.s32 $0x4000, v7  }
0xc8: {  	s1 =	sor.u32 s10, s6;
	v6 =	vld.idx.msk [tilespmem:v6+s3+$0x0], $0xffff;
	[tilespmem:s7+$0x0] =	vst v8  }
0xc9: {  	s8 =	sadd.s32 $0xE780, s21;
	v8 =	vadd.s32 $0x4000, v2;
	[tilespmem:s1+$0x0] =	vst v9;
	v9 =	vld.idx.msk [tilespmem:v10+s3+$0x0], $0xffff  }
0xca: {  	s9 =	sor.u32 s20, s8;
	v10 =	vadd.s32 $0x1C00, v1;
	v3 =	vld.idx.msk [tilespmem:v3+s3+$0x0], $0xffff  }
0xcb: {  	[tilespmem:s9+$0x0] =	vst v4;
	v4 =	vadd.s32 $0x1C00, v0  }
0xcc: {  	s13 =	sadd.s32 $0xA680, s12;
	s0 =	sor.u32 s19, s8;
	v5 =	vld.idx.msk [tilespmem:v5+s3+$0x0], $0xffff  }
0xcd: {  	s14 =	sor.u32 s11, s13;
	[tilespmem:s0+$0x0] =	vst v6;
	v6 =	vadd.s32 $0x4200, v7  }
0xce: {  	s1 =	sor.u32 s10, s13;
	v8 =	vld.idx.msk [tilespmem:v8+s3+$0x0], $0xffff;
	[tilespmem:s14+$0x0] =	vst v9  }
0xcf: {  	s15 =	sadd.s32 $0x10400, s21;
	v9 =	vadd.s32 $0x4200, v2;
	[tilespmem:s1+$0x0] =	vst v3;
	v3 =	vld.idx.msk [tilespmem:v10+s3+$0x0], $0xffff  }
0xd0: {  	s16 =	sor.u32 s20, s15;
	v10 =	vadd.s32 $0x1E00, v1;
	v4 =	vld.idx.msk [tilespmem:v4+s3+$0x0], $0xffff  }
0xd1: {  	[tilespmem:s16+$0x0] =	vst v5;
	v5 =	vadd.s32 $0x1E00, v0  }
0xd2: {  	s17 =	sadd.s32 $0xA700, s12;
	s0 =	sor.u32 s19, s15;
	v6 =	vld.idx.msk [tilespmem:v6+s3+$0x0], $0xffff  }
0xd3: {  	s18 =	sor.u32 s11, s17;
	[tilespmem:s0+$0x0] =	vst v8;
	v8 =	vadd.s32 $0x4400, v7  }
0xd4: {  	s1 =	sor.u32 s10, s17;
	v9 =	vld.idx.msk [tilespmem:v9+s3+$0x0], $0xffff;
	[tilespmem:s18+$0x0] =	vst v3  }
0xd5: {  	s22 =	sadd.s32 $0x10480, s21;
	v3 =	vadd.s32 $0x4400, v2;
	[tilespmem:s1+$0x0] =	vst v4;
	v4 =	vld.idx.msk [tilespmem:v10+s3+$0x0], $0xffff  }
0xd6: {  	s23 =	sor.u32 s20, s22;
	v10 =	vadd.s32 $0x2000, v1;
	v5 =	vld.idx.msk [tilespmem:v5+s3+$0x0], $0xffff  }
0xd7: {  	[tilespmem:s23+$0x0] =	vst v6;
	v6 =	vadd.s32 $0x2000, v0  }
0xd8: {  	s24 =	sadd.s32 $0xA780, s12;
	s0 =	sor.u32 s19, s22;
	v8 =	vld.idx.msk [tilespmem:v8+s3+$0x0], $0xffff  }
0xd9: {  	s25 =	sor.u32 s11, s24;
	[tilespmem:s0+$0x0] =	vst v9;
	v9 =	vadd.s32 $0x4600, v7  }
0xda: {  	s1 =	sor.u32 s10, s24;
	v11 =	vld.idx.msk [tilespmem:v3+s3+$0x0], $0xffff;
	[tilespmem:s25+$0x0] =	vst v4  }
0xdb: {  	s26 =	sadd.s32 $0x10500, s21;
	v4 =	vadd.s32 $0x4600, v2;
	[tilespmem:s1+$0x0] =	vst v5;
	v5 =	vld.idx.msk [tilespmem:v10+s3+$0x0], $0xffff  }
0xdc: {  	s2 =	sor.u32 s20, s26;
	v10 =	vadd.s32 $0x2200, v1;
	v6 =	vld.idx.msk [tilespmem:v6+s3+$0x0], $0xffff  }
0xdd: {  	[tilespmem:s2+$0x0] =	vst v8;
	v8 =	vadd.s32 $0x2200, v0  }
0xde: {  	s4 =	simm.s32 $0x8040;
	s5 =	sadd.s32 $0xC400, s12;
	s0 =	sor.u32 s19, s26;
	v9 =	vld.idx.msk [tilespmem:v9+s3+$0x0], $0xffff  }
0xdf: {  	s6 =	sor.u32 s11, s5;
	v3 =	vld [tilespmem:s4+$0x0];
	[tilespmem:s0+$0x0] =	vst v11;
	s0 =	simm.s32 $0x40;
	v11 =	vadd.s32 $0x4800, v7  }
0xe0: {  	s2 =	sor.u32 s10, s5;
	v12 =	vld.idx.msk [tilespmem:v4+s3+$0x0], $0xffff;
	s13 =	sand.u32 $0x60, s0;
	[tilespmem:s6+$0x0] =	vst v5  }
0xe1: {  	s8 =	sadd.s32 $0x10580, s21;
	s7 =	sand.u32 $0x380, s0;
	s14 =	sor.u32 $0x10, s13;
	[tilespmem:s2+$0x0] =	vst v6;
	v5 =	vld.idx.msk [tilespmem:v10+s3+$0x0], $0xffff  }
0xe2: {  	s9 =	sor.u32 s20, s8;
	s1 =	sor.u32 s14, s7;
	v6 =	vld.idx.msk [tilespmem:v8+s3+$0x0], $0xffff;
	v8 =	vadd.s32 $0x2400, v1  }
0xe3: {  	v4 =	vld [tilespmem:s1+$0x8000];
	[tilespmem:s9+$0x0] =	vst v9;
	v9 =	vadd.s32 $0x2400, v0  }
0xe4: {  	s15 =	sadd.s32 $0xC480, s12;
	v10 =	vadd.s32 $0x4800, v2;
	v11 =	vld.idx.msk [tilespmem:v11+s3+$0x0], $0xffff  }
0xe5: {  	v13 =	vadd.s32 $0x4A00, v7;
	s16 =	sor.u32 s11, s15  }
0xe6: {  	s1 =	sor.u32 s10, s15;
	[tilespmem:s16+$0x0] =	vst v5  }
0xe7: {  	s17 =	sadd.s32 $0x10600, s21;
	s2 =	sor.u32 s19, s8;
	[tilespmem:s1+$0x0] =	vst v6;
	v5 =	vld.idx.msk [tilespmem:v8+s3+$0x0], $0xffff  }
0xe8: {  	s18 =	sor.u32 s20, s17;
	[tilespmem:s2+$0x0] =	vst v12;
	v8 =	vadd.s32 $0x2600, v1;
	v6 =	vld.idx.msk [tilespmem:v9+s3+$0x0], $0xffff  }
0xe9: {  	v9 =	vld.idx.msk [tilespmem:v10+s3+$0x0], $0xffff;
	v10 =	vadd.s32 $0x2600, v0;
	[tilespmem:s18+$0x0] =	vst v11  }
0xea: {  	s22 =	sadd.s32 $0xC500, s12;
	v11 =	vadd.s32 $0x4A00, v2;
	v12 =	vld.idx.msk [tilespmem:v13+s3+$0x0], $0xffff  }
0xeb: {  	v14 =	vadd.s32 $0x4C00, v7;
	s23 =	sor.u32 s11, s22;
	v13 =	vld.idx.msk [tilespmem:v4+s3+$0x0], $0xffff  }
0xec: {  	s24 =	sor.u32 s10, s22;
	v15 =	vld.idx.msk [tilespmem:v3+s3+$0x0], $0xffff;
	v16 =	vadd.s32 $0x200, v4;
	s1 =	simm.s32 $0x200;
	[tilespmem:s23+$0x0] =	vst v5  }
0xed: {  	s26 =	sadd.s32 $0x10680, s21;
	s25 =	sor.u32 s19, s17;
	s15 =	sand.u32 $0x1C00, s1;
	v5 =	vadd.s32 $0x200, v3;
	[tilespmem:s24+$0x0] =	vst v6;
	v6 =	vld.idx.msk [tilespmem:v8+s3+$0x0], $0xffff  }
0xee: {  	s7 =	sor.u32 s20, s26;
	s6 =	sadd.s32 $0x8400, s15;
	[tilespmem:s25+$0x0] =	vst v9;
	v9 =	vadd.s32 $0x2800, v1;
	v8 =	vld.idx.msk [tilespmem:v10+s3+$0x0], $0xffff  }
0xef: {  	s4 =	sor.u32 s14, s6;
	v10 =	vld.idx.msk [tilespmem:v11+s3+$0x0], $0xffff;
	v11 =	vadd.s32 $0x2800, v0;
	[tilespmem:s7+$0x0] =	vst v12  }
0xf0: {  	s9 =	sadd.s32 $0xC580, s12;
	s2 =	sor.u32 s13, s6;
	[tilespmem:s4+$0x0] =	vst v13;
	v13 =	vadd.s32 $0x4C00, v2;
	v12 =	vld.idx.msk [tilespmem:v14+s3+$0x0], $0xffff  }
0xf1: {  	s16 =	sor.u32 s11, s9;
	[tilespmem:s2+$0x0] =	vst v15;
	v15 =	vadd.s32 $0x4E00, v7;
	v14 =	vld.idx.msk [tilespmem:v16+s3+$0x0], $0xffff  }
0xf2: {  	s8 =	sor.u32 s10, s9;
	v16 =	vadd.s32 $0x400, v4;
	v5 =	vld.idx.msk [tilespmem:v5+s3+$0x0], $0xffff;
	[tilespmem:s16+$0x0] =	vst v6  }
0xf3: {  	s17 =	sadd.s32 $0x10700, s21;
	s5 =	sor.u32 s19, s26;
	v6 =	vadd.s32 $0x400, v3;
	[tilespmem:s8+$0x0] =	vst v8;
	v8 =	vld.idx.msk [tilespmem:v9+s3+$0x0], $0xffff  }
0xf4: {  	s18 =	sor.u32 s20, s17;
	[tilespmem:s5+$0x0] =	vst v10;
	v10 =	vadd.s32 $0x2A00, v1;
	v9 =	vld.idx.msk [tilespmem:v11+s3+$0x0], $0xffff  }
0xf5: {  	v11 =	vld.idx.msk [tilespmem:v13+s3+$0x0], $0xffff;
	[tilespmem:s18+$0x0] =	vst v12;
	v12 =	vadd.s32 $0x2A00, v0  }
0xf6: {  	s22 =	sadd.s32 $0xC600, s12;
	[tilespmem:s4+$0x80] =	vst v14;
	v14 =	vadd.s32 $0x4E00, v2;
	v13 =	vld.idx.msk [tilespmem:v15+s3+$0x0], $0xffff  }
0xf7: {  	s23 =	sor.u32 s11, s22;
	[tilespmem:s2+$0x80] =	vst v5;
	v5 =	vld.idx.msk [tilespmem:v16+s3+$0x0], $0xffff;
	v15 =	vadd.s32 $0x5000, v7  }
0xf8: {  	s5 =	sor.u32 s10, s22;
	v16 =	vadd.s32 $0x600, v4;
	v6 =	vld.idx.msk [tilespmem:v6+s3+$0x0], $0xffff;
	[tilespmem:s23+$0x0] =	vst v8  }
0xf9: {  	s24 =	sadd.s32 $0x10780, s21;
	s8 =	sor.u32 s19, s17;
	v8 =	vadd.s32 $0x600, v3;
	[tilespmem:s5+$0x0] =	vst v9;
	v9 =	vld.idx.msk [tilespmem:v10+s3+$0x0], $0xffff  }
0xfa: {  	s25 =	sor.u32 s20, s24;
	[tilespmem:s8+$0x0] =	vst v11;
	v11 =	vadd.s32 $0x2C00, v1;
	v10 =	vld.idx.msk [tilespmem:v12+s3+$0x0], $0xffff  }
0xfb: {  	v12 =	vld.idx.msk [tilespmem:v14+s3+$0x0], $0xffff;
	[tilespmem:s25+$0x0] =	vst v13;
	v13 =	vadd.s32 $0x2C00, v0  }
0xfc: {  	s26 =	sadd.s32 $0xC680, s12;
	v14 =	vadd.s32 $0x5000, v2;
	[tilespmem:s4+$0x100] =	vst v5;
	v5 =	vld.idx.msk [tilespmem:v15+s3+$0x0], $0xffff  }
0xfd: {  	s6 =	sor.u32 s11, s26;
	[tilespmem:s2+$0x100] =	vst v6;
	v6 =	vld.idx.msk [tilespmem:v16+s3+$0x0], $0xffff;
	v15 =	vadd.s32 $0x5200, v7  }
0xfe: {  	s8 =	sor.u32 s10, s26;
	v16 =	vadd.s32 $0x800, v4;
	v8 =	vld.idx.msk [tilespmem:v8+s3+$0x0], $0xffff;
	[tilespmem:s6+$0x0] =	vst v9  }
0xff: {  	s7 =	sadd.s32 $0x12400, s21;
	s5 =	sor.u32 s19, s24;
	v9 =	vadd.s32 $0x800, v3;
	[tilespmem:s8+$0x0] =	vst v10;
	v10 =	vld.idx.msk [tilespmem:v11+s3+$0x0], $0xffff  }
0x100: {  	s9 =	sor.u32 s20, s7;
	[tilespmem:s5+$0x0] =	vst v12;
	v12 =	vadd.s32 $0x2E00, v1;
	v11 =	vld.idx.msk [tilespmem:v13+s3+$0x0], $0xffff  }
0x101: {  	v13 =	vld.idx.msk [tilespmem:v14+s3+$0x0], $0xffff;
	[tilespmem:s9+$0x0] =	vst v5;
	v5 =	vadd.s32 $0x2E00, v0  }
0x102: {  	s16 =	sadd.s32 $0xC700, s12;
	v14 =	vadd.s32 $0x5200, v2;
	[tilespmem:s4+$0x180] =	vst v6;
	v6 =	vld.idx.msk [tilespmem:v15+s3+$0x0], $0xffff  }
0x103: {  	s17 =	sor.u32 s11, s16;
	[tilespmem:s2+$0x180] =	vst v8;
	v8 =	vld.idx.msk [tilespmem:v16+s3+$0x0], $0xffff;
	v15 =	vadd.s32 $0x5400, v7  }
0x104: {  	s5 =	sor.u32 s10, s16;
	v16 =	vadd.s32 $0xA00, v4;
	v9 =	vld.idx.msk [tilespmem:v9+s3+$0x0], $0xffff;
	[tilespmem:s17+$0x0] =	vst v10  }
0x105: {  	s18 =	sadd.s32 $0x12480, s21;
	s8 =	sor.u32 s19, s7;
	v10 =	vadd.s32 $0xA00, v3;
	[tilespmem:s5+$0x0] =	vst v11;
	v11 =	vld.idx.msk [tilespmem:v12+s3+$0x0], $0xffff  }
0x106: {  	s22 =	sor.u32 s20, s18;
	[tilespmem:s8+$0x0] =	vst v13;
	v12 =	vadd.s32 $0x3000, v1;
	v5 =	vld.idx.msk [tilespmem:v5+s3+$0x0], $0xffff  }
0x107: {  	v13 =	vld.idx.msk [tilespmem:v14+s3+$0x0], $0xffff;
	[tilespmem:s22+$0x0] =	vst v6;
	v6 =	vadd.s32 $0x3000, v0  }
0x108: {  	s23 =	sadd.s32 $0xC780, s12;
	v14 =	vadd.s32 $0x5400, v2;
	[tilespmem:s4+$0x200] =	vst v8;
	v8 =	vld.idx.msk [tilespmem:v15+s3+$0x0], $0xffff  }
0x109: {  	s24 =	sor.u32 s11, s23;
	[tilespmem:s2+$0x200] =	vst v9;
	v9 =	vld.idx.msk [tilespmem:v16+s3+$0x0], $0xffff;
	v15 =	vadd.s32 $0x5600, v7  }
0x10a: {  	s8 =	sor.u32 s10, s23;
	v16 =	vadd.s32 $0xC00, v4;
	v10 =	vld.idx.msk [tilespmem:v10+s3+$0x0], $0xffff;
	[tilespmem:s24+$0x0] =	vst v11  }
0x10b: {  	s25 =	sadd.s32 $0x12500, s21;
	s5 =	sor.u32 s19, s18;
	v11 =	vadd.s32 $0xC00, v3;
	[tilespmem:s8+$0x0] =	vst v5;
	v5 =	vld.idx.msk [tilespmem:v12+s3+$0x0], $0xffff  }
0x10c: {  	s26 =	sor.u32 s20, s25;
	[tilespmem:s5+$0x0] =	vst v13;
	v12 =	vadd.s32 $0x3200, v1;
	v6 =	vld.idx.msk [tilespmem:v6+s3+$0x0], $0xffff  }
0x10d: {  	v13 =	vld.idx.msk [tilespmem:v14+s3+$0x0], $0xffff;
	[tilespmem:s26+$0x0] =	vst v8;
	v8 =	vadd.s32 $0x3200, v0  }
0x10e: {  	s6 =	sadd.s32 $0xE400, s12;
	s7 =	simm.s32 $0x2;
	v14 =	vadd.s32 $0x5600, v2;
	[tilespmem:s4+$0x280] =	vst v9;
	v9 =	vld.idx.msk [tilespmem:v15+s3+$0x0], $0xffff  }
0x10f: {  	s16 =	sor.u32 s11, s6;
	s9 =	sand.u32 $0x3, s7;
	[tilespmem:s2+$0x280] =	vst v10;
	v10 =	vld.idx.msk [tilespmem:v16+s3+$0x0], $0xffff;
	v15 =	vadd.s32 $0x5800, v7  }
0x110: {  	s4 =	sor.u32 s10, s6;
	s2 =	sshll.u32 s9, $0x5;
	v16 =	vadd.s32 $0xE00, v4;
	v11 =	vld.idx.msk [tilespmem:v11+s3+$0x0], $0xffff;
	[tilespmem:s16+$0x0] =	vst v5  }
0x111: {  	s17 =	sor.u32 s19, s25;
	s18 =	sadd.s32 $0x12580, s21;
	s2 =	sadd.s32 $0x200, s2;
	v5 =	vadd.s32 $0xE00, v3;
	[tilespmem:s4+$0x0] =	vst v6;
	v6 =	vld.idx.msk [tilespmem:v12+s3+$0x0], $0xffff  }
0x112: {  	s23 =	sor.u32 s20, s18;
	s22 =	sadd.s32 $0x10, s2;
	[tilespmem:s17+$0x0] =	vst v13;
	v12 =	vadd.s32 $0x3400, v1;
	v8 =	vld.idx.msk [tilespmem:v8+s3+$0x0], $0xffff  }
0x113: {  	s24 =	sor.u32 $0x300, s22;
	v13 =	vld.idx.msk [tilespmem:v14+s3+$0x0], $0xffff;
	[tilespmem:s23+$0x0] =	vst v9;
	v9 =	vadd.s32 $0x3400, v0  }
0x114: {  	s25 =	sadd.s32 $0xE480, s12;
	s2 =	sor.u32 $0x300, s2;
	v14 =	vadd.s32 $0x5800, v2;
	[tilespmem:s24+$0x8400] =	vst v10;
	v10 =	vld.idx.msk [tilespmem:v15+s3+$0x0], $0xffff  }
0x115: {  	s26 =	sor.u32 s11, s25;
	[tilespmem:s2+$0x8400] =	vst v11;
	v11 =	vld.idx.msk [tilespmem:v16+s3+$0x0], $0xffff;
	v15 =	vadd.s32 $0x5A00, v7  }
0x116: {  	s5 =	sor.u32 s10, s25;
	v16 =	vadd.s32 $0x1000, v4;
	v5 =	vld.idx.msk [tilespmem:v5+s3+$0x0], $0xffff;
	[tilespmem:s26+$0x0] =	vst v6  }
0x117: {  	s6 =	sadd.s32 $0x12600, s21;
	s4 =	sor.u32 s19, s18;
	[tilespmem:s5+$0x0] =	vst v8;
	v8 =	vld.idx.msk [tilespmem:v12+s3+$0x0], $0xffff  }
0x118: {  	s7 =	sor.u32 s20, s6;
	v6 =	vadd.s32 $0x1000, v3;
	[tilespmem:s4+$0x0] =	vst v13;
	v9 =	vld.idx.msk [tilespmem:v9+s3+$0x0], $0xffff  }
0x119: {  	s9 =	sor.u32 $0x380, s22;
	v12 =	vadd.s32 $0x3600, v1;
	v13 =	vld.idx.msk [tilespmem:v14+s3+$0x0], $0xffff;
	[tilespmem:s7+$0x0] =	vst v10  }
0x11a: {  	s0 =	sor.u32 s1, s0;
	[tilespmem:s9+$0x8400] =	vst v11;
	v10 =	vadd.s32 $0x3600, v0;
	v11 =	vld.idx.msk [tilespmem:v15+s3+$0x0], $0xffff  }
0x11b: {  	s0 =	sor.u32 $0x380, s0;
	s16 =	sadd.s32 $0xE500, s12;
	s17 =	simm.s32 $0x8060;
	v14 =	vld.idx.msk [tilespmem:v16+s3+$0x0], $0xffff;
	v15 =	vadd.s32 $0x5A00, v2  }
0x11c: {  	s18 =	sor.u32 s11, s16;
	[tilespmem:s0+$0x8400] =	vst v5;
	v16 =	vadd.s32 $0x5C00, v7;
	v5 =	vld [tilespmem:s17+$0x0]  }
0x11d: {  	v17 =	vadd.s32 $0x1200, v4;
	s0 =	sor.u32 s10, s16;
	v6 =	vld.idx.msk [tilespmem:v6+s3+$0x0], $0xffff;
	[tilespmem:s18+$0x0] =	vst v8  }
0x11e: {  	s22 =	sor.u32 s19, s6;
	s23 =	sadd.s32 $0x12680, s21;
	v8 =	vadd.s32 $0x1200, v3;
	[tilespmem:s0+$0x0] =	vst v9;
	v9 =	vld.idx.msk [tilespmem:v12+s3+$0x0], $0xffff  }
0x11f: {  	s24 =	sadd.s32 $0xA400, s15;
	s25 =	sor.u32 s20, s23;
	[tilespmem:s22+$0x0] =	vst v13;
	v12 =	vadd.s32 $0x3800, v1;
	v10 =	vld.idx.msk [tilespmem:v10+s3+$0x0], $0xffff  }
0x120: {  	s26 =	sor.u32 s14, s24;
	v13 =	vld.idx.msk [tilespmem:v15+s3+$0x0], $0xffff;
	[tilespmem:s25+$0x0] =	vst v11;
	v11 =	vadd.s32 $0x3800, v0  }
0x121: {  	s2 =	sor.u32 s13, s24;
	s4 =	sadd.s32 $0xE580, s12;
	[tilespmem:s26+$0x0] =	vst v14;
	v15 =	vadd.s32 $0x5C00, v2;
	v14 =	vld.idx.msk [tilespmem:v16+s3+$0x0], $0xffff  }
0x122: {  	s5 =	sor.u32 s11, s4;
	[tilespmem:s2+$0x0] =	vst v6;
	v6 =	vld.idx.msk [tilespmem:v17+s3+$0x0], $0xffff;
	v16 =	vadd.s32 $0x5E00, v7  }
0x123: {  	s2 =	sor.u32 s10, s4;
	v17 =	vadd.s32 $0x1400, v4;
	v8 =	vld.idx.msk [tilespmem:v8+s3+$0x0], $0xffff;
	[tilespmem:s5+$0x0] =	vst v9  }
0x124: {  	s6 =	sadd.s32 $0x12700, s21;
	s0 =	sor.u32 s19, s23;
	v9 =	vadd.s32 $0x1400, v3;
	[tilespmem:s2+$0x0] =	vst v10;
	v10 =	vld.idx.msk [tilespmem:v12+s3+$0x0], $0xffff  }
0x125: {  	s8 =	sor.u32 s20, s6;
	s7 =	sadd.s32 $0xA480, s15;
	v12 =	vadd.s32 $0x3A00, v1;
	v11 =	vld.idx.msk [tilespmem:v11+s3+$0x0], $0xffff;
	[tilespmem:s0+$0x0] =	vst v13  }
0x126: {  	s9 =	sor.u32 s14, s7;
	v13 =	vld.idx.msk [tilespmem:v15+s3+$0x0], $0xffff;
	[tilespmem:s8+$0x0] =	vst v14;
	v14 =	vadd.s32 $0x3A00, v0  }
0x127: {  	s16 =	sor.u32 s13, s7;
	s17 =	sadd.s32 $0xE600, s12;
	[tilespmem:s9+$0x0] =	vst v6;
	v15 =	vadd.s32 $0x5E00, v2;
	v6 =	vld.idx.msk [tilespmem:v16+s3+$0x0], $0xffff  }
0x128: {  	s18 =	sor.u32 s11, s17;
	[tilespmem:s16+$0x0] =	vst v8;
	v8 =	vld.idx.msk [tilespmem:v17+s3+$0x0], $0xffff;
	v16 =	vadd.s32 $0x6000, v7  }
0x129: {  	s2 =	sor.u32 s10, s17;
	v17 =	vadd.s32 $0x1600, v4;
	v9 =	vld.idx.msk [tilespmem:v9+s3+$0x0], $0xffff;
	[tilespmem:s18+$0x0] =	vst v10  }
0x12a: {  	s22 =	sor.u32 s19, s6;
	s23 =	sadd.s32 $0x12780, s21;
	v10 =	vadd.s32 $0x1600, v3;
	[tilespmem:s2+$0x0] =	vst v11;
	v11 =	vld.idx.msk [tilespmem:v12+s3+$0x0], $0xffff  }
0x12b: {  	s24 =	sadd.s32 $0xA500, s15;
	s25 =	sor.u32 s20, s23;
	v12 =	vld.idx.msk [tilespmem:v14+s3+$0x0], $0xffff;
	[tilespmem:s22+$0x0] =	vst v13;
	v13 =	vadd.s32 $0x3C00, v1  }
0x12c: {  	s26 =	sor.u32 s14, s24;
	v14 =	vld.idx.msk [tilespmem:v15+s3+$0x0], $0xffff;
	[tilespmem:s25+$0x0] =	vst v6;
	v6 =	vadd.s32 $0x3C00, v0  }
0x12d: {  	s6 =	sadd.s32 $0xE680, s12;
	s5 =	sor.u32 s13, s24;
	[tilespmem:s26+$0x0] =	vst v8;
	v15 =	vadd.s32 $0x6000, v2;
	v8 =	vld.idx.msk [tilespmem:v16+s3+$0x0], $0xffff  }
0x12e: {  	s7 =	sor.u32 s11, s6;
	[tilespmem:s5+$0x0] =	vst v9;
	v9 =	vld.idx.msk [tilespmem:v17+s3+$0x0], $0xffff;
	v16 =	vadd.s32 $0x6200, v7  }
0x12f: {  	s2 =	sor.u32 s10, s6;
	v17 =	vadd.s32 $0x1800, v4;
	v10 =	vld.idx.msk [tilespmem:v10+s3+$0x0], $0xffff;
	[tilespmem:s7+$0x0] =	vst v11  }
0x130: {  	s8 =	sor.u32 s19, s23;
	s9 =	sadd.s32 $0x14400, s21;
	v11 =	vadd.s32 $0x1800, v3;
	[tilespmem:s2+$0x0] =	vst v12;
	v12 =	vld.idx.msk [tilespmem:v13+s3+$0x0], $0xffff  }
0x131: {  	s16 =	sadd.s32 $0xA580, s15;
	s17 =	sor.u32 s20, s9;
	v13 =	vadd.s32 $0x3E00, v1;
	v6 =	vld.idx.msk [tilespmem:v6+s3+$0x0], $0xffff;
	[tilespmem:s8+$0x0] =	vst v14  }
0x132: {  	s18 =	sor.u32 s14, s16;
	v14 =	vld.idx.msk [tilespmem:v15+s3+$0x0], $0xffff;
	[tilespmem:s17+$0x0] =	vst v8;
	v8 =	vadd.s32 $0x3E00, v0  }
0x133: {  	s23 =	sadd.s32 $0xE700, s12;
	s22 =	sor.u32 s13, s16;
	[tilespmem:s18+$0x0] =	vst v9;
	v15 =	vadd.s32 $0x6200, v2;
	v9 =	vld.idx.msk [tilespmem:v16+s3+$0x0], $0xffff  }
0x134: {  	s24 =	sor.u32 s11, s23;
	[tilespmem:s22+$0x0] =	vst v10;
	v10 =	vld.idx.msk [tilespmem:v17+s3+$0x0], $0xffff;
	v16 =	vadd.s32 $0x6400, v7  }
0x135: {  	s2 =	sor.u32 s10, s23;
	v17 =	vadd.s32 $0x1A00, v4;
	v11 =	vld.idx.msk [tilespmem:v11+s3+$0x0], $0xffff;
	[tilespmem:s24+$0x0] =	vst v12  }
0x136: {  	s25 =	sor.u32 s19, s9;
	s26 =	sadd.s32 $0x14480, s21;
	v12 =	vadd.s32 $0x1A00, v3;
	[tilespmem:s2+$0x0] =	vst v6;
	v6 =	vld.idx.msk [tilespmem:v13+s3+$0x0], $0xffff  }
0x137: {  	s5 =	sadd.s32 $0xA600, s15;
	s6 =	sor.u32 s20, s26;
	v13 =	vadd.s32 $0x4000, v1;
	v8 =	vld.idx.msk [tilespmem:v8+s3+$0x0], $0xffff;
	[tilespmem:s25+$0x0] =	vst v14  }
0x138: {  	s7 =	sor.u32 s14, s5;
	v14 =	vld.idx.msk [tilespmem:v15+s3+$0x0], $0xffff;
	[tilespmem:s6+$0x0] =	vst v9;
	v9 =	vadd.s32 $0x4000, v0  }
0x139: {  	s9 =	sadd.s32 $0xE780, s12;
	s8 =	sor.u32 s13, s5;
	[tilespmem:s7+$0x0] =	vst v10;
	v15 =	vadd.s32 $0x6400, v2;
	v10 =	vld.idx.msk [tilespmem:v16+s3+$0x0], $0xffff  }
0x13a: {  	s16 =	sor.u32 s11, s9;
	[tilespmem:s8+$0x0] =	vst v11;
	v11 =	vld.idx.msk [tilespmem:v17+s3+$0x0], $0xffff;
	v16 =	vadd.s32 $0x6600, v7  }
0x13b: {  	s2 =	sor.u32 s10, s9;
	v17 =	vadd.s32 $0x1C00, v4;
	v12 =	vld.idx.msk [tilespmem:v12+s3+$0x0], $0xffff;
	[tilespmem:s16+$0x0] =	vst v6  }
0x13c: {  	s17 =	sor.u32 s19, s26;
	s18 =	sadd.s32 $0x14500, s21;
	v6 =	vadd.s32 $0x1C00, v3;
	[tilespmem:s2+$0x0] =	vst v8;
	v8 =	vld.idx.msk [tilespmem:v13+s3+$0x0], $0xffff  }
0x13d: {  	s22 =	sadd.s32 $0xA680, s15;
	s23 =	sor.u32 s20, s18;
	v13 =	vadd.s32 $0x4200, v1;
	v9 =	vld.idx.msk [tilespmem:v9+s3+$0x0], $0xffff;
	[tilespmem:s17+$0x0] =	vst v14  }
0x13e: {  	s24 =	sor.u32 s14, s22;
	v14 =	vld.idx.msk [tilespmem:v15+s3+$0x0], $0xffff;
	[tilespmem:s23+$0x0] =	vst v10;
	v10 =	vadd.s32 $0x4200, v0  }
0x13f: {  	s26 =	sadd.s32 $0x10400, s12;
	s25 =	sor.u32 s13, s22;
	[tilespmem:s24+$0x0] =	vst v11;
	v15 =	vadd.s32 $0x6600, v2;
	v11 =	vld.idx.msk [tilespmem:v16+s3+$0x0], $0xffff  }
0x140: {  	s4 =	sor.u32 s11, s26;
	[tilespmem:s25+$0x0] =	vst v12;
	v12 =	vld.idx.msk [tilespmem:v17+s3+$0x0], $0xffff;
	v16 =	vadd.s32 $0x6800, v7  }
0x141: {  	s2 =	sor.u32 s10, s26;
	v17 =	vadd.s32 $0x1E00, v4;
	v6 =	vld.idx.msk [tilespmem:v6+s3+$0x0], $0xffff;
	[tilespmem:s4+$0x0] =	vst v8  }
0x142: {  	s5 =	sor.u32 s19, s18;
	s6 =	sadd.s32 $0x14580, s21;
	v8 =	vadd.s32 $0x1E00, v3;
	[tilespmem:s2+$0x0] =	vst v9;
	v9 =	vld.idx.msk [tilespmem:v13+s3+$0x0], $0xffff  }
0x143: {  	s7 =	sadd.s32 $0xA700, s15;
	s8 =	sor.u32 s20, s6;
	v13 =	vadd.s32 $0x4400, v1;
	v10 =	vld.idx.msk [tilespmem:v10+s3+$0x0], $0xffff;
	[tilespmem:s5+$0x0] =	vst v14  }
0x144: {  	s9 =	sor.u32 s14, s7;
	v14 =	vld.idx.msk [tilespmem:v15+s3+$0x0], $0xffff;
	[tilespmem:s8+$0x0] =	vst v11;
	v11 =	vadd.s32 $0x4400, v0  }
0x145: {  	s16 =	sor.u32 s13, s7;
	s17 =	sadd.s32 $0x10480, s12;
	[tilespmem:s9+$0x0] =	vst v12;
	v15 =	vadd.s32 $0x6800, v2;
	v12 =	vld.idx.msk [tilespmem:v16+s3+$0x0], $0xffff  }
0x146: {  	s18 =	sor.u32 s11, s17;
	[tilespmem:s16+$0x0] =	vst v6;
	v6 =	vld.idx.msk [tilespmem:v17+s3+$0x0], $0xffff;
	v16 =	vadd.s32 $0x6A00, v7  }
0x147: {  	s2 =	sor.u32 s10, s17;
	v17 =	vadd.s32 $0x2000, v4;
	v8 =	vld.idx.msk [tilespmem:v8+s3+$0x0], $0xffff;
	[tilespmem:s18+$0x0] =	vst v9  }
0x148: {  	s22 =	sor.u32 s19, s6;
	s23 =	sadd.s32 $0x14600, s21;
	v9 =	vadd.s32 $0x2000, v3;
	[tilespmem:s2+$0x0] =	vst v10;
	v10 =	vld.idx.msk [tilespmem:v13+s3+$0x0], $0xffff  }
0x149: {  	s24 =	sadd.s32 $0xA780, s15;
	s25 =	sor.u32 s20, s23;
	v13 =	vadd.s32 $0x4600, v1;
	v11 =	vld.idx.msk [tilespmem:v11+s3+$0x0], $0xffff;
	[tilespmem:s22+$0x0] =	vst v14  }
0x14a: {  	s26 =	sor.u32 s14, s24;
	v14 =	vld.idx.msk [tilespmem:v15+s3+$0x0], $0xffff;
	[tilespmem:s25+$0x0] =	vst v12;
	v12 =	vadd.s32 $0x4600, v0  }
0x14b: {  	s4 =	sadd.s32 $0x10500, s12;
	s2 =	sor.u32 s13, s24;
	[tilespmem:s26+$0x0] =	vst v6;
	v15 =	vadd.s32 $0x6A00, v2;
	v6 =	vld.idx.msk [tilespmem:v16+s3+$0x0], $0xffff  }
0x14c: {  	s5 =	sor.u32 s11, s4;
	[tilespmem:s2+$0x0] =	vst v8;
	v8 =	vld.idx.msk [tilespmem:v17+s3+$0x0], $0xffff;
	v16 =	vadd.s32 $0x6C00, v7  }
0x14d: {  	s2 =	sor.u32 s10, s4;
	v17 =	vadd.s32 $0x2200, v4;
	v9 =	vld.idx.msk [tilespmem:v9+s3+$0x0], $0xffff;
	[tilespmem:s5+$0x0] =	vst v10  }
0x14e: {  	s7 =	sadd.s32 $0x14680, s21;
	s6 =	sor.u32 s19, s23;
	v10 =	vadd.s32 $0x2200, v3;
	[tilespmem:s2+$0x0] =	vst v11;
	v11 =	vld.idx.msk [tilespmem:v13+s3+$0x0], $0xffff  }
0x14f: {  	s8 =	sadd.s32 $0xC400, s15;
	s9 =	sor.u32 s20, s7;
	v12 =	vld.idx.msk [tilespmem:v12+s3+$0x0], $0xffff;
	[tilespmem:s6+$0x0] =	vst v14  }
0x150: {  	s23 =	simm.s32 $0x60;
	s16 =	sor.u32 s14, s8;
	v13 =	vadd.s32 $0x4800, v1;
	v14 =	vld.idx.msk [tilespmem:v15+s3+$0x0], $0xffff;
	[tilespmem:s9+$0x0] =	vst v6  }
0x151: {  	s17 =	sand.u32 $0x60, s23;
	s18 =	sor.u32 s13, s8;
	[tilespmem:s16+$0x0] =	vst v8;
	v8 =	vadd.s32 $0x4800, v0;
	v15 =	vld.idx.msk [tilespmem:v16+s3+$0x0], $0xffff  }
0x152: {  	s24 =	sadd.s32 $0x10580, s12;
	s22 =	sand.u32 $0x380, s23;
	s16 =	sor.u32 $0x10, s17;
	[tilespmem:s18+$0x0] =	vst v9;
	v9 =	vld.idx.msk [tilespmem:v17+s3+$0x0], $0xffff;
	v16 =	vadd.s32 $0x6C00, v2  }
0x153: {  	s25 =	sor.u32 s11, s24;
	s2 =	sor.u32 s16, s22;
	v17 =	vadd.s32 $0x6E00, v7;
	v10 =	vld.idx.msk [tilespmem:v10+s3+$0x0], $0xffff  }
0x154: {  	v18 =	vadd.s32 $0x2400, v4;
	s0 =	sor.u32 s10, s24;
	v6 =	vld [tilespmem:s2+$0x8000];
	[tilespmem:s25+$0x0] =	vst v11  }
0x155: {  	s1 =	sor.u32 s19, s7;
	s26 =	sadd.s32 $0x14700, s21;
	[tilespmem:s0+$0x0] =	vst v12;
	v12 =	vld.idx.msk [tilespmem:v13+s3+$0x0], $0xffff  }
0x156: {  	s4 =	sadd.s32 $0xC480, s15;
	s5 =	sor.u32 s20, s26;
	v11 =	vadd.s32 $0x2400, v3;
	v8 =	vld.idx.msk [tilespmem:v8+s3+$0x0], $0xffff;
	[tilespmem:s1+$0x0] =	vst v14  }
0x157: {  	s6 =	sor.u32 s14, s4;
	v13 =	vadd.s32 $0x4A00, v1;
	v14 =	vld.idx.msk [tilespmem:v16+s3+$0x0], $0xffff;
	[tilespmem:s5+$0x0] =	vst v15  }
0x158: {  	s7 =	sadd.s32 $0x10600, s12;
	s0 =	sor.u32 s13, s4;
	[tilespmem:s6+$0x0] =	vst v9;
	v9 =	vld.idx.msk [tilespmem:v17+s3+$0x0], $0xffff  }
0x159: {  	s8 =	sor.u32 s11, s7;
	v15 =	vadd.s32 $0x4A00, v0;
	[tilespmem:s0+$0x0] =	vst v10;
	v10 =	vld.idx.msk [tilespmem:v18+s3+$0x0], $0xffff  }
0x15a: {  	s28 =	simm.s32 $0x300;
	s9 =	sor.u32 s10, s7;
	s18 =	sadd.s32 $0xC500, s15;
	v16 =	vadd.s32 $0x7000, v7;
	v17 =	vld.idx.msk [tilespmem:v5+s3+$0x0], $0xffff;
	[tilespmem:s8+$0x0] =	vst v12  }
0x15b: {  	s24 =	sor.u32 s14, s18;
	s2 =	sor.u32 s19, s26;
	v18 =	vadd.s32 $0x2600, v4;
	s0 =	sadd.s32 $0x14780, s21;
	v11 =	vld.idx.msk [tilespmem:v11+s3+$0x0], $0xffff;
	[tilespmem:s9+$0x0] =	vst v8  }
0x15c: {  	s1 =	sor.u32 s13, s18;
	s18 =	sand.u32 $0x1C00, s28;
	s22 =	sor.u32 s20, s0;
	v12 =	vadd.s32 $0x2600, v3;
	v13 =	vld.idx.msk [tilespmem:v13+s3+$0x0], $0xffff;
	[tilespmem:s2+$0x0] =	vst v14  }
0x15d: {  	s26 =	sadd.s32 $0x8400, s18;
	v19 =	vld.idx.msk [tilespmem:v6+s3+$0x0], $0xffff;
	v8 =	vadd.s32 $0x6E00, v2;
	[tilespmem:s22+$0x0] =	vst v9  }
0x15e: {  	v20 =	vadd.s32 $0x4C00, v1;
	v15 =	vld.idx.msk [tilespmem:v15+s3+$0x0], $0xffff;
	s2 =	sor.u32 s17, s26;
	[tilespmem:s24+$0x0] =	vst v10  }
0x15f: {  	v9 =	vadd.s32 $0x200, v6;
	[tilespmem:s2+$0x0] =	vst v17;
	v10 =	vld.idx.msk [tilespmem:v16+s3+$0x0], $0xffff  }
0x160: {  	s25 =	sadd.s32 $0x10680, s12;
	v17 =	vadd.s32 $0x4C00, v0;
	[tilespmem:s1+$0x0] =	vst v11;
	v11 =	vld.idx.msk [tilespmem:v18+s3+$0x0], $0xffff  }
0x161: {  	s6 =	sor.u32 s11, s25;
	v16 =	vadd.s32 $0x200, v5;
	v12 =	vld.idx.msk [tilespmem:v12+s3+$0x0], $0xffff  }
0x162: {  	s5 =	sor.u32 s16, s26;
	v14 =	vadd.s32 $0x7200, v7;
	[tilespmem:s6+$0x0] =	vst v13;
	v8 =	vld.idx.msk [tilespmem:v8+s3+$0x0], $0xffff  }
0x163: {  	s4 =	sor.u32 s10, s25;
	v18 =	vadd.s32 $0x2800, v4;
	[tilespmem:s5+$0x0] =	vst v19;
	v19 =	vld.idx.msk [tilespmem:v20+s3+$0x0], $0xffff  }
0x164: {  	s1 =	sadd.s32 $0x16400, s21;
	v13 =	vadd.s32 $0x2800, v3;
	[tilespmem:s4+$0x0] =	vst v15;
	v9 =	vld.idx.msk [tilespmem:v9+s3+$0x0], $0xffff  }
0x165: {  	s7 =	sadd.s32 $0xC580, s15;
	s22 =	sor.u32 s20, s1;
	v20 =	vadd.s32 $0x4E00, v1;
	v17 =	vld.idx.msk [tilespmem:v17+s3+$0x0], $0xffff  }
0x166: {  	s24 =	sor.u32 s14, s7;
	v16 =	vld.idx.msk [tilespmem:v16+s3+$0x0], $0xffff;
	[tilespmem:s22+$0x0] =	vst v10;
	v10 =	vadd.s32 $0x400, v6  }
0x167: {  	s8 =	sor.u32 s13, s7;
	s9 =	sadd.s32 $0x10700, s12;
	[tilespmem:s24+$0x0] =	vst v11;
	v11 =	vld.idx.msk [tilespmem:v14+s3+$0x0], $0xffff;
	v14 =	vadd.s32 $0x400, v5  }
0x168: {  	s26 =	sor.u32 s11, s9;
	v15 =	vadd.s32 $0x7400, v7;
	[tilespmem:s8+$0x0] =	vst v12;
	v12 =	vld.idx.msk [tilespmem:v18+s3+$0x0], $0xffff  }
0x169: {  	v18 =	vadd.s32 $0x2A00, v4;
	v13 =	vld.idx.msk [tilespmem:v13+s3+$0x0], $0xffff;
	[tilespmem:s26+$0x0] =	vst v19  }
0x16a: {  	s4 =	sadd.s32 $0x16480, s21;
	[tilespmem:s5+$0x80] =	vst v9;
	v9 =	vadd.s32 $0x2A00, v3;
	v19 =	vld.idx.msk [tilespmem:v20+s3+$0x0], $0xffff  }
0x16b: {  	s6 =	sadd.s32 $0xC600, s15;
	s7 =	sor.u32 s20, s4;
	[tilespmem:s2+$0x80] =	vst v16;
	v10 =	vld.idx.msk [tilespmem:v10+s3+$0x0], $0xffff;
	v16 =	vadd.s32 $0x4E00, v0  }
0x16c: {  	s25 =	sor.u32 s14, s6;
	v20 =	vadd.s32 $0x5000, v1;
	v14 =	vld.idx.msk [tilespmem:v14+s3+$0x0], $0xffff;
	[tilespmem:s7+$0x0] =	vst v11  }
0x16d: {  	s22 =	sor.u32 s13, s6;
	v11 =	vadd.s32 $0x600, v6;
	[tilespmem:s25+$0x0] =	vst v12;
	v12 =	vld.idx.msk [tilespmem:v15+s3+$0x0], $0xffff  }
0x16e: {  	s8 =	sor.u32 s10, s9;
	s9 =	sadd.s32 $0x10780, s12;
	v15 =	vadd.s32 $0x600, v5;
	[tilespmem:s22+$0x0] =	vst v13;
	v13 =	vld.idx.msk [tilespmem:v18+s3+$0x0], $0xffff  }
0x16f: {  	s26 =	sor.u32 s11, s9;
	[tilespmem:s8+$0x0] =	vst v17;
	v17 =	vadd.s32 $0x7600, v7;
	v9 =	vld.idx.msk [tilespmem:v9+s3+$0x0], $0xffff  }
0x170: {  	v18 =	vadd.s32 $0x2C00, v4;
	[tilespmem:s26+$0x0] =	vst v19;
	v16 =	vld.idx.msk [tilespmem:v16+s3+$0x0], $0xffff  }
0x171: {  	s8 =	sadd.s32 $0x16500, s21;
	[tilespmem:s5+$0x100] =	vst v10;
	v10 =	vadd.s32 $0x2C00, v3;
	v19 =	vld.idx.msk [tilespmem:v20+s3+$0x0], $0xffff  }
0x172: {  	s6 =	sadd.s32 $0xC680, s15;
	s7 =	sor.u32 s20, s8;
	[tilespmem:s2+$0x100] =	vst v14;
	v11 =	vld.idx.msk [tilespmem:v11+s3+$0x0], $0xffff;
	v14 =	vadd.s32 $0x5000, v0  }
0x173: {  	s26 =	sor.u32 s14, s6;
	v20 =	vadd.s32 $0x5200, v1;
	v15 =	vld.idx.msk [tilespmem:v15+s3+$0x0], $0xffff;
	[tilespmem:s7+$0x0] =	vst v12  }
0x174: {  	s24 =	sor.u32 s13, s6;
	v12 =	vadd.s32 $0x800, v6;
	[tilespmem:s26+$0x0] =	vst v13;
	v13 =	vld.idx.msk [tilespmem:v17+s3+$0x0], $0xffff  }
0x175: {  	s22 =	sor.u32 s10, s9;
	s9 =	sadd.s32 $0x12400, s12;
	v17 =	vadd.s32 $0x800, v5;
	[tilespmem:s24+$0x0] =	vst v9;
	v9 =	vld.idx.msk [tilespmem:v18+s3+$0x0], $0xffff  }
0x176: {  	s26 =	sor.u32 s11, s9;
	v10 =	vld.idx.msk [tilespmem:v10+s3+$0x0], $0xffff;
	[tilespmem:s22+$0x0] =	vst v16;
	v16 =	vadd.s32 $0x7800, v7  }
0x177: {  	v18 =	vadd.s32 $0x2E00, v4;
	[tilespmem:s26+$0x0] =	vst v19;
	v14 =	vld.idx.msk [tilespmem:v14+s3+$0x0], $0xffff  }
0x178: {  	s22 =	sadd.s32 $0x16580, s21;
	[tilespmem:s5+$0x180] =	vst v11;
	v11 =	vadd.s32 $0x2E00, v3;
	v19 =	vld.idx.msk [tilespmem:v20+s3+$0x0], $0xffff  }
0x179: {  	s6 =	sadd.s32 $0xC700, s15;
	s7 =	sor.u32 s20, s22;
	[tilespmem:s2+$0x180] =	vst v15;
	v12 =	vld.idx.msk [tilespmem:v12+s3+$0x0], $0xffff;
	v15 =	vadd.s32 $0x5200, v0  }
0x17a: {  	s29 =	sor.u32 s14, s6;
	v20 =	vadd.s32 $0x5400, v1;
	v17 =	vld.idx.msk [tilespmem:v17+s3+$0x0], $0xffff;
	[tilespmem:s7+$0x0] =	vst v13  }
0x17b: {  	s25 =	sor.u32 s13, s6;
	v13 =	vadd.s32 $0xA00, v6;
	[tilespmem:s29+$0x0] =	vst v9;
	v9 =	vld.idx.msk [tilespmem:v16+s3+$0x0], $0xffff  }
0x17c: {  	s24 =	sor.u32 s10, s9;
	s9 =	sadd.s32 $0x12480, s12;
	v16 =	vadd.s32 $0xA00, v5;
	[tilespmem:s25+$0x0] =	vst v10;
	v10 =	vld.idx.msk [tilespmem:v18+s3+$0x0], $0xffff  }
0x17d: {  	s6 =	sor.u32 s11, s9;
	v11 =	vld.idx.msk [tilespmem:v11+s3+$0x0], $0xffff;
	[tilespmem:s24+$0x0] =	vst v14;
	v14 =	vadd.s32 $0x7A00, v7  }
0x17e: {  	v18 =	vadd.s32 $0x3000, v4;
	[tilespmem:s6+$0x0] =	vst v19;
	v15 =	vld.idx.msk [tilespmem:v15+s3+$0x0], $0xffff  }
0x17f: {  	s24 =	sadd.s32 $0x16600, s21;
	[tilespmem:s5+$0x200] =	vst v12;
	v12 =	vadd.s32 $0x3000, v3;
	v19 =	vld.idx.msk [tilespmem:v20+s3+$0x0], $0xffff  }
0x180: {  	s7 =	sadd.s32 $0xC780, s15;
	s29 =	sor.u32 s20, s24;
	[tilespmem:s2+$0x200] =	vst v17;
	v13 =	vld.idx.msk [tilespmem:v13+s3+$0x0], $0xffff;
	v17 =	vadd.s32 $0x5400, v0  }
0x181: {  	s30 =	sor.u32 s14, s7;
	v20 =	vadd.s32 $0x5600, v1;
	v16 =	vld.idx.msk [tilespmem:v16+s3+$0x0], $0xffff;
	[tilespmem:s29+$0x0] =	vst v9  }
0x182: {  	s26 =	sor.u32 s13, s7;
	v9 =	vadd.s32 $0xC00, v6;
	[tilespmem:s30+$0x0] =	vst v10;
	v10 =	vld.idx.msk [tilespmem:v14+s3+$0x0], $0xffff  }
0x183: {  	s25 =	sor.u32 s10, s9;
	s9 =	sadd.s32 $0x12500, s12;
	v14 =	vadd.s32 $0xC00, v5;
	[tilespmem:s26+$0x0] =	vst v11;
	v11 =	vld.idx.msk [tilespmem:v18+s3+$0x0], $0xffff  }
0x184: {  	s6 =	sor.u32 s11, s9;
	v12 =	vld.idx.msk [tilespmem:v12+s3+$0x0], $0xffff;
	[tilespmem:s25+$0x0] =	vst v15;
	v15 =	vadd.s32 $0x7C00, v7  }
0x185: {  	v18 =	vadd.s32 $0x3200, v4;
	[tilespmem:s6+$0x0] =	vst v19;
	v17 =	vld.idx.msk [tilespmem:v17+s3+$0x0], $0xffff  }
0x186: {  	[tilespmem:s5+$0x280] =	vst v13;
	v13 =	vadd.s32 $0x3200, v3;
	v19 =	vld.idx.msk [tilespmem:v20+s3+$0x0], $0xffff;
	s5 =	sadd.s32 $0x16680, s21  }
0x187: {  	s7 =	sadd.s32 $0xE400, s15;
	s29 =	sor.u32 s20, s5;
	[tilespmem:s2+$0x280] =	vst v16;
	v9 =	vld.idx.msk [tilespmem:v9+s3+$0x0], $0xffff;
	s2 =	simm.s32 $0x3;
	v16 =	vadd.s32 $0x5600, v0  }
0x188: {  	s30 =	sand.u32 $0x3, s2;
	v14 =	vld.idx.msk [tilespmem:v14+s3+$0x0], $0xffff;
	[tilespmem:s29+$0x0] =	vst v10;
	s29 =	sor.u32 s14, s7;
	v10 =	vadd.s32 $0x5800, v1  }
0x189: {  	s25 =	sor.u32 s13, s7;
	v20 =	vadd.s32 $0xE00, v6;
	s30 =	sshll.u32 s30, $0x5;
	[tilespmem:s29+$0x0] =	vst v11;
	v11 =	vld.idx.msk [tilespmem:v15+s3+$0x0], $0xffff  }
0x18a: {  	s26 =	sor.u32 s10, s9;
	v15 =	vadd.s32 $0xE00, v5;
	[tilespmem:s25+$0x0] =	vst v12;
	s25 =	sadd.s32 $0x12580, s12;
	s29 =	sadd.s32 $0x300, s30;
	v12 =	vld.idx.msk [tilespmem:v18+s3+$0x0], $0xffff  }
0x18b: {  	v7 =	vadd.s32 $0x7E00, v7;
	v13 =	vld.idx.msk [tilespmem:v13+s3+$0x0], $0xffff;
	[tilespmem:s26+$0x0] =	vst v17;
	s9 =	sor.u32 s11, s25;
	s6 =	sadd.s32 $0x10, s29  }
0x18c: {  	v17 =	vadd.s32 $0x3400, v4;
	[tilespmem:s9+$0x0] =	vst v19;
	s7 =	sor.u32 $0x300, s6;
	v16 =	vld.idx.msk [tilespmem:v16+s3+$0x0], $0xffff  }
0x18d: {  	s29 =	sor.u32 $0x300, s29;
	[tilespmem:s7+$0x8400] =	vst v9;
	v9 =	vadd.s32 $0x3400, v3;
	v10 =	vld.idx.msk [tilespmem:v10+s3+$0x0], $0xffff;
	s7 =	sadd.s32 $0x16700, s21  }
0x18e: {  	s0 =	sor.u32 s19, s0;
	v19 =	vadd.s32 $0x5800, v0;
	[tilespmem:s29+$0x8400] =	vst v14;
	s29 =	sadd.s32 $0xE480, s15;
	v18 =	vld.idx.msk [tilespmem:v20+s3+$0x0], $0xffff;
	s30 =	sor.u32 s20, s7  }
0x18f: {  	s31 =	sor.u32 s19, s1;
	s1 =	simm.s32 $0x6;
	s26 =	sor.u32 s14, s29;
	[tilespmem:s30+$0x0] =	vst v11;
	v11 =	vld.idx.msk [tilespmem:v15+s3+$0x0], $0xffff;
	v15 =	vadd.s32 $0x5A00, v1  }
0x190: {  	s9 =	sor.u32 s28, s23;
	[tilespmem:s26+$0x0] =	vst v12;
	s30 =	sor.u32 s19, s4;
	s26 =	sor.u32 s13, s29;
	v12 =	vadd.s32 $0x1000, v6;
	v20 =	vld.idx.msk [tilespmem:v7+s3+$0x0], $0xffff  }
0x191: {  	v21 =	vadd.s32 $0x1000, v5;
	s29 =	sor.u32 s19, s8;
	s4 =	sor.u32 s10, s25;
	s8 =	sadd.s32 $0x12600, s12;
	[tilespmem:s26+$0x0] =	vst v13;
	v13 =	vld.idx.msk [tilespmem:v17+s3+$0x0], $0xffff  }
0x192: {  	s9 =	sor.u32 $0x380, s9;
	s25 =	sor.u32 s19, s24;
	s24 =	sor.u32 s11, s8;
	[tilespmem:s4+$0x0] =	vst v16;
	v14 =	vld.idx.msk [tilespmem:v9+s3+$0x0], $0xffff  }
0x193: {  	s6 =	sor.u32 $0x380, s6;
	s26 =	sor.u32 s19, s22;
	s22 =	sor.u32 s19, s7;
	[tilespmem:s24+$0x0] =	vst v10;
	v10 =	vld.idx.msk [tilespmem:v19+s3+$0x0], $0xffff  }
0x194: {  	s24 =	sor.u32 s19, s5;
	s5 =	sor.u32 s10, s8;
	s8 =	sadd.s32 $0x16780, s21;
	[tilespmem:s6+$0x8400] =	vst v18;
	v7 =	vld.idx.msk [tilespmem:v15+s3+$0x0], $0xffff  }
0x195: {  	s21 =	sadd.s32 $0xE500, s15;
	s19 =	sor.u32 s19, s8;
	s4 =	sor.u32 s20, s8;
	v15 =	vadd.s32 $0x3600, v4;
	[tilespmem:s9+$0x8400] =	vst v11;
	v17 =	vld.idx.msk [tilespmem:v12+s3+$0x0], $0xffff  }
0x196: {  	v16 =	vadd.s32 $0x3600, v3;
	v9 =	vadd.s32 $0x5C00, v1;
	s20 =	simm.s32 $0x8080;
	s8 =	sor.u32 s14, s21;
	v11 =	vadd.s32 $0x5A00, v0;
	v18 =	vld.idx.msk [tilespmem:v21+s3+$0x0], $0xffff;
	[tilespmem:s4+$0x0] =	vst v20;
	s4 =	sor.u32 s13, s21  }
.LBB2_2:
0x197: {  	_ =	sdelay $0x1  }
0x198: {  	v12 =	vld [tilespmem:s20+$0x0];
	s21 =	smov.u32 s10;
	s10 =	smov.u32 s13;
	[tilespmem:s8+$0x0] =	vst v13  }
0x199: {  	v19 =	vadd.s32 $0x1200, v6;
	s13 =	smov.u32 s17;
	s17 =	sadd.s32 $0x12680, s12;
	[tilespmem:s4+$0x0] =	vst v14;
	s8 =	smov.u32 s11;
	v14 =	vld.idx.msk [tilespmem:v15+s3+$0x0], $0xffff  }
0x19a: {  	s6 =	sadd.s32 $0xA400, s18;
	v13 =	vadd.s32 $0x1200, v5;
	v15 =	vld.idx.msk [tilespmem:v16+s3+$0x0], $0xffff;
	[tilespmem:s5+$0x0] =	vst v10;
	s4 =	sor.u32 s8, s17  }
0x19b: {  	s7 =	sor.u32 s13, s6;
	s6 =	sor.u32 s16, s6;
	v10 =	vadd.s32 $0x7000, v2;
	[tilespmem:s4+$0x0] =	vst v7  }
0x19c: {  	v16 =	vadd.s32 $0x3800, v4;
	v11 =	vld.idx.msk [tilespmem:v11+s3+$0x0], $0xffff;
	[tilespmem:s6+$0x0] =	vst v17  }
0x19d: {  	v7 =	vadd.s32 $0x3800, v3;
	v9 =	vld.idx.msk [tilespmem:v9+s3+$0x0], $0xffff  }
0x19e: {  	s11 =	smov.u32 s14;
	[tilespmem:s7+$0x0] =	vst v18;
	s7 =	sadd.s32 $0xE580, s15;
	v17 =	vld.idx.msk [tilespmem:v19+s3+$0x0], $0xffff  }
0x19f: {  	v18 =	vadd.s32 $0x5C00, v0;
	s6 =	sor.u32 s11, s7;
	v13 =	vld.idx.msk [tilespmem:v13+s3+$0x0], $0xffff;
	[tilespmem:s0+$0x0] =	vst v8  }
0x1a0: {  	s14 =	smov.u32 s16;
	s9 =	sor.u32 s10, s7;
	v19 =	vadd.s32 $0x5E00, v1;
	[tilespmem:s6+$0x0] =	vst v14;
	v10 =	vld.idx.msk [tilespmem:v10+s3+$0x0], $0xffff  }
0x1a1: {  	s16 =	sadd.s32 $0x12700, s12;
	s5 =	sor.u32 s21, s17;
	s4 =	smov.u32 s18;
	v14 =	vadd.s32 $0x1400, v5;
	[tilespmem:s9+$0x0] =	vst v15;
	v15 =	vld.idx.msk [tilespmem:v16+s3+$0x0], $0xffff  }
0x1a2: {  	s17 =	sadd.s32 $0xA480, s4;
	v8 =	vadd.s32 $0x1400, v6;
	s0 =	sor.u32 s8, s16;
	v7 =	vld.idx.msk [tilespmem:v7+s3+$0x0], $0xffff;
	[tilespmem:s5+$0x0] =	vst v11  }
0x1a3: {  	s6 =	sor.u32 s14, s17;
	v11 =	vadd.s32 $0x7200, v2;
	[tilespmem:s0+$0x0] =	vst v9  }
0x1a4: {  	s18 =	sor.u32 s13, s17;
	v18 =	vld.idx.msk [tilespmem:v18+s3+$0x0], $0xffff;
	v9 =	vadd.s32 $0x3A00, v3;
	[tilespmem:s6+$0x0] =	vst v17  }
0x1a5: {  	s7 =	sadd.s32 $0xE600, s15;
	v16 =	vadd.s32 $0x3A00, v4;
	[tilespmem:s18+$0x0] =	vst v13;
	v17 =	vld.idx.msk [tilespmem:v19+s3+$0x0], $0xffff  }
0x1a6: {  	s0 =	sor.u32 s11, s7;
	v13 =	vadd.s32 $0x5E00, v0;
	v14 =	vld.idx.msk [tilespmem:v14+s3+$0x0], $0xffff;
	[tilespmem:s31+$0x0] =	vst v10  }
0x1a7: {  	s9 =	sor.u32 s10, s7;
	v8 =	vld.idx.msk [tilespmem:v8+s3+$0x0], $0xffff;
	[tilespmem:s0+$0x0] =	vst v15;
	v15 =	vadd.s32 $0x1600, v5  }
0x1a8: {  	s5 =	sor.u32 s21, s16;
	s16 =	sadd.s32 $0x12780, s12;
	v19 =	vadd.s32 $0x6000, v1;
	v11 =	vld.idx.msk [tilespmem:v11+s3+$0x0], $0xffff;
	[tilespmem:s9+$0x0] =	vst v7  }
0x1a9: {  	s17 =	sadd.s32 $0xA500, s4;
	v10 =	vadd.s32 $0x1600, v6;
	s0 =	sor.u32 s8, s16;
	v9 =	vld.idx.msk [tilespmem:v9+s3+$0x0], $0xffff;
	[tilespmem:s5+$0x0] =	vst v18  }
0x1aa: {  	s18 =	sor.u32 s13, s17;
	v7 =	vld.idx.msk [tilespmem:v16+s3+$0x0], $0xffff;
	v16 =	vadd.s32 $0x7400, v2;
	[tilespmem:s0+$0x0] =	vst v17  }
0x1ab: {  	s6 =	sor.u32 s14, s17;
	v13 =	vld.idx.msk [tilespmem:v13+s3+$0x0], $0xffff;
	[tilespmem:s18+$0x0] =	vst v14  }
0x1ac: {  	[tilespmem:s6+$0x0] =	vst v8;
	v8 =	vadd.s32 $0x3C00, v3;
	v15 =	vld.idx.msk [tilespmem:v15+s3+$0x0], $0xffff  }
0x1ad: {  	s7 =	sadd.s32 $0xE680, s15;
	v18 =	vadd.s32 $0x3C00, v4;
	v17 =	vld.idx.msk [tilespmem:v19+s3+$0x0], $0xffff  }
0x1ae: {  	v14 =	vadd.s32 $0x6000, v0;
	s0 =	sor.u32 s11, s7;
	[tilespmem:s30+$0x0] =	vst v11;
	v10 =	vld.idx.msk [tilespmem:v10+s3+$0x0], $0xffff  }
0x1af: {  	s9 =	sor.u32 s10, s7;
	[tilespmem:s0+$0x0] =	vst v7;
	v7 =	vld.idx.msk [tilespmem:v16+s3+$0x0], $0xffff;
	v16 =	vadd.s32 $0x1800, v5  }
0x1b0: {  	s5 =	sor.u32 s21, s16;
	s16 =	sadd.s32 $0x14400, s12;
	v19 =	vadd.s32 $0x6200, v1;
	[tilespmem:s9+$0x0] =	vst v9  }
0x1b1: {  	s17 =	sadd.s32 $0xA580, s4;
	v11 =	vadd.s32 $0x1800, v6;
	s0 =	sor.u32 s8, s16;
	v8 =	vld.idx.msk [tilespmem:v8+s3+$0x0], $0xffff;
	[tilespmem:s5+$0x0] =	vst v13  }
0x1b2: {  	s18 =	sor.u32 s13, s17;
	v9 =	vld.idx.msk [tilespmem:v18+s3+$0x0], $0xffff;
	[tilespmem:s0+$0x0] =	vst v17  }
0x1b3: {  	s6 =	sor.u32 s14, s17;
	v13 =	vadd.s32 $0x7600, v2;
	v14 =	vld.idx.msk [tilespmem:v14+s3+$0x0], $0xffff;
	[tilespmem:s18+$0x0] =	vst v15  }
0x1b4: {  	[tilespmem:s6+$0x0] =	vst v10;
	v10 =	vadd.s32 $0x3E00, v3;
	v16 =	vld.idx.msk [tilespmem:v16+s3+$0x0], $0xffff  }
0x1b5: {  	s7 =	sadd.s32 $0xE700, s15;
	v18 =	vadd.s32 $0x3E00, v4;
	v17 =	vld.idx.msk [tilespmem:v19+s3+$0x0], $0xffff  }
0x1b6: {  	v15 =	vadd.s32 $0x6200, v0;
	s0 =	sor.u32 s11, s7;
	[tilespmem:s29+$0x0] =	vst v7;
	v11 =	vld.idx.msk [tilespmem:v11+s3+$0x0], $0xffff  }
0x1b7: {  	s9 =	sor.u32 s10, s7;
	v19 =	vadd.s32 $0x6400, v1;
	[tilespmem:s0+$0x0] =	vst v9  }
0x1b8: {  	s5 =	sor.u32 s21, s16;
	s16 =	sadd.s32 $0x14480, s12;
	v7 =	vadd.s32 $0x1A00, v6;
	v9 =	vld.idx.msk [tilespmem:v13+s3+$0x0], $0xffff;
	[tilespmem:s9+$0x0] =	vst v8  }
0x1b9: {  	s17 =	sadd.s32 $0xA600, s4;
	s0 =	sor.u32 s8, s16;
	v13 =	vadd.s32 $0x1A00, v5;
	v10 =	vld.idx.msk [tilespmem:v10+s3+$0x0], $0xffff;
	[tilespmem:s5+$0x0] =	vst v14  }
0x1ba: {  	s6 =	sor.u32 s14, s17;
	v8 =	vld.idx.msk [tilespmem:v18+s3+$0x0], $0xffff;
	[tilespmem:s0+$0x0] =	vst v17  }
0x1bb: {  	v14 =	vadd.s32 $0x7800, v2;
	v15 =	vld.idx.msk [tilespmem:v15+s3+$0x0], $0xffff;
	[tilespmem:s6+$0x0] =	vst v11  }
0x1bc: {  	s18 =	sor.u32 s13, s17;
	v11 =	vadd.s32 $0x4000, v3;
	v17 =	vld.idx.msk [tilespmem:v19+s3+$0x0], $0xffff  }
0x1bd: {  	s7 =	sadd.s32 $0xE780, s15;
	v18 =	vadd.s32 $0x4000, v4;
	[tilespmem:s18+$0x0] =	vst v16;
	v7 =	vld.idx.msk [tilespmem:v7+s3+$0x0], $0xffff  }
0x1be: {  	v16 =	vadd.s32 $0x6400, v0;
	s0 =	sor.u32 s11, s7;
	v13 =	vld.idx.msk [tilespmem:v13+s3+$0x0], $0xffff;
	[tilespmem:s26+$0x0] =	vst v9  }
0x1bf: {  	s9 =	sor.u32 s10, s7;
	v19 =	vadd.s32 $0x6600, v1;
	[tilespmem:s0+$0x0] =	vst v8  }
0x1c0: {  	s5 =	sor.u32 s21, s16;
	s16 =	sadd.s32 $0x14500, s12;
	v9 =	vadd.s32 $0x1C00, v6;
	v8 =	vld.idx.msk [tilespmem:v14+s3+$0x0], $0xffff;
	[tilespmem:s9+$0x0] =	vst v10  }
0x1c1: {  	s17 =	sadd.s32 $0xA680, s4;
	s0 =	sor.u32 s8, s16;
	v14 =	vadd.s32 $0x1C00, v5;
	v11 =	vld.idx.msk [tilespmem:v11+s3+$0x0], $0xffff;
	[tilespmem:s5+$0x0] =	vst v15  }
0x1c2: {  	s6 =	sor.u32 s14, s17;
	v10 =	vld.idx.msk [tilespmem:v18+s3+$0x0], $0xffff;
	[tilespmem:s0+$0x0] =	vst v17  }
0x1c3: {  	v15 =	vadd.s32 $0x7A00, v2;
	v16 =	vld.idx.msk [tilespmem:v16+s3+$0x0], $0xffff;
	[tilespmem:s6+$0x0] =	vst v7  }
0x1c4: {  	s26 =	sor.u32 s13, s17;
	v7 =	vadd.s32 $0x4200, v3;
	v17 =	vld.idx.msk [tilespmem:v19+s3+$0x0], $0xffff  }
0x1c5: {  	v18 =	vadd.s32 $0x4200, v4;
	[tilespmem:s26+$0x0] =	vst v13;
	s6 =	sadd.s32 $0x10400, s15;
	v9 =	vld.idx.msk [tilespmem:v9+s3+$0x0], $0xffff  }
0x1c6: {  	v13 =	vadd.s32 $0x6600, v0;
	v14 =	vld.idx.msk [tilespmem:v14+s3+$0x0], $0xffff;
	s0 =	sor.u32 s11, s6;
	[tilespmem:s25+$0x0] =	vst v8  }
0x1c7: {  	s7 =	sor.u32 s10, s6;
	v19 =	vadd.s32 $0x6800, v1;
	[tilespmem:s0+$0x0] =	vst v10  }
0x1c8: {  	s18 =	sor.u32 s21, s16;
	s9 =	sadd.s32 $0x14580, s12;
	v8 =	vadd.s32 $0x1E00, v6;
	v10 =	vld.idx.msk [tilespmem:v15+s3+$0x0], $0xffff;
	[tilespmem:s7+$0x0] =	vst v11  }
0x1c9: {  	s16 =	sadd.s32 $0xA700, s4;
	s0 =	sor.u32 s8, s9;
	v15 =	vadd.s32 $0x1E00, v5;
	v7 =	vld.idx.msk [tilespmem:v7+s3+$0x0], $0xffff;
	[tilespmem:s18+$0x0] =	vst v16  }
0x1ca: {  	s6 =	sor.u32 s14, s16;
	v11 =	vld.idx.msk [tilespmem:v18+s3+$0x0], $0xffff;
	[tilespmem:s0+$0x0] =	vst v17  }
0x1cb: {  	v16 =	vadd.s32 $0x7C00, v2;
	v13 =	vld.idx.msk [tilespmem:v13+s3+$0x0], $0xffff;
	[tilespmem:s6+$0x0] =	vst v9  }
0x1cc: {  	s18 =	sor.u32 s13, s16;
	v9 =	vadd.s32 $0x4400, v3;
	v17 =	vld.idx.msk [tilespmem:v19+s3+$0x0], $0xffff  }
0x1cd: {  	s25 =	sadd.s32 $0x10480, s15;
	v18 =	vadd.s32 $0x4400, v4;
	[tilespmem:s18+$0x0] =	vst v14;
	v8 =	vld.idx.msk [tilespmem:v8+s3+$0x0], $0xffff  }
0x1ce: {  	v14 =	vadd.s32 $0x6800, v0;
	s0 =	sor.u32 s11, s25;
	v15 =	vld.idx.msk [tilespmem:v15+s3+$0x0], $0xffff;
	[tilespmem:s24+$0x0] =	vst v10  }
0x1cf: {  	s26 =	sor.u32 s10, s25;
	v19 =	vadd.s32 $0x6A00, v1;
	[tilespmem:s0+$0x0] =	vst v11  }
0x1d0: {  	s17 =	sor.u32 s21, s9;
	s6 =	sadd.s32 $0x14600, s12;
	v10 =	vadd.s32 $0x2000, v6;
	v11 =	vld.idx.msk [tilespmem:v16+s3+$0x0], $0xffff;
	[tilespmem:s26+$0x0] =	vst v7  }
0x1d1: {  	s7 =	sadd.s32 $0xA780, s4;
	s0 =	sor.u32 s8, s6;
	v16 =	vadd.s32 $0x2000, v5;
	v9 =	vld.idx.msk [tilespmem:v9+s3+$0x0], $0xffff;
	[tilespmem:s17+$0x0] =	vst v13  }
0x1d2: {  	s9 =	sor.u32 s21, s6;
	s6 =	sor.u32 s14, s7;
	v7 =	vld.idx.msk [tilespmem:v18+s3+$0x0], $0xffff;
	[tilespmem:s0+$0x0] =	vst v17  }
0x1d3: {  	v13 =	vadd.s32 $0x7E00, v2;
	v2 =	vmov v0;
	v0 =	vmov v3;
	v14 =	vld.idx.msk [tilespmem:v14+s3+$0x0], $0xffff;
	[tilespmem:s6+$0x0] =	vst v8  }
0x1d4: {  	s16 =	sor.u32 s13, s7;
	v8 =	vadd.s32 $0x4600, v0;
	v17 =	vld.idx.msk [tilespmem:v19+s3+$0x0], $0xffff  }
0x1d5: {  	v3 =	vmov v5;
	v5 =	vmov v12;
	v12 =	vadd.s32 $0x4600, v4;
	s17 =	sadd.s32 $0x10500, s15;
	[tilespmem:s16+$0x0] =	vst v15;
	v10 =	vld.idx.msk [tilespmem:v10+s3+$0x0], $0xffff  }
0x1d6: {  	v15 =	vadd.s32 $0x6A00, v2;
	s0 =	sor.u32 s11, s17;
	v16 =	vld.idx.msk [tilespmem:v16+s3+$0x0], $0xffff;
	[tilespmem:s22+$0x0] =	vst v11  }
0x1d7: {  	v18 =	vadd.s32 $0x6C00, v1;
	s18 =	sor.u32 s10, s17;
	[tilespmem:s0+$0x0] =	vst v7  }
0x1d8: {  	v11 =	vadd.s32 $0x2200, v6;
	s22 =	sadd.s32 $0x14680, s12;
	v7 =	vld.idx.msk [tilespmem:v13+s3+$0x0], $0xffff;
	[tilespmem:s18+$0x0] =	vst v9  }
0x1d9: {  	s24 =	sadd.s32 $0xC400, s4;
	s0 =	sor.u32 s8, s22;
	v13 =	vadd.s32 $0x2200, v3;
	v8 =	vld.idx.msk [tilespmem:v8+s3+$0x0], $0xffff;
	[tilespmem:s9+$0x0] =	vst v14  }
0x1da: {  	s6 =	sor.u32 s14, s24;
	v9 =	vld.idx.msk [tilespmem:v12+s3+$0x0], $0xffff;
	[tilespmem:s0+$0x0] =	vst v17  }
0x1db: {  	s23 =	sadd.s32 $0x20, s23;
	v12 =	vadd.s32 $0x4800, v4;
	v14 =	vld.idx.msk [tilespmem:v15+s3+$0x0], $0xffff;
	[tilespmem:s6+$0x0] =	vst v10  }
0x1dc: {  	s25 =	sor.u32 s13, s24;
	s18 =	sand.u32 $0x60, s23;
	v10 =	vadd.s32 $0x4800, v0;
	v15 =	vld.idx.msk [tilespmem:v18+s3+$0x0], $0xffff  }
0x1dd: {  	s26 =	sand.u32 $0x380, s23;
	s16 =	sor.u32 $0x10, s18;
	s9 =	sadd.s32 $0x10580, s15;
	[tilespmem:s25+$0x0] =	vst v16;
	v11 =	vld.idx.msk [tilespmem:v11+s3+$0x0], $0xffff  }
0x1de: {  	v16 =	vadd.s32 $0x6C00, v2;
	s0 =	sor.u32 s16, s26;
	s17 =	sor.u32 s11, s9;
	v13 =	vld.idx.msk [tilespmem:v13+s3+$0x0], $0xffff;
	[tilespmem:s19+$0x0] =	vst v7  }
0x1df: {  	s5 =	sor.u32 s21, s22;
	v17 =	vadd.s32 $0x6E00, v1;
	s22 =	sor.u32 s10, s9;
	v7 =	vld [tilespmem:s0+$0x8000];
	[tilespmem:s17+$0x0] =	vst v9  }
0x1e0: {  	s24 =	sadd.s32 $0x14700, s12;
	v18 =	vadd.s32 $0x2400, v6;
	[tilespmem:s22+$0x0] =	vst v8;
	v8 =	vld.idx.msk [tilespmem:v12+s3+$0x0], $0xffff  }
0x1e1: {  	s25 =	sadd.s32 $0xC480, s4;
	v9 =	vadd.s32 $0x2400, v3;
	s0 =	sor.u32 s8, s24;
	v10 =	vld.idx.msk [tilespmem:v10+s3+$0x0], $0xffff;
	[tilespmem:s5+$0x0] =	vst v14  }
0x1e2: {  	s6 =	sor.u32 s14, s25;
	[tilespmem:s0+$0x0] =	vst v15  }
0x1e3: {  	v12 =	vadd.s32 $0x4A00, v4;
	v14 =	vld.idx.msk [tilespmem:v16+s3+$0x0], $0xffff;
	[tilespmem:s6+$0x0] =	vst v11  }
0x1e4: {  	s9 =	sor.u32 s13, s25;
	s17 =	sadd.s32 $0x10600, s15;
	v11 =	vld.idx.msk [tilespmem:v17+s3+$0x0], $0xffff  }
0x1e5: {  	[tilespmem:s9+$0x0] =	vst v13;
	v15 =	vadd.s32 $0x4A00, v0;
	s0 =	sor.u32 s11, s17;
	v13 =	vld.idx.msk [tilespmem:v18+s3+$0x0], $0xffff  }
0x1e6: {  	s19 =	sor.u32 s10, s17;
	v16 =	vadd.s32 $0x7000, v1;
	v9 =	vld.idx.msk [tilespmem:v9+s3+$0x0], $0xffff;
	[tilespmem:s0+$0x0] =	vst v8  }
0x1e7: {  	s26 =	sor.u32 s21, s24;
	s22 =	sadd.s32 $0x14780, s12;
	v17 =	vld.idx.msk [tilespmem:v5+s3+$0x0], $0xffff;
	v18 =	vadd.s32 $0x2600, v6;
	[tilespmem:s19+$0x0] =	vst v10  }
0x1e8: {  	s24 =	sadd.s32 $0xC500, s4;
	v8 =	vadd.s32 $0x2600, v3;
	v10 =	vld.idx.msk [tilespmem:v12+s3+$0x0], $0xffff;
	[tilespmem:s26+$0x0] =	vst v14;
	s26 =	sor.u32 s8, s22  }
0x1e9: {  	s7 =	sor.u32 s14, s24;
	v12 =	vld.idx.msk [tilespmem:v7+s3+$0x0], $0xffff;
	[tilespmem:s26+$0x0] =	vst v11  }
0x1ea: {  	s28 =	sadd.s32 $0x100, s28;
	v14 =	vadd.s32 $0x6E00, v2;
	v15 =	vld.idx.msk [tilespmem:v15+s3+$0x0], $0xffff;
	[tilespmem:s7+$0x0] =	vst v13  }
0x1eb: {  	s29 =	sand.u32 $0x1C00, s28;
	v19 =	vadd.s32 $0x4C00, v4;
	s0 =	sor.u32 s13, s24;
	v13 =	vld.idx.msk [tilespmem:v16+s3+$0x0], $0xffff  }
0x1ec: {  	s25 =	sor.u32 s21, s22;
	s9 =	sor.u32 s28, s23;
	s17 =	sadd.s32 $0x10680, s15;
	[tilespmem:s0+$0x0] =	vst v9;
	v11 =	vadd.s32 $0x200, v7;
	v9 =	vld.idx.msk [tilespmem:v18+s3+$0x0], $0xffff  }
0x1ed: {  	s19 =	sor.u32 $0x380, s9;
	s9 =	sor.u32 s11, s17;
	s22 =	sadd.s32 $0x8400, s29;
	v16 =	vadd.s32 $0x200, v5;
	v18 =	vld.idx.msk [tilespmem:v8+s3+$0x0], $0xffff  }
0x1ee: {  	s5 =	sor.u32 s18, s22;
	s22 =	sor.u32 s16, s22;
	[tilespmem:s9+$0x0] =	vst v10;
	v10 =	vadd.s32 $0x2800, v3  }
0x1ef: {  	v20 =	vadd.s32 $0x7200, v1;
	s24 =	sadd.s32 $0x16400, s12;
	v8 =	vld.idx.msk [tilespmem:v14+s3+$0x0], $0xffff;
	[tilespmem:s22+$0x0] =	vst v12  }
0x1f0: {  	v21 =	vadd.s32 $0x2800, v6;
	[dreg:$0x3] =	wrdreg s25;
	s25 =	sadd.s32 $0xC580, s4;
	s7 =	sor.u32 s8, s24;
	[tilespmem:s5+$0x0] =	vst v17;
	v12 =	vld.idx.msk [tilespmem:v19+s3+$0x0], $0xffff  }
0x1f1: {  	s26 =	sor.u32 s13, s25;
	v11 =	vld.idx.msk [tilespmem:v11+s3+$0x0], $0xffff;
	[tilespmem:s7+$0x0] =	vst v13  }
0x1f2: {  	s9 =	sor.u32 s14, s25;
	v14 =	vadd.s32 $0x4C00, v0;
	v16 =	vld.idx.msk [tilespmem:v16+s3+$0x0], $0xffff;
	[tilespmem:s26+$0x0] =	vst v18  }
0x1f3: {  	v17 =	vadd.s32 $0x4E00, v4;
	[tilespmem:s9+$0x0] =	vst v9;
	v10 =	vld.idx.msk [tilespmem:v10+s3+$0x0], $0xffff  }
0x1f4: {  	s6 =	sor.u32 s10, s17;
	v13 =	vadd.s32 $0x400, v7;
	s9 =	sadd.s32 $0x10700, s15;
	v9 =	vld.idx.msk [tilespmem:v20+s3+$0x0], $0xffff  }
0x1f5: {  	v19 =	vadd.s32 $0x400, v5;
	[tilespmem:s6+$0x0] =	vst v15;
	v18 =	vld.idx.msk [tilespmem:v21+s3+$0x0], $0xffff;
	s7 =	sor.u32 s11, s9  }
0x1f6: {  	v15 =	vadd.s32 $0x7400, v1;
	[tilespmem:s7+$0x0] =	vst v12  }
0x1f7: {  	s0 =	sor.u32 s21, s24;
	s24 =	sadd.s32 $0x16480, s12;
	v14 =	vld.idx.msk [tilespmem:v14+s3+$0x0], $0xffff;
	[tilespmem:s22+$0x80] =	vst v11;
	v11 =	vadd.s32 $0x2A00, v3  }
0x1f8: {  	s25 =	sadd.s32 $0xC600, s4;
	v20 =	vadd.s32 $0x2A00, v6;
	s7 =	sor.u32 s8, s24;
	v12 =	vld.idx.msk [tilespmem:v17+s3+$0x0], $0xffff;
	[tilespmem:s5+$0x80] =	vst v16  }
0x1f9: {  	s17 =	sor.u32 s10, s9;
	s9 =	sor.u32 s14, s25;
	v13 =	vld.idx.msk [tilespmem:v13+s3+$0x0], $0xffff;
	v16 =	vadd.s32 $0x4E00, v0;
	[tilespmem:s7+$0x0] =	vst v9  }
0x1fa: {  	s26 =	sor.u32 s13, s25;
	v17 =	vld.idx.msk [tilespmem:v19+s3+$0x0], $0xffff;
	v19 =	vadd.s32 $0x5000, v4;
	[tilespmem:s9+$0x0] =	vst v18  }
0x1fb: {  	[tilespmem:s26+$0x0] =	vst v10;
	v9 =	vadd.s32 $0x600, v7;
	s9 =	sadd.s32 $0x10780, s15;
	v15 =	vld.idx.msk [tilespmem:v15+s3+$0x0], $0xffff  }
0x1fc: {  	v18 =	vadd.s32 $0x600, v5;
	v11 =	vld.idx.msk [tilespmem:v11+s3+$0x0], $0xffff;
	[tilespmem:s17+$0x0] =	vst v14;
	s7 =	sor.u32 s11, s9  }
0x1fd: {  	v10 =	vld.idx.msk [tilespmem:v20+s3+$0x0], $0xffff;
	[tilespmem:s7+$0x0] =	vst v12;
	v12 =	vadd.s32 $0x2C00, v3  }
0x1fe: {  	s31 =	sor.u32 s21, s24;
	s24 =	sadd.s32 $0x16500, s12;
	v14 =	vadd.s32 $0x7600, v1;
	v16 =	vld.idx.msk [tilespmem:v16+s3+$0x0], $0xffff;
	[tilespmem:s22+$0x100] =	vst v13  }
0x1ff: {  	s25 =	sadd.s32 $0xC680, s4;
	v20 =	vadd.s32 $0x2C00, v6;
	s7 =	sor.u32 s8, s24;
	[tilespmem:s5+$0x100] =	vst v17;
	v13 =	vld.idx.msk [tilespmem:v19+s3+$0x0], $0xffff  }
0x200: {  	s26 =	sor.u32 s13, s25;
	v9 =	vld.idx.msk [tilespmem:v9+s3+$0x0], $0xffff;
	[tilespmem:s7+$0x0] =	vst v15  }
0x201: {  	s17 =	sor.u32 s10, s9;
	s9 =	sor.u32 s14, s25;
	v17 =	vadd.s32 $0x5000, v0;
	v18 =	vld.idx.msk [tilespmem:v18+s3+$0x0], $0xffff;
	[tilespmem:s26+$0x0] =	vst v11  }
0x202: {  	v19 =	vadd.s32 $0x5200, v4;
	[tilespmem:s9+$0x0] =	vst v10;
	v12 =	vld.idx.msk [tilespmem:v12+s3+$0x0], $0xffff  }
0x203: {  	v15 =	vadd.s32 $0x800, v7;
	s9 =	sadd.s32 $0x12400, s15;
	v10 =	vld.idx.msk [tilespmem:v14+s3+$0x0], $0xffff  }
0x204: {  	[tilespmem:s17+$0x0] =	vst v16;
	v14 =	vadd.s32 $0x800, v5;
	v11 =	vld.idx.msk [tilespmem:v20+s3+$0x0], $0xffff;
	s7 =	sor.u32 s11, s9  }
0x205: {  	v16 =	vadd.s32 $0x7800, v1;
	[tilespmem:s7+$0x0] =	vst v13  }
0x206: {  	s17 =	sadd.s32 $0x16580, s12;
	v17 =	vld.idx.msk [tilespmem:v17+s3+$0x0], $0xffff;
	[tilespmem:s22+$0x180] =	vst v9;
	v9 =	vadd.s32 $0x2E00, v3  }
0x207: {  	s30 =	sor.u32 s21, s24;
	s24 =	sadd.s32 $0xC700, s4;
	v20 =	vadd.s32 $0x2E00, v6;
	s7 =	sor.u32 s8, s17;
	[tilespmem:s5+$0x180] =	vst v18;
	v13 =	vld.idx.msk [tilespmem:v19+s3+$0x0], $0xffff  }
0x208: {  	s6 =	sor.u32 s10, s9;
	s9 =	sor.u32 s14, s24;
	v18 =	vadd.s32 $0x5200, v0;
	v15 =	vld.idx.msk [tilespmem:v15+s3+$0x0], $0xffff;
	[tilespmem:s7+$0x0] =	vst v10  }
0x209: {  	s25 =	sor.u32 s13, s24;
	v19 =	vadd.s32 $0x5400, v4;
	v14 =	vld.idx.msk [tilespmem:v14+s3+$0x0], $0xffff;
	[tilespmem:s9+$0x0] =	vst v11  }
0x20a: {  	v10 =	vadd.s32 $0xA00, v7;
	[tilespmem:s25+$0x0] =	vst v12;
	s9 =	sadd.s32 $0x12480, s15;
	v11 =	vld.idx.msk [tilespmem:v16+s3+$0x0], $0xffff  }
0x20b: {  	v16 =	vadd.s32 $0xA00, v5;
	v9 =	vld.idx.msk [tilespmem:v9+s3+$0x0], $0xffff;
	[tilespmem:s6+$0x0] =	vst v17;
	s7 =	sor.u32 s11, s9  }
0x20c: {  	v12 =	vld.idx.msk [tilespmem:v20+s3+$0x0], $0xffff;
	[tilespmem:s7+$0x0] =	vst v13;
	v13 =	vadd.s32 $0x3000, v3  }
0x20d: {  	s26 =	sor.u32 s21, s17;
	s17 =	sadd.s32 $0x16600, s12;
	v17 =	vadd.s32 $0x7A00, v1;
	v18 =	vld.idx.msk [tilespmem:v18+s3+$0x0], $0xffff;
	[tilespmem:s22+$0x200] =	vst v15  }
0x20e: {  	s24 =	sadd.s32 $0xC780, s4;
	v20 =	vadd.s32 $0x3000, v6;
	s7 =	sor.u32 s8, s17;
	v15 =	vld.idx.msk [tilespmem:v19+s3+$0x0], $0xffff;
	[tilespmem:s5+$0x200] =	vst v14  }
0x20f: {  	s25 =	sor.u32 s21, s17;
	s17 =	sor.u32 s13, s24;
	v10 =	vld.idx.msk [tilespmem:v10+s3+$0x0], $0xffff;
	[tilespmem:s7+$0x0] =	vst v11  }
0x210: {  	s6 =	sor.u32 s10, s9;
	s9 =	sor.u32 s14, s24;
	v14 =	vadd.s32 $0x5400, v0;
	v16 =	vld.idx.msk [tilespmem:v16+s3+$0x0], $0xffff;
	[tilespmem:s17+$0x0] =	vst v9  }
0x211: {  	v19 =	vadd.s32 $0x5600, v4;
	[tilespmem:s9+$0x0] =	vst v12;
	v13 =	vld.idx.msk [tilespmem:v13+s3+$0x0], $0xffff  }
0x212: {  	s24 =	sadd.s32 $0x12500, s15;
	v11 =	vadd.s32 $0xC00, v7;
	v12 =	vld.idx.msk [tilespmem:v17+s3+$0x0], $0xffff  }
0x213: {  	s7 =	sor.u32 s11, s24;
	[tilespmem:s6+$0x0] =	vst v18;
	v17 =	vadd.s32 $0xC00, v5;
	v9 =	vld.idx.msk [tilespmem:v20+s3+$0x0], $0xffff  }
0x214: {  	v18 =	vadd.s32 $0x7C00, v1;
	[tilespmem:s7+$0x0] =	vst v15  }
0x215: {  	v20 =	vadd.s32 $0x3200, v6;
	v14 =	vld.idx.msk [tilespmem:v14+s3+$0x0], $0xffff;
	s7 =	sadd.s32 $0x16680, s12;
	[tilespmem:s22+$0x280] =	vst v10  }
0x216: {  	s9 =	sadd.s32 $0xE400, s4;
	v10 =	vadd.s32 $0x3200, v3;
	s22 =	sor.u32 s8, s7;
	v15 =	vld.idx.msk [tilespmem:v19+s3+$0x0], $0xffff;
	[tilespmem:s5+$0x280] =	vst v16  }
0x217: {  	s2 =	sadd.s32 $0x1, s2;
	v11 =	vld.idx.msk [tilespmem:v11+s3+$0x0], $0xffff;
	s5 =	sor.u32 s14, s9;
	[tilespmem:s22+$0x0] =	vst v12  }
0x218: {  	s6 =	sor.u32 s10, s24;
	s24 =	sand.u32 $0x3, s2;
	v16 =	vadd.s32 $0x5600, v0;
	v17 =	vld.idx.msk [tilespmem:v17+s3+$0x0], $0xffff;
	[tilespmem:s5+$0x0] =	vst v9  }
0x219: {  	s17 =	sor.u32 s13, s9;
	v19 =	vadd.s32 $0x5800, v4;
	s22 =	sshll.u32 s24, $0x5;
	v9 =	vld.idx.msk [tilespmem:v18+s3+$0x0], $0xffff  }
0x21a: {  	v12 =	vadd.s32 $0xE00, v7;
	s24 =	sor.u32 s21, s7;
	[tilespmem:s17+$0x0] =	vst v13;
	s7 =	sadd.s32 $0x12580, s15;
	s22 =	sadd.s32 s22, s28;
	v13 =	vld.idx.msk [tilespmem:v20+s3+$0x0], $0xffff  }
0x21b: {  	v18 =	vadd.s32 $0xE00, v5;
	s17 =	sadd.s32 $0x10, s22;
	v10 =	vld.idx.msk [tilespmem:v10+s3+$0x0], $0xffff;
	[tilespmem:s6+$0x0] =	vst v14;
	s6 =	sor.u32 s11, s7  }
0x21c: {  	s9 =	sor.u32 $0x300, s22;
	v14 =	vadd.s32 $0x7E00, v1;
	s22 =	sor.u32 $0x300, s17;
	[tilespmem:s6+$0x0] =	vst v15  }
0x21d: {  	s5 =	sadd.s32 $0x16700, s12;
	v1 =	vmov v4;
	v4 =	vmov v6;
	v16 =	vld.idx.msk [tilespmem:v16+s3+$0x0], $0xffff;
	[tilespmem:s22+$0x8400] =	vst v11;
	v11 =	vadd.s32 $0x3400, v3  }
0x21e: {  	v6 =	vmov v7;
	v7 =	vadd.s32 $0x3400, v4;
	s6 =	sadd.s32 $0xE480, s4;
	s22 =	sor.u32 s21, s5;
	s5 =	sor.u32 s8, s5;
	v19 =	vld.idx.msk [tilespmem:v19+s3+$0x0], $0xffff;
	[tilespmem:s9+$0x8400] =	vst v17  }
0x21f: {  	v12 =	vld.idx.msk [tilespmem:v12+s3+$0x0], $0xffff;
	v17 =	vadd.s32 $0x5800, v0;
	s9 =	sor.u32 s13, s6;
	s6 =	sor.u32 s14, s6;
	[tilespmem:s5+$0x0] =	vst v9  }
0x220: {  	s1 =	sadd.s32 $0x2, s1;
	s20 =	sadd.s32 $0x20, s20;
	v20 =	vadd.s32 $0x5A00, v1;
	v18 =	vld.idx.msk [tilespmem:v18+s3+$0x0], $0xffff;
	[tilespmem:s6+$0x0] =	vst v13  }
0x221: {  	p0 =	slt.u32 s1, $0x3E;
	s7 =	sor.u32 s10, s7;
	v9 =	vadd.s32 $0x1000, v6;
	[tilespmem:s9+$0x0] =	vst v10;
	s9 =	sadd.s32 $0x12600, s15;
	v63 =	vld.idx.msk [tilespmem:v14+s3+$0x0], $0xffff  }
0x222: {  	v22 =	vadd.s32 $0x1000, v5;
	s5 =	sor.u32 s10, s9;
	s6 =	sor.u32 s11, s9;
	s9 =	sor.u32 $0x380, s17;
	v14 =	vld.idx.msk [tilespmem:v11+s3+$0x0], $0xffff;
	[tilespmem:s7+$0x0] =	vst v16  }
.Ltmp0:
0x223: {  	s17 =	smov.u32 s18;
	s18 =	smov.u32 s29;
	v13 =	vld.idx.msk [tilespmem:v7+s3+$0x0], $0xffff;
	[tilespmem:s6+$0x0] =	vst v19;
	(pc) =	sbr.rel @p0 .LBB2_2-.Ltmp0, $4  }
0x224: {  	s29 =	smov.u32 s30;
	s30 =	smov.u32 s31;
	s31 =	smov.u32 s0;
	v10 =	vld.idx.msk [tilespmem:v17+s3+$0x0], $0xffff;
	[tilespmem:s9+$0x8400] =	vst v12  }
0x225: {  	s7 =	sadd.s32 $0x16780, s12;
	s12 =	smov.u32 s15;
	s15 =	smov.u32 s4;
	v7 =	vld.idx.msk [tilespmem:v20+s3+$0x0], $0xffff  }
0x226: {  	v15 =	vadd.s32 $0x3600, v4;
	s0 =	rddreg [dreg:$0x3];
	s6 =	sor.u32 s8, s7;
	s9 =	sadd.s32 $0xE500, s15;
	[tilespmem:s19+$0x8400] =	vst v18;
	v17 =	vld.idx.msk [tilespmem:v9+s3+$0x0], $0xffff  }
0x227: {  	v16 =	vadd.s32 $0x3600, v3;
	v11 =	vadd.s32 $0x5A00, v0;
	s19 =	sor.u32 s21, s7;
	s4 =	sor.u32 s13, s9;
	s8 =	sor.u32 s14, s9;
	v9 =	vadd.s32 $0x5C00, v1;
	v18 =	vld.idx.msk [tilespmem:v22+s3+$0x0], $0xffff;
	[tilespmem:s6+$0x0] =	vst v63  }
0x228: {  	v12 =	vadd.s32 $0x1200, v6  }
0x229: {  	v19 =	vadd.s32 $0x1200, v5  }
0x22a: {  	s1 =	sadd.s32 $0xA400, s18  }
0x22b: {  	s2 =	sor.u32 s16, s1  }
0x22c: {  	s1 =	sor.u32 s17, s1;
	[tilespmem:s2+$0x0] =	vst v17  }
0x22d: {  	[tilespmem:s1+$0x0] =	vst v18;
	v12 =	vld.idx.msk [tilespmem:v12+s3+$0x0], $0xffff  }
0x22e: {  	v36 =	vadd.s32 $0x1400, v6;
	v35 =	vld.idx.msk [tilespmem:v19+s3+$0x0], $0xffff  }
0x22f: {  	v37 =	vadd.s32 $0x1400, v5  }
0x230: {  	s20 =	sadd.s32 $0xA480, s18  }
0x231: {  	s21 =	sor.u32 s16, s20  }
0x232: {  	s1 =	sor.u32 s17, s20;
	[tilespmem:s21+$0x0] =	vst v12  }
0x233: {  	[tilespmem:s1+$0x0] =	vst v35;
	v12 =	vld.idx.msk [tilespmem:v36+s3+$0x0], $0xffff  }
0x234: {  	v38 =	vadd.s32 $0x1600, v6;
	v17 =	vld.idx.msk [tilespmem:v37+s3+$0x0], $0xffff  }
0x235: {  	v39 =	vadd.s32 $0x1600, v5  }
0x236: {  	s23 =	sadd.s32 $0xA500, s18  }
0x237: {  	s28 =	sor.u32 s16, s23  }
0x238: {  	s1 =	sor.u32 s17, s23;
	[tilespmem:s28+$0x0] =	vst v12  }
0x239: {  	[tilespmem:s1+$0x0] =	vst v17;
	v12 =	vld.idx.msk [tilespmem:v38+s3+$0x0], $0xffff  }
0x23a: {  	v40 =	vadd.s32 $0x1800, v6;
	v17 =	vld.idx.msk [tilespmem:v39+s3+$0x0], $0xffff  }
0x23b: {  	v41 =	vadd.s32 $0x1800, v5  }
0x23c: {  	s2 =	sadd.s32 $0xA580, s18  }
0x23d: {  	s6 =	sor.u32 s16, s2  }
0x23e: {  	s1 =	sor.u32 s17, s2;
	[tilespmem:s6+$0x0] =	vst v12  }
0x23f: {  	[tilespmem:s1+$0x0] =	vst v17;
	v12 =	vld.idx.msk [tilespmem:v40+s3+$0x0], $0xffff  }
0x240: {  	v42 =	vadd.s32 $0x1A00, v6;
	v17 =	vld.idx.msk [tilespmem:v41+s3+$0x0], $0xffff  }
0x241: {  	v43 =	vadd.s32 $0x1A00, v5  }
0x242: {  	s7 =	sadd.s32 $0xA600, s18  }
0x243: {  	s9 =	sor.u32 s16, s7  }
0x244: {  	s1 =	sor.u32 s17, s7;
	[tilespmem:s9+$0x0] =	vst v12  }
0x245: {  	[tilespmem:s1+$0x0] =	vst v17;
	v12 =	vld.idx.msk [tilespmem:v42+s3+$0x0], $0xffff  }
0x246: {  	v44 =	vadd.s32 $0x1C00, v6;
	v17 =	vld.idx.msk [tilespmem:v43+s3+$0x0], $0xffff  }
0x247: {  	v45 =	vadd.s32 $0x1C00, v5  }
0x248: {  	s20 =	sadd.s32 $0xA680, s18  }
0x249: {  	s21 =	sor.u32 s16, s20  }
0x24a: {  	s1 =	sor.u32 s17, s20;
	[tilespmem:s21+$0x0] =	vst v12  }
0x24b: {  	[tilespmem:s1+$0x0] =	vst v17;
	v12 =	vld.idx.msk [tilespmem:v44+s3+$0x0], $0xffff  }
0x24c: {  	v46 =	vadd.s32 $0x1E00, v6;
	v17 =	vld.idx.msk [tilespmem:v45+s3+$0x0], $0xffff  }
0x24d: {  	v47 =	vadd.s32 $0x1E00, v5  }
0x24e: {  	s23 =	sadd.s32 $0xA700, s18  }
0x24f: {  	s28 =	sor.u32 s16, s23  }
0x250: {  	s1 =	sor.u32 s17, s23;
	[tilespmem:s28+$0x0] =	vst v12  }
0x251: {  	[tilespmem:s1+$0x0] =	vst v17;
	v12 =	vld.idx.msk [tilespmem:v46+s3+$0x0], $0xffff  }
0x252: {  	v48 =	vadd.s32 $0x2000, v6;
	v17 =	vld.idx.msk [tilespmem:v47+s3+$0x0], $0xffff  }
0x253: {  	v49 =	vadd.s32 $0x2000, v5  }
0x254: {  	s2 =	sadd.s32 $0xA780, s18  }
0x255: {  	s6 =	sor.u32 s16, s2  }
0x256: {  	s1 =	sor.u32 s17, s2;
	[tilespmem:s6+$0x0] =	vst v12  }
0x257: {  	[tilespmem:s1+$0x0] =	vst v17;
	v12 =	vld.idx.msk [tilespmem:v48+s3+$0x0], $0xffff  }
0x258: {  	v50 =	vadd.s32 $0x2200, v6;
	v17 =	vld.idx.msk [tilespmem:v49+s3+$0x0], $0xffff  }
0x259: {  	v51 =	vadd.s32 $0x2200, v5  }
0x25a: {  	s7 =	sadd.s32 $0xC400, s18  }
0x25b: {  	s9 =	sor.u32 s16, s7  }
0x25c: {  	s1 =	sor.u32 s17, s7;
	[tilespmem:s9+$0x0] =	vst v12  }
0x25d: {  	[tilespmem:s1+$0x0] =	vst v17;
	v12 =	vld.idx.msk [tilespmem:v50+s3+$0x0], $0xffff  }
0x25e: {  	v52 =	vadd.s32 $0x2400, v6;
	v17 =	vld.idx.msk [tilespmem:v51+s3+$0x0], $0xffff  }
0x25f: {  	v53 =	vadd.s32 $0x2400, v5  }
0x260: {  	s20 =	sadd.s32 $0xC480, s18  }
0x261: {  	s21 =	sor.u32 s16, s20  }
0x262: {  	s1 =	sor.u32 s17, s20;
	[tilespmem:s21+$0x0] =	vst v12  }
0x263: {  	[tilespmem:s1+$0x0] =	vst v17;
	v12 =	vld.idx.msk [tilespmem:v52+s3+$0x0], $0xffff  }
0x264: {  	v54 =	vadd.s32 $0x2600, v6;
	v17 =	vld.idx.msk [tilespmem:v53+s3+$0x0], $0xffff  }
0x265: {  	v55 =	vadd.s32 $0x2600, v5  }
0x266: {  	s23 =	sadd.s32 $0xC500, s18  }
0x267: {  	s28 =	sor.u32 s16, s23  }
0x268: {  	s1 =	sor.u32 s17, s23;
	[tilespmem:s28+$0x0] =	vst v12  }
0x269: {  	[tilespmem:s1+$0x0] =	vst v17;
	v12 =	vld.idx.msk [tilespmem:v54+s3+$0x0], $0xffff  }
0x26a: {  	v56 =	vadd.s32 $0x2800, v6;
	v17 =	vld.idx.msk [tilespmem:v55+s3+$0x0], $0xffff  }
0x26b: {  	v57 =	vadd.s32 $0x2800, v5  }
0x26c: {  	s2 =	sadd.s32 $0xC580, s18  }
0x26d: {  	s6 =	sor.u32 s16, s2  }
0x26e: {  	s1 =	sor.u32 s17, s2;
	[tilespmem:s6+$0x0] =	vst v12  }
0x26f: {  	[tilespmem:s1+$0x0] =	vst v17;
	v12 =	vld.idx.msk [tilespmem:v56+s3+$0x0], $0xffff  }
0x270: {  	v58 =	vadd.s32 $0x2A00, v6;
	v17 =	vld.idx.msk [tilespmem:v57+s3+$0x0], $0xffff  }
0x271: {  	v59 =	vadd.s32 $0x2A00, v5  }
0x272: {  	s7 =	sadd.s32 $0xC600, s18  }
0x273: {  	s9 =	sor.u32 s16, s7  }
0x274: {  	s1 =	sor.u32 s17, s7;
	[tilespmem:s9+$0x0] =	vst v12  }
0x275: {  	[tilespmem:s1+$0x0] =	vst v17;
	v12 =	vld.idx.msk [tilespmem:v58+s3+$0x0], $0xffff  }
0x276: {  	v60 =	vadd.s32 $0x2C00, v6;
	v17 =	vld.idx.msk [tilespmem:v59+s3+$0x0], $0xffff  }
0x277: {  	v61 =	vadd.s32 $0x2C00, v5  }
0x278: {  	s20 =	sadd.s32 $0xC680, s18  }
0x279: {  	s21 =	sor.u32 s16, s20  }
0x27a: {  	s1 =	sor.u32 s17, s20;
	[tilespmem:s21+$0x0] =	vst v12  }
0x27b: {  	[tilespmem:s1+$0x0] =	vst v17;
	v12 =	vld.idx.msk [tilespmem:v60+s3+$0x0], $0xffff  }
0x27c: {  	v62 =	vadd.s32 $0x2E00, v6;
	v17 =	vld.idx.msk [tilespmem:v61+s3+$0x0], $0xffff  }
0x27d: {  	v63 =	vadd.s32 $0x2E00, v5  }
0x27e: {  	s23 =	sadd.s32 $0xC700, s18  }
0x27f: {  	s28 =	sor.u32 s16, s23  }
0x280: {  	s1 =	sor.u32 s17, s23;
	[tilespmem:s28+$0x0] =	vst v12  }
0x281: {  	[tilespmem:s1+$0x0] =	vst v17;
	v12 =	vld.idx.msk [tilespmem:v62+s3+$0x0], $0xffff  }
0x282: {  	v21 =	vadd.s32 $0x3000, v6;
	v17 =	vld.idx.msk [tilespmem:v63+s3+$0x0], $0xffff  }
0x283: {  	v22 =	vadd.s32 $0x3000, v5  }
0x284: {  	s2 =	sadd.s32 $0xC780, s18  }
0x285: {  	s6 =	sor.u32 s16, s2  }
0x286: {  	s1 =	sor.u32 s17, s2;
	[tilespmem:s6+$0x0] =	vst v12  }
0x287: {  	[tilespmem:s1+$0x0] =	vst v17;
	v12 =	vld.idx.msk [tilespmem:v21+s3+$0x0], $0xffff  }
0x288: {  	v23 =	vadd.s32 $0x3200, v6;
	v17 =	vld.idx.msk [tilespmem:v22+s3+$0x0], $0xffff  }
0x289: {  	v24 =	vadd.s32 $0x3200, v5  }
0x28a: {  	s7 =	sadd.s32 $0xE400, s18  }
0x28b: {  	s9 =	sor.u32 s16, s7  }
0x28c: {  	s1 =	sor.u32 s17, s7;
	[tilespmem:s9+$0x0] =	vst v12  }
0x28d: {  	[tilespmem:s1+$0x0] =	vst v17;
	v12 =	vld.idx.msk [tilespmem:v23+s3+$0x0], $0xffff  }
0x28e: {  	v25 =	vadd.s32 $0x3400, v6;
	v17 =	vld.idx.msk [tilespmem:v24+s3+$0x0], $0xffff  }
0x28f: {  	v26 =	vadd.s32 $0x3400, v5  }
0x290: {  	s20 =	sadd.s32 $0xE480, s18  }
0x291: {  	s21 =	sor.u32 s16, s20  }
0x292: {  	s1 =	sor.u32 s17, s20;
	[tilespmem:s21+$0x0] =	vst v12  }
0x293: {  	[tilespmem:s1+$0x0] =	vst v17;
	v12 =	vld.idx.msk [tilespmem:v25+s3+$0x0], $0xffff  }
0x294: {  	v27 =	vadd.s32 $0x3600, v6;
	v17 =	vld.idx.msk [tilespmem:v26+s3+$0x0], $0xffff  }
0x295: {  	v28 =	vadd.s32 $0x3600, v5  }
0x296: {  	[tilespmem:s8+$0x0] =	vst v13;
	s23 =	sadd.s32 $0xE500, s18  }
0x297: {  	[tilespmem:s4+$0x0] =	vst v14;
	v13 =	vld.idx.msk [tilespmem:v15+s3+$0x0], $0xffff;
	s28 =	sor.u32 s16, s23  }
0x298: {  	v29 =	vadd.s32 $0x3800, v4;
	v14 =	vld.idx.msk [tilespmem:v16+s3+$0x0], $0xffff;
	s1 =	sor.u32 s17, s23;
	[tilespmem:s28+$0x0] =	vst v12  }
0x299: {  	v30 =	vadd.s32 $0x3800, v3;
	[tilespmem:s1+$0x0] =	vst v17;
	v31 =	vld.idx.msk [tilespmem:v27+s3+$0x0], $0xffff  }
0x29a: {  	v32 =	vadd.s32 $0x3800, v6;
	s2 =	sadd.s32 $0xE580, s15;
	v17 =	vld.idx.msk [tilespmem:v28+s3+$0x0], $0xffff  }
0x29b: {  	v33 =	vadd.s32 $0x3800, v5;
	s4 =	sor.u32 s14, s2  }
0x29c: {  	[tilespmem:s4+$0x0] =	vst v13;
	s6 =	sadd.s32 $0xE580, s18;
	s1 =	sor.u32 s13, s2  }
0x29d: {  	v13 =	vld.idx.msk [tilespmem:v29+s3+$0x0], $0xffff;
	s7 =	sor.u32 s16, s6;
	[tilespmem:s1+$0x0] =	vst v14  }
0x29e: {  	v34 =	vadd.s32 $0x3A00, v4;
	s2 =	sor.u32 s17, s6;
	v12 =	vld.idx.msk [tilespmem:v30+s3+$0x0], $0xffff;
	[tilespmem:s7+$0x0] =	vst v31  }
0x29f: {  	v35 =	vadd.s32 $0x3A00, v3;
	[tilespmem:s2+$0x0] =	vst v17;
	v16 =	vld.idx.msk [tilespmem:v32+s3+$0x0], $0xffff  }
0x2a0: {  	s8 =	sadd.s32 $0xE600, s15;
	v36 =	vadd.s32 $0x3A00, v6;
	v17 =	vld.idx.msk [tilespmem:v33+s3+$0x0], $0xffff  }
0x2a1: {  	v37 =	vadd.s32 $0x3A00, v5;
	s9 =	sor.u32 s14, s8  }
0x2a2: {  	s20 =	sadd.s32 $0xE600, s18;
	[tilespmem:s9+$0x0] =	vst v13;
	s1 =	sor.u32 s13, s8  }
0x2a3: {  	v38 =	vld.idx.msk [tilespmem:v34+s3+$0x0], $0xffff;
	s21 =	sor.u32 s16, s20;
	[tilespmem:s1+$0x0] =	vst v12  }
0x2a4: {  	v40 =	vadd.s32 $0x3C00, v4;
	s2 =	sor.u32 s17, s20;
	v39 =	vld.idx.msk [tilespmem:v35+s3+$0x0], $0xffff;
	[tilespmem:s21+$0x0] =	vst v16  }
0x2a5: {  	v41 =	vadd.s32 $0x3C00, v3;
	[tilespmem:s2+$0x0] =	vst v17;
	v16 =	vld.idx.msk [tilespmem:v36+s3+$0x0], $0xffff  }
0x2a6: {  	v42 =	vadd.s32 $0x3C00, v6;
	s23 =	sadd.s32 $0xE680, s15;
	v17 =	vld.idx.msk [tilespmem:v37+s3+$0x0], $0xffff  }
0x2a7: {  	v43 =	vadd.s32 $0x3C00, v5;
	s28 =	sor.u32 s14, s23  }
0x2a8: {  	s4 =	sadd.s32 $0xE680, s18;
	[tilespmem:s28+$0x0] =	vst v38;
	s1 =	sor.u32 s13, s23  }
0x2a9: {  	s6 =	sor.u32 s16, s4;
	v12 =	vld.idx.msk [tilespmem:v40+s3+$0x0], $0xffff;
	[tilespmem:s1+$0x0] =	vst v39  }
0x2aa: {  	v44 =	vadd.s32 $0x3E00, v4;
	s2 =	sor.u32 s17, s4;
	v13 =	vld.idx.msk [tilespmem:v41+s3+$0x0], $0xffff;
	[tilespmem:s6+$0x0] =	vst v16  }
0x2ab: {  	v45 =	vadd.s32 $0x3E00, v3;
	[tilespmem:s2+$0x0] =	vst v17;
	v16 =	vld.idx.msk [tilespmem:v42+s3+$0x0], $0xffff  }
0x2ac: {  	v46 =	vadd.s32 $0x3E00, v6;
	s7 =	sadd.s32 $0xE700, s15;
	v17 =	vld.idx.msk [tilespmem:v43+s3+$0x0], $0xffff  }
0x2ad: {  	v47 =	vadd.s32 $0x3E00, v5;
	s8 =	sor.u32 s14, s7  }
0x2ae: {  	s9 =	sadd.s32 $0xE700, s18;
	[tilespmem:s8+$0x0] =	vst v12;
	s1 =	sor.u32 s13, s7  }
0x2af: {  	s20 =	sor.u32 s16, s9;
	v12 =	vld.idx.msk [tilespmem:v44+s3+$0x0], $0xffff;
	[tilespmem:s1+$0x0] =	vst v13  }
0x2b0: {  	v48 =	vadd.s32 $0x4000, v4;
	s2 =	sor.u32 s17, s9;
	v13 =	vld.idx.msk [tilespmem:v45+s3+$0x0], $0xffff;
	[tilespmem:s20+$0x0] =	vst v16  }
0x2b1: {  	v49 =	vadd.s32 $0x4000, v3;
	[tilespmem:s2+$0x0] =	vst v17;
	v16 =	vld.idx.msk [tilespmem:v46+s3+$0x0], $0xffff  }
0x2b2: {  	v50 =	vadd.s32 $0x4000, v6;
	s21 =	sadd.s32 $0xE780, s15;
	v17 =	vld.idx.msk [tilespmem:v47+s3+$0x0], $0xffff  }
0x2b3: {  	v51 =	vadd.s32 $0x4000, v5;
	s23 =	sor.u32 s14, s21  }
0x2b4: {  	s28 =	sadd.s32 $0xE780, s18;
	[tilespmem:s23+$0x0] =	vst v12;
	s1 =	sor.u32 s13, s21  }
0x2b5: {  	s4 =	sor.u32 s16, s28;
	v12 =	vld.idx.msk [tilespmem:v48+s3+$0x0], $0xffff;
	[tilespmem:s1+$0x0] =	vst v13  }
0x2b6: {  	v52 =	vadd.s32 $0x4200, v4;
	s2 =	sor.u32 s17, s28;
	v13 =	vld.idx.msk [tilespmem:v49+s3+$0x0], $0xffff;
	[tilespmem:s4+$0x0] =	vst v16  }
0x2b7: {  	v53 =	vadd.s32 $0x4200, v3;
	[tilespmem:s2+$0x0] =	vst v17;
	v16 =	vld.idx.msk [tilespmem:v50+s3+$0x0], $0xffff  }
0x2b8: {  	v54 =	vadd.s32 $0x4200, v6;
	s6 =	sadd.s32 $0x10400, s15;
	v17 =	vld.idx.msk [tilespmem:v51+s3+$0x0], $0xffff  }
0x2b9: {  	v55 =	vadd.s32 $0x4200, v5;
	s7 =	sor.u32 s14, s6  }
0x2ba: {  	s8 =	sadd.s32 $0x10400, s18;
	[tilespmem:s7+$0x0] =	vst v12;
	s1 =	sor.u32 s13, s6  }
0x2bb: {  	s9 =	sor.u32 s16, s8;
	v12 =	vld.idx.msk [tilespmem:v52+s3+$0x0], $0xffff;
	[tilespmem:s1+$0x0] =	vst v13  }
0x2bc: {  	v56 =	vadd.s32 $0x4400, v4;
	s2 =	sor.u32 s17, s8;
	v13 =	vld.idx.msk [tilespmem:v53+s3+$0x0], $0xffff;
	[tilespmem:s9+$0x0] =	vst v16  }
0x2bd: {  	v57 =	vadd.s32 $0x4400, v3;
	[tilespmem:s2+$0x0] =	vst v17;
	v16 =	vld.idx.msk [tilespmem:v54+s3+$0x0], $0xffff  }
0x2be: {  	v58 =	vadd.s32 $0x4400, v6;
	s20 =	sadd.s32 $0x10480, s15;
	v17 =	vld.idx.msk [tilespmem:v55+s3+$0x0], $0xffff  }
0x2bf: {  	v59 =	vadd.s32 $0x4400, v5;
	s21 =	sor.u32 s14, s20  }
0x2c0: {  	s23 =	sadd.s32 $0x10480, s18;
	[tilespmem:s21+$0x0] =	vst v12;
	s1 =	sor.u32 s13, s20  }
0x2c1: {  	s28 =	sor.u32 s16, s23;
	v12 =	vld.idx.msk [tilespmem:v56+s3+$0x0], $0xffff;
	[tilespmem:s1+$0x0] =	vst v13  }
0x2c2: {  	v60 =	vadd.s32 $0x4600, v4;
	s2 =	sor.u32 s17, s23;
	v13 =	vld.idx.msk [tilespmem:v57+s3+$0x0], $0xffff;
	[tilespmem:s28+$0x0] =	vst v16  }
0x2c3: {  	v61 =	vadd.s32 $0x4600, v3;
	[tilespmem:s2+$0x0] =	vst v17;
	v16 =	vld.idx.msk [tilespmem:v58+s3+$0x0], $0xffff  }
0x2c4: {  	v62 =	vadd.s32 $0x4600, v6;
	s2 =	sadd.s32 $0x10500, s15;
	v17 =	vld.idx.msk [tilespmem:v59+s3+$0x0], $0xffff  }
0x2c5: {  	v63 =	vadd.s32 $0x4600, v5;
	s4 =	sor.u32 s14, s2  }
0x2c6: {  	s6 =	sadd.s32 $0x10500, s18;
	s1 =	sor.u32 s13, s2;
	[tilespmem:s4+$0x0] =	vst v12  }
0x2c7: {  	s7 =	sor.u32 s16, s6;
	[tilespmem:s1+$0x0] =	vst v13;
	v12 =	vld.idx.msk [tilespmem:v60+s3+$0x0], $0xffff  }
0x2c8: {  	v21 =	vadd.s32 $0x4800, v4;
	s2 =	sor.u32 s17, s6;
	v13 =	vld.idx.msk [tilespmem:v61+s3+$0x0], $0xffff;
	[tilespmem:s7+$0x0] =	vst v16  }
0x2c9: {  	v22 =	vadd.s32 $0x4800, v3;
	[tilespmem:s2+$0x0] =	vst v17;
	v16 =	vld.idx.msk [tilespmem:v62+s3+$0x0], $0xffff  }
0x2ca: {  	v23 =	vadd.s32 $0x4800, v6;
	s8 =	sadd.s32 $0x10580, s15;
	v17 =	vld.idx.msk [tilespmem:v63+s3+$0x0], $0xffff  }
0x2cb: {  	v24 =	vadd.s32 $0x4800, v5;
	s9 =	sor.u32 s14, s8  }
0x2cc: {  	s20 =	sadd.s32 $0x10580, s18;
	s1 =	sor.u32 s13, s8;
	[tilespmem:s9+$0x0] =	vst v12  }
0x2cd: {  	s21 =	sor.u32 s16, s20;
	[tilespmem:s1+$0x0] =	vst v13;
	v12 =	vld.idx.msk [tilespmem:v21+s3+$0x0], $0xffff  }
0x2ce: {  	v25 =	vadd.s32 $0x4A00, v4;
	s2 =	sor.u32 s17, s20;
	v13 =	vld.idx.msk [tilespmem:v22+s3+$0x0], $0xffff;
	[tilespmem:s21+$0x0] =	vst v16  }
0x2cf: {  	v26 =	vadd.s32 $0x4A00, v3;
	[tilespmem:s2+$0x0] =	vst v17;
	v16 =	vld.idx.msk [tilespmem:v23+s3+$0x0], $0xffff  }
0x2d0: {  	v27 =	vadd.s32 $0x4A00, v6;
	s23 =	sadd.s32 $0x10600, s15;
	v17 =	vld.idx.msk [tilespmem:v24+s3+$0x0], $0xffff  }
0x2d1: {  	v28 =	vadd.s32 $0x4A00, v5;
	s28 =	sor.u32 s14, s23  }
0x2d2: {  	s4 =	sadd.s32 $0x10600, s18;
	s1 =	sor.u32 s13, s23;
	[tilespmem:s28+$0x0] =	vst v12  }
0x2d3: {  	s6 =	sor.u32 s16, s4;
	[tilespmem:s1+$0x0] =	vst v13;
	v12 =	vld.idx.msk [tilespmem:v25+s3+$0x0], $0xffff  }
0x2d4: {  	v29 =	vadd.s32 $0x4C00, v4;
	s2 =	sor.u32 s17, s4;
	v13 =	vld.idx.msk [tilespmem:v26+s3+$0x0], $0xffff;
	[tilespmem:s6+$0x0] =	vst v16  }
0x2d5: {  	v30 =	vadd.s32 $0x4C00, v3;
	[tilespmem:s2+$0x0] =	vst v17;
	v16 =	vld.idx.msk [tilespmem:v27+s3+$0x0], $0xffff  }
0x2d6: {  	v31 =	vadd.s32 $0x4C00, v6;
	s7 =	sadd.s32 $0x10680, s15;
	v17 =	vld.idx.msk [tilespmem:v28+s3+$0x0], $0xffff  }
0x2d7: {  	v32 =	vadd.s32 $0x4C00, v5;
	s8 =	sor.u32 s14, s7  }
0x2d8: {  	s9 =	sadd.s32 $0x10680, s18;
	s1 =	sor.u32 s13, s7;
	[tilespmem:s8+$0x0] =	vst v12  }
0x2d9: {  	s20 =	sor.u32 s16, s9;
	[tilespmem:s1+$0x0] =	vst v13;
	v12 =	vld.idx.msk [tilespmem:v29+s3+$0x0], $0xffff  }
0x2da: {  	v33 =	vadd.s32 $0x4E00, v4;
	s2 =	sor.u32 s17, s9;
	v34 =	vld.idx.msk [tilespmem:v30+s3+$0x0], $0xffff;
	[tilespmem:s20+$0x0] =	vst v16  }
0x2db: {  	v35 =	vadd.s32 $0x4E00, v3;
	[tilespmem:s2+$0x0] =	vst v17;
	v16 =	vld.idx.msk [tilespmem:v31+s3+$0x0], $0xffff  }
0x2dc: {  	v36 =	vadd.s32 $0x4E00, v6;
	s21 =	sadd.s32 $0x10700, s15;
	v37 =	vld.idx.msk [tilespmem:v32+s3+$0x0], $0xffff  }
0x2dd: {  	v38 =	vadd.s32 $0x4E00, v5;
	s23 =	sor.u32 s14, s21  }
0x2de: {  	s28 =	sadd.s32 $0x10700, s18;
	s1 =	sor.u32 s13, s21;
	[tilespmem:s23+$0x0] =	vst v12  }
0x2df: {  	s4 =	sor.u32 s16, s28;
	[tilespmem:s1+$0x0] =	vst v34;
	v12 =	vld.idx.msk [tilespmem:v33+s3+$0x0], $0xffff  }
0x2e0: {  	v39 =	vadd.s32 $0x5000, v4;
	s2 =	sor.u32 s17, s28;
	v14 =	vld.idx.msk [tilespmem:v35+s3+$0x0], $0xffff;
	[tilespmem:s4+$0x0] =	vst v16  }
0x2e1: {  	v40 =	vadd.s32 $0x5000, v3;
	[tilespmem:s2+$0x0] =	vst v37;
	v16 =	vld.idx.msk [tilespmem:v36+s3+$0x0], $0xffff  }
0x2e2: {  	v41 =	vadd.s32 $0x5000, v6;
	s6 =	sadd.s32 $0x10780, s15;
	v18 =	vld.idx.msk [tilespmem:v38+s3+$0x0], $0xffff  }
0x2e3: {  	v42 =	vadd.s32 $0x5000, v5;
	s7 =	sor.u32 s14, s6  }
0x2e4: {  	s8 =	sadd.s32 $0x10780, s18;
	s1 =	sor.u32 s13, s6;
	[tilespmem:s7+$0x0] =	vst v12  }
0x2e5: {  	s9 =	sor.u32 s16, s8;
	[tilespmem:s1+$0x0] =	vst v14;
	v12 =	vld.idx.msk [tilespmem:v39+s3+$0x0], $0xffff  }
0x2e6: {  	v43 =	vadd.s32 $0x5200, v4;
	s2 =	sor.u32 s17, s8;
	v14 =	vld.idx.msk [tilespmem:v40+s3+$0x0], $0xffff;
	[tilespmem:s9+$0x0] =	vst v16  }
0x2e7: {  	v44 =	vadd.s32 $0x5200, v3;
	[tilespmem:s2+$0x0] =	vst v18;
	v16 =	vld.idx.msk [tilespmem:v41+s3+$0x0], $0xffff  }
0x2e8: {  	[tilespmem:s0+$0x0] =	vst v8;
	v45 =	vadd.s32 $0x5200, v6;
	s23 =	sadd.s32 $0x12400, s15;
	v46 =	vld.idx.msk [tilespmem:v42+s3+$0x0], $0xffff  }
0x2e9: {  	[tilespmem:s5+$0x0] =	vst v10;
	v47 =	vadd.s32 $0x5200, v5;
	s28 =	sor.u32 s14, s23  }
0x2ea: {  	s5 =	sadd.s32 $0x12400, s18;
	v11 =	vld.idx.msk [tilespmem:v11+s3+$0x0], $0xffff;
	s4 =	sor.u32 s13, s23;
	[tilespmem:s28+$0x0] =	vst v12  }
0x2eb: {  	v48 =	vadd.s32 $0x7000, v2;
	s6 =	sor.u32 s16, s5;
	[tilespmem:s4+$0x0] =	vst v14;
	v13 =	vld.idx.msk [tilespmem:v43+s3+$0x0], $0xffff  }
0x2ec: {  	v49 =	vadd.s32 $0x5400, v4;
	s20 =	sadd.s32 $0x12680, s12;
	s2 =	sor.u32 s17, s5;
	v15 =	vld.idx.msk [tilespmem:v44+s3+$0x0], $0xffff;
	[tilespmem:s6+$0x0] =	vst v16  }
0x2ed: {  	v50 =	vadd.s32 $0x5400, v3;
	s21 =	sor.u32 s11, s20;
	[tilespmem:s2+$0x0] =	vst v46;
	v10 =	vld.idx.msk [tilespmem:v45+s3+$0x0], $0xffff  }
0x2ee: {  	v51 =	vadd.s32 $0x5400, v6;
	[tilespmem:s21+$0x0] =	vst v7;
	s1 =	sor.u32 s10, s20;
	s7 =	sadd.s32 $0x12480, s15;
	v7 =	vld.idx.msk [tilespmem:v47+s3+$0x0], $0xffff  }
0x2ef: {  	v52 =	vadd.s32 $0x5400, v5;
	v9 =	vld.idx.msk [tilespmem:v9+s3+$0x0], $0xffff;
	[tilespmem:s1+$0x0] =	vst v11;
	s8 =	sor.u32 s14, s7  }
0x2f0: {  	v53 =	vadd.s32 $0x5C00, v0;
	s0 =	sor.u32 s13, s7;
	s9 =	sadd.s32 $0x12480, s18;
	v12 =	vld.idx.msk [tilespmem:v48+s3+$0x0], $0xffff;
	[tilespmem:s8+$0x0] =	vst v13  }
0x2f1: {  	v54 =	vadd.s32 $0x5E00, v1;
	s20 =	sor.u32 s16, s9;
	[tilespmem:s0+$0x0] =	vst v15;
	v14 =	vld.idx.msk [tilespmem:v49+s3+$0x0], $0xffff  }
0x2f2: {  	v55 =	vadd.s32 $0x5600, v4;
	s21 =	sadd.s32 $0x12700, s12;
	s1 =	sor.u32 s17, s9;
	v15 =	vld.idx.msk [tilespmem:v50+s3+$0x0], $0xffff;
	[tilespmem:s20+$0x0] =	vst v10  }
0x2f3: {  	v56 =	vadd.s32 $0x5600, v3;
	s23 =	sor.u32 s11, s21;
	[tilespmem:s1+$0x0] =	vst v7;
	v8 =	vld.idx.msk [tilespmem:v51+s3+$0x0], $0xffff  }
0x2f4: {  	v57 =	vadd.s32 $0x5600, v6;
	[tilespmem:s23+$0x0] =	vst v9;
	s28 =	sadd.s32 $0x12500, s15;
	v11 =	vld.idx.msk [tilespmem:v52+s3+$0x0], $0xffff  }
0x2f5: {  	v59 =	vadd.s32 $0x5600, v5;
	v58 =	vld.idx.msk [tilespmem:v53+s3+$0x0], $0xffff;
	[tilespmem:s31+$0x0] =	vst v12;
	s31 =	sor.u32 s14, s28  }
0x2f6: {  	v60 =	vadd.s32 $0x7200, v2;
	s4 =	sadd.s32 $0x12500, s18;
	v13 =	vld.idx.msk [tilespmem:v54+s3+$0x0], $0xffff;
	s1 =	sor.u32 s13, s28;
	[tilespmem:s31+$0x0] =	vst v14  }
0x2f7: {  	v61 =	vadd.s32 $0x5E00, v0;
	s5 =	sor.u32 s16, s4;
	[tilespmem:s1+$0x0] =	vst v15;
	v10 =	vld.idx.msk [tilespmem:v55+s3+$0x0], $0xffff  }
0x2f8: {  	v62 =	vadd.s32 $0x5800, v4;
	s2 =	sor.u32 s17, s4;
	v7 =	vld.idx.msk [tilespmem:v56+s3+$0x0], $0xffff;
	[tilespmem:s5+$0x0] =	vst v8  }
0x2f9: {  	v63 =	vadd.s32 $0x5800, v3;
	s6 =	sadd.s32 $0x12780, s12;
	s0 =	sor.u32 s10, s21;
	[tilespmem:s2+$0x0] =	vst v11;
	v9 =	vld.idx.msk [tilespmem:v57+s3+$0x0], $0xffff  }
0x2fa: {  	v20 =	vadd.s32 $0x5800, v6;
	s7 =	sor.u32 s11, s6;
	s8 =	sadd.s32 $0x12580, s15;
	[tilespmem:s0+$0x0] =	vst v58;
	v12 =	vld.idx.msk [tilespmem:v59+s3+$0x0], $0xffff  }
0x2fb: {  	v22 =	vadd.s32 $0x5800, v5;
	v21 =	vld.idx.msk [tilespmem:v60+s3+$0x0], $0xffff;
	s9 =	sor.u32 s14, s8;
	[tilespmem:s7+$0x0] =	vst v13  }
0x2fc: {  	v23 =	vadd.s32 $0x6000, v1;
	s20 =	sadd.s32 $0x12580, s18;
	v14 =	vld.idx.msk [tilespmem:v61+s3+$0x0], $0xffff;
	s2 =	sor.u32 s13, s8;
	[tilespmem:s9+$0x0] =	vst v10  }
0x2fd: {  	v24 =	vadd.s32 $0x7400, v2;
	s21 =	sor.u32 s16, s20;
	[tilespmem:s2+$0x0] =	vst v7;
	v15 =	vld.idx.msk [tilespmem:v62+s3+$0x0], $0xffff  }
0x2fe: {  	v25 =	vadd.s32 $0x5A00, v4;
	s0 =	sor.u32 s17, s20;
	v8 =	vld.idx.msk [tilespmem:v63+s3+$0x0], $0xffff;
	[tilespmem:s21+$0x0] =	vst v9  }
0x2ff: {  	v26 =	vadd.s32 $0x5A00, v3;
	[tilespmem:s0+$0x0] =	vst v12;
	v11 =	vld.idx.msk [tilespmem:v20+s3+$0x0], $0xffff  }
0x300: {  	v27 =	vadd.s32 $0x5A00, v6;
	s23 =	sor.u32 s10, s6;
	s28 =	sadd.s32 $0x12600, s15;
	[tilespmem:s30+$0x0] =	vst v21;
	v13 =	vld.idx.msk [tilespmem:v22+s3+$0x0], $0xffff  }
0x301: {  	v29 =	vadd.s32 $0x5A00, v5;
	s30 =	sor.u32 s14, s28;
	v28 =	vld.idx.msk [tilespmem:v23+s3+$0x0], $0xffff;
	[tilespmem:s23+$0x0] =	vst v14  }
0x302: {  	v30 =	vadd.s32 $0x6000, v0;
	s1 =	sor.u32 s13, s28;
	s31 =	sadd.s32 $0x12600, s18;
	v10 =	vld.idx.msk [tilespmem:v24+s3+$0x0], $0xffff;
	[tilespmem:s30+$0x0] =	vst v15  }
0x303: {  	v31 =	vadd.s32 $0x6200, v1;
	s2 =	sor.u32 s16, s31;
	[tilespmem:s1+$0x0] =	vst v8;
	v7 =	vld.idx.msk [tilespmem:v25+s3+$0x0], $0xffff  }
0x304: {  	v32 =	vadd.s32 $0x5C00, v4;
	s4 =	sadd.s32 $0x14400, s12;
	s0 =	sor.u32 s17, s31;
	v9 =	vld.idx.msk [tilespmem:v26+s3+$0x0], $0xffff;
	[tilespmem:s2+$0x0] =	vst v11  }
0x305: {  	v33 =	vadd.s32 $0x5C00, v3;
	s5 =	sor.u32 s11, s4;
	[tilespmem:s0+$0x0] =	vst v13;
	v12 =	vld.idx.msk [tilespmem:v27+s3+$0x0], $0xffff  }
0x306: {  	v34 =	vadd.s32 $0x5C00, v6;
	s6 =	sadd.s32 $0x12680, s15;
	[tilespmem:s5+$0x0] =	vst v28;
	v14 =	vld.idx.msk [tilespmem:v29+s3+$0x0], $0xffff  }
0x307: {  	v36 =	vadd.s32 $0x5C00, v5;
	s7 =	sor.u32 s14, s6;
	v35 =	vld.idx.msk [tilespmem:v30+s3+$0x0], $0xffff;
	[tilespmem:s29+$0x0] =	vst v10  }
0x308: {  	v37 =	vadd.s32 $0x7600, v2;
	s8 =	sadd.s32 $0x12680, s18;
	v15 =	vld.idx.msk [tilespmem:v31+s3+$0x0], $0xffff;
	s0 =	sor.u32 s13, s6;
	[tilespmem:s7+$0x0] =	vst v7  }
0x309: {  	v38 =	vadd.s32 $0x6200, v0;
	s9 =	sor.u32 s16, s8;
	[tilespmem:s0+$0x0] =	vst v9;
	v8 =	vld.idx.msk [tilespmem:v32+s3+$0x0], $0xffff  }
0x30a: {  	v39 =	vadd.s32 $0x5E00, v4;
	s2 =	sor.u32 s17, s8;
	v11 =	vld.idx.msk [tilespmem:v33+s3+$0x0], $0xffff;
	[tilespmem:s9+$0x0] =	vst v12  }
0x30b: {  	v40 =	vadd.s32 $0x5E00, v3;
	s20 =	sor.u32 s10, s4;
	s21 =	sadd.s32 $0x14480, s12;
	[tilespmem:s2+$0x0] =	vst v14;
	v13 =	vld.idx.msk [tilespmem:v34+s3+$0x0], $0xffff  }
0x30c: {  	v41 =	vadd.s32 $0x5E00, v6;
	s28 =	sadd.s32 $0x12700, s15;
	[tilespmem:s20+$0x0] =	vst v35;
	s23 =	sor.u32 s11, s21;
	v10 =	vld.idx.msk [tilespmem:v36+s3+$0x0], $0xffff  }
0x30d: {  	v43 =	vadd.s32 $0x5E00, v5;
	s29 =	sor.u32 s14, s28;
	v42 =	vld.idx.msk [tilespmem:v37+s3+$0x0], $0xffff;
	[tilespmem:s23+$0x0] =	vst v15  }
0x30e: {  	v44 =	vadd.s32 $0x6400, v1;
	s30 =	sadd.s32 $0x12700, s18;
	v7 =	vld.idx.msk [tilespmem:v38+s3+$0x0], $0xffff;
	s2 =	sor.u32 s13, s28;
	[tilespmem:s29+$0x0] =	vst v8  }
0x30f: {  	v45 =	vadd.s32 $0x7800, v2;
	s31 =	sor.u32 s16, s30;
	[tilespmem:s2+$0x0] =	vst v11;
	v9 =	vld.idx.msk [tilespmem:v39+s3+$0x0], $0xffff  }
0x310: {  	v46 =	vadd.s32 $0x6000, v4;
	s0 =	sor.u32 s17, s30;
	v12 =	vld.idx.msk [tilespmem:v40+s3+$0x0], $0xffff;
	[tilespmem:s31+$0x0] =	vst v13  }
0x311: {  	v47 =	vadd.s32 $0x6000, v3;
	[tilespmem:s0+$0x0] =	vst v10;
	v13 =	vld.idx.msk [tilespmem:v41+s3+$0x0], $0xffff  }
0x312: {  	v48 =	vadd.s32 $0x6000, v6;
	s5 =	sadd.s32 $0x12780, s15;
	s4 =	sor.u32 s10, s21;
	[tilespmem:s26+$0x0] =	vst v42;
	v15 =	vld.idx.msk [tilespmem:v43+s3+$0x0], $0xffff  }
0x313: {  	v50 =	vadd.s32 $0x6000, v5;
	s6 =	sor.u32 s14, s5;
	v49 =	vld.idx.msk [tilespmem:v44+s3+$0x0], $0xffff;
	[tilespmem:s4+$0x0] =	vst v7  }
0x314: {  	v51 =	vadd.s32 $0x6400, v0;
	s1 =	sor.u32 s13, s5;
	s7 =	sadd.s32 $0x12780, s18;
	v8 =	vld.idx.msk [tilespmem:v45+s3+$0x0], $0xffff;
	[tilespmem:s6+$0x0] =	vst v9  }
0x315: {  	v52 =	vadd.s32 $0x6600, v1;
	s8 =	sor.u32 s16, s7;
	[tilespmem:s1+$0x0] =	vst v12;
	v11 =	vld.idx.msk [tilespmem:v46+s3+$0x0], $0xffff  }
0x316: {  	v53 =	vadd.s32 $0x6200, v4;
	s9 =	sadd.s32 $0x14500, s12;
	s0 =	sor.u32 s17, s7;
	v10 =	vld.idx.msk [tilespmem:v47+s3+$0x0], $0xffff;
	[tilespmem:s8+$0x0] =	vst v13  }
0x317: {  	v54 =	vadd.s32 $0x6200, v3;
	s20 =	sor.u32 s11, s9;
	[tilespmem:s0+$0x0] =	vst v15;
	v14 =	vld.idx.msk [tilespmem:v48+s3+$0x0], $0xffff  }
0x318: {  	v55 =	vadd.s32 $0x6200, v6;
	s21 =	sadd.s32 $0x14400, s15;
	[tilespmem:s20+$0x0] =	vst v49;
	v7 =	vld.idx.msk [tilespmem:v50+s3+$0x0], $0xffff  }
0x319: {  	v57 =	vadd.s32 $0x6200, v5;
	s23 =	sor.u32 s14, s21;
	v56 =	vld.idx.msk [tilespmem:v51+s3+$0x0], $0xffff;
	[tilespmem:s25+$0x0] =	vst v8  }
0x31a: {  	v58 =	vadd.s32 $0x7A00, v2;
	s25 =	sadd.s32 $0x14400, s18;
	v9 =	vld.idx.msk [tilespmem:v52+s3+$0x0], $0xffff;
	s0 =	sor.u32 s13, s21;
	[tilespmem:s23+$0x0] =	vst v11  }
0x31b: {  	v59 =	vadd.s32 $0x6600, v0;
	s26 =	sor.u32 s16, s25;
	[tilespmem:s0+$0x0] =	vst v10;
	v12 =	vld.idx.msk [tilespmem:v53+s3+$0x0], $0xffff  }
0x31c: {  	v60 =	vadd.s32 $0x6400, v4;
	s2 =	sor.u32 s17, s25;
	v13 =	vld.idx.msk [tilespmem:v54+s3+$0x0], $0xffff;
	[tilespmem:s26+$0x0] =	vst v14  }
0x31d: {  	v61 =	vadd.s32 $0x6400, v3;
	s28 =	sor.u32 s10, s9;
	s29 =	sadd.s32 $0x14580, s12;
	[tilespmem:s2+$0x0] =	vst v7;
	v15 =	vld.idx.msk [tilespmem:v55+s3+$0x0], $0xffff  }
0x31e: {  	v62 =	vadd.s32 $0x6400, v6;
	s30 =	sor.u32 s11, s29;
	s31 =	sadd.s32 $0x14480, s15;
	[tilespmem:s28+$0x0] =	vst v56;
	v8 =	vld.idx.msk [tilespmem:v57+s3+$0x0], $0xffff  }
0x31f: {  	v20 =	vadd.s32 $0x6400, v5;
	s4 =	sor.u32 s14, s31;
	v63 =	vld.idx.msk [tilespmem:v58+s3+$0x0], $0xffff;
	[tilespmem:s30+$0x0] =	vst v9  }
0x320: {  	v21 =	vadd.s32 $0x6800, v1;
	s5 =	sadd.s32 $0x14480, s18;
	v11 =	vld.idx.msk [tilespmem:v59+s3+$0x0], $0xffff;
	s2 =	sor.u32 s13, s31;
	[tilespmem:s4+$0x0] =	vst v12  }
0x321: {  	v22 =	vadd.s32 $0x7C00, v2;
	s6 =	sor.u32 s16, s5;
	[tilespmem:s2+$0x0] =	vst v13;
	v10 =	vld.idx.msk [tilespmem:v60+s3+$0x0], $0xffff  }
0x322: {  	v23 =	vadd.s32 $0x6600, v4;
	s0 =	sor.u32 s17, s5;
	v14 =	vld.idx.msk [tilespmem:v61+s3+$0x0], $0xffff;
	[tilespmem:s6+$0x0] =	vst v15  }
0x323: {  	v24 =	vadd.s32 $0x6600, v3;
	[tilespmem:s0+$0x0] =	vst v8;
	v7 =	vld.idx.msk [tilespmem:v62+s3+$0x0], $0xffff  }
0x324: {  	v25 =	vadd.s32 $0x6600, v6;
	s7 =	sor.u32 s10, s29;
	s8 =	sadd.s32 $0x14500, s15;
	[tilespmem:s24+$0x0] =	vst v63;
	v9 =	vld.idx.msk [tilespmem:v20+s3+$0x0], $0xffff  }
0x325: {  	v27 =	vadd.s32 $0x6600, v5;
	s9 =	sor.u32 s14, s8;
	v26 =	vld.idx.msk [tilespmem:v21+s3+$0x0], $0xffff;
	[tilespmem:s7+$0x0] =	vst v11  }
0x326: {  	v28 =	vadd.s32 $0x6800, v0;
	s20 =	sadd.s32 $0x14500, s18;
	s1 =	sor.u32 s13, s8;
	v12 =	vld.idx.msk [tilespmem:v22+s3+$0x0], $0xffff;
	[tilespmem:s9+$0x0] =	vst v10  }
0x327: {  	v29 =	vadd.s32 $0x6A00, v1;
	s21 =	sor.u32 s16, s20;
	[tilespmem:s1+$0x0] =	vst v14;
	v13 =	vld.idx.msk [tilespmem:v23+s3+$0x0], $0xffff  }
0x328: {  	v30 =	vadd.s32 $0x6800, v4;
	s23 =	sadd.s32 $0x14600, s12;
	s0 =	sor.u32 s17, s20;
	v8 =	vld.idx.msk [tilespmem:v24+s3+$0x0], $0xffff;
	[tilespmem:s21+$0x0] =	vst v7  }
0x329: {  	v31 =	vadd.s32 $0x6800, v3;
	s24 =	sor.u32 s11, s23;
	[tilespmem:s0+$0x0] =	vst v9;
	v32 =	vld.idx.msk [tilespmem:v25+s3+$0x0], $0xffff  }
0x32a: {  	v33 =	vadd.s32 $0x6800, v6;
	s25 =	sadd.s32 $0x14580, s15;
	[tilespmem:s24+$0x0] =	vst v26;
	v11 =	vld.idx.msk [tilespmem:v27+s3+$0x0], $0xffff  }
0x32b: {  	v35 =	vadd.s32 $0x6800, v5;
	s26 =	sor.u32 s14, s25;
	v34 =	vld.idx.msk [tilespmem:v28+s3+$0x0], $0xffff;
	[tilespmem:s22+$0x0] =	vst v12  }
0x32c: {  	v36 =	vadd.s32 $0x7E00, v2;
	s28 =	sadd.s32 $0x14580, s18;
	v10 =	vld.idx.msk [tilespmem:v29+s3+$0x0], $0xffff;
	s0 =	sor.u32 s13, s25;
	[tilespmem:s26+$0x0] =	vst v13  }
0x32d: {  	v37 =	vadd.s32 $0x6A00, v0;
	s29 =	sor.u32 s16, s28;
	[tilespmem:s0+$0x0] =	vst v8;
	v7 =	vld.idx.msk [tilespmem:v30+s3+$0x0], $0xffff  }
0x32e: {  	v38 =	vadd.s32 $0x6A00, v4;
	s2 =	sor.u32 s17, s28;
	v9 =	vld.idx.msk [tilespmem:v31+s3+$0x0], $0xffff;
	[tilespmem:s29+$0x0] =	vst v32  }
0x32f: {  	v39 =	vadd.s32 $0x6A00, v3;
	s30 =	sor.u32 s10, s23;
	s31 =	sadd.s32 $0x14680, s12;
	[tilespmem:s2+$0x0] =	vst v11;
	v15 =	vld.idx.msk [tilespmem:v33+s3+$0x0], $0xffff  }
0x330: {  	v40 =	vadd.s32 $0x6A00, v6;
	s5 =	sadd.s32 $0x14600, s15;
	s4 =	sor.u32 s11, s31;
	[tilespmem:s30+$0x0] =	vst v34;
	v12 =	vld.idx.msk [tilespmem:v35+s3+$0x0], $0xffff  }
0x331: {  	v41 =	vadd.s32 $0x6A00, v5;
	s6 =	sor.u32 s14, s5;
	v2 =	vld.idx.msk [tilespmem:v36+s3+$0x0], $0xffff;
	[tilespmem:s4+$0x0] =	vst v10  }
0x332: {  	v42 =	vadd.s32 $0x6C00, v1;
	s7 =	sadd.s32 $0x14600, s18;
	v13 =	vld.idx.msk [tilespmem:v37+s3+$0x0], $0xffff;
	s2 =	sor.u32 s13, s5;
	[tilespmem:s6+$0x0] =	vst v7  }
0x333: {  	v43 =	vadd.s32 $0x6C00, v0;
	s8 =	sor.u32 s16, s7;
	[tilespmem:s2+$0x0] =	vst v9;
	v8 =	vld.idx.msk [tilespmem:v38+s3+$0x0], $0xffff  }
0x334: {  	v44 =	vadd.s32 $0x6C00, v4;
	s0 =	sor.u32 s17, s7;
	v14 =	vld.idx.msk [tilespmem:v39+s3+$0x0], $0xffff;
	[tilespmem:s8+$0x0] =	vst v15  }
0x335: {  	v45 =	vadd.s32 $0x6C00, v3;
	[tilespmem:s0+$0x0] =	vst v12;
	v11 =	vld.idx.msk [tilespmem:v40+s3+$0x0], $0xffff  }
0x336: {  	v46 =	vadd.s32 $0x6C00, v6;
	s20 =	sadd.s32 $0x14680, s15;
	s9 =	sor.u32 s10, s31;
	[tilespmem:s19+$0x0] =	vst v2;
	v10 =	vld.idx.msk [tilespmem:v41+s3+$0x0], $0xffff  }
0x337: {  	v48 =	vadd.s32 $0x6C00, v5;
	s21 =	sor.u32 s14, s20;
	v47 =	vld.idx.msk [tilespmem:v42+s3+$0x0], $0xffff;
	[tilespmem:s9+$0x0] =	vst v13  }
0x338: {  	v49 =	vadd.s32 $0x6E00, v1;
	s22 =	sadd.s32 $0x14680, s18;
	s1 =	sor.u32 s13, s20;
	v7 =	vld.idx.msk [tilespmem:v43+s3+$0x0], $0xffff;
	[tilespmem:s21+$0x0] =	vst v8  }
0x339: {  	v50 =	vadd.s32 $0x6E00, v0;
	s23 =	sor.u32 s16, s22;
	[tilespmem:s1+$0x0] =	vst v14;
	v9 =	vld.idx.msk [tilespmem:v44+s3+$0x0], $0xffff  }
0x33a: {  	v51 =	vadd.s32 $0x6E00, v4;
	s24 =	sadd.s32 $0x14700, s12;
	s0 =	sor.u32 s17, s22;
	v12 =	vld.idx.msk [tilespmem:v45+s3+$0x0], $0xffff;
	[tilespmem:s23+$0x0] =	vst v11  }
0x33b: {  	v52 =	vadd.s32 $0x6E00, v3;
	s25 =	sor.u32 s11, s24;
	[tilespmem:s0+$0x0] =	vst v10;
	v2 =	vld.idx.msk [tilespmem:v46+s3+$0x0], $0xffff  }
0x33c: {  	v53 =	vadd.s32 $0x6E00, v6;
	s26 =	sadd.s32 $0x14700, s15;
	[tilespmem:s25+$0x0] =	vst v47;
	s1 =	sor.u32 s10, s24;
	v13 =	vld.idx.msk [tilespmem:v48+s3+$0x0], $0xffff  }
0x33d: {  	v54 =	vadd.s32 $0x6E00, v5;
	s28 =	sor.u32 s14, s26;
	v15 =	vld.idx.msk [tilespmem:v49+s3+$0x0], $0xffff;
	[tilespmem:s1+$0x0] =	vst v7  }
0x33e: {  	v55 =	vadd.s32 $0x7000, v1;
	s29 =	sadd.s32 $0x14700, s18;
	v8 =	vld.idx.msk [tilespmem:v50+s3+$0x0], $0xffff;
	s0 =	sor.u32 s13, s26;
	[tilespmem:s28+$0x0] =	vst v9  }
0x33f: {  	v56 =	vadd.s32 $0x7000, v0;
	s30 =	sor.u32 s16, s29;
	[tilespmem:s0+$0x0] =	vst v12;
	v11 =	vld.idx.msk [tilespmem:v51+s3+$0x0], $0xffff  }
0x340: {  	v57 =	vadd.s32 $0x7000, v4;
	s31 =	sadd.s32 $0x14780, s12;
	s1 =	sor.u32 s17, s29;
	v10 =	vld.idx.msk [tilespmem:v52+s3+$0x0], $0xffff;
	[tilespmem:s30+$0x0] =	vst v2  }
0x341: {  	v58 =	vadd.s32 $0x7000, v3;
	s2 =	sor.u32 s11, s31;
	[tilespmem:s1+$0x0] =	vst v13;
	v59 =	vld.idx.msk [tilespmem:v53+s3+$0x0], $0xffff  }
0x342: {  	v60 =	vadd.s32 $0x7000, v6;
	s4 =	sadd.s32 $0x14780, s15;
	[tilespmem:s2+$0x0] =	vst v15;
	s0 =	sor.u32 s10, s31;
	v7 =	vld.idx.msk [tilespmem:v54+s3+$0x0], $0xffff  }
0x343: {  	v61 =	vadd.s32 $0x7000, v5;
	s5 =	sor.u32 s14, s4;
	v15 =	vld.idx.msk [tilespmem:v55+s3+$0x0], $0xffff;
	[tilespmem:s0+$0x0] =	vst v8  }
0x344: {  	v62 =	vadd.s32 $0x7200, v1;
	s6 =	sadd.s32 $0x14780, s18;
	v9 =	vld.idx.msk [tilespmem:v56+s3+$0x0], $0xffff;
	s1 =	sor.u32 s13, s4;
	[tilespmem:s5+$0x0] =	vst v11  }
0x345: {  	v63 =	vadd.s32 $0x7200, v0;
	s7 =	sor.u32 s16, s6;
	[tilespmem:s1+$0x0] =	vst v10;
	v2 =	vld.idx.msk [tilespmem:v57+s3+$0x0], $0xffff  }
0x346: {  	v20 =	vadd.s32 $0x7200, v4;
	s8 =	sadd.s32 $0x16400, s12;
	s0 =	sor.u32 s17, s6;
	v12 =	vld.idx.msk [tilespmem:v58+s3+$0x0], $0xffff;
	[tilespmem:s7+$0x0] =	vst v59  }
0x347: {  	v21 =	vadd.s32 $0x7200, v3;
	s9 =	sor.u32 s11, s8;
	[tilespmem:s0+$0x0] =	vst v7;
	v13 =	vld.idx.msk [tilespmem:v60+s3+$0x0], $0xffff  }
0x348: {  	v22 =	vadd.s32 $0x7200, v6;
	s19 =	sadd.s32 $0x16400, s15;
	[tilespmem:s9+$0x0] =	vst v15;
	s1 =	sor.u32 s10, s8;
	v8 =	vld.idx.msk [tilespmem:v61+s3+$0x0], $0xffff  }
0x349: {  	v23 =	vadd.s32 $0x7200, v5;
	s20 =	sor.u32 s14, s19;
	v15 =	vld.idx.msk [tilespmem:v62+s3+$0x0], $0xffff;
	[tilespmem:s1+$0x0] =	vst v9  }
0x34a: {  	v24 =	vadd.s32 $0x7400, v1;
	s21 =	sadd.s32 $0x16400, s18;
	v11 =	vld.idx.msk [tilespmem:v63+s3+$0x0], $0xffff;
	s0 =	sor.u32 s13, s19;
	[tilespmem:s20+$0x0] =	vst v2  }
0x34b: {  	v25 =	vadd.s32 $0x7400, v0;
	s22 =	sor.u32 s16, s21;
	[tilespmem:s0+$0x0] =	vst v12;
	v10 =	vld.idx.msk [tilespmem:v20+s3+$0x0], $0xffff  }
0x34c: {  	v26 =	vadd.s32 $0x7400, v4;
	s23 =	sadd.s32 $0x16480, s12;
	s1 =	sor.u32 s17, s21;
	v7 =	vld.idx.msk [tilespmem:v21+s3+$0x0], $0xffff;
	[tilespmem:s22+$0x0] =	vst v13  }
0x34d: {  	v27 =	vadd.s32 $0x7400, v3;
	s24 =	sor.u32 s11, s23;
	[tilespmem:s1+$0x0] =	vst v8;
	v13 =	vld.idx.msk [tilespmem:v22+s3+$0x0], $0xffff  }
0x34e: {  	v28 =	vadd.s32 $0x7400, v6;
	s25 =	sadd.s32 $0x16480, s15;
	[tilespmem:s24+$0x0] =	vst v15;
	s0 =	sor.u32 s10, s23;
	v9 =	vld.idx.msk [tilespmem:v23+s3+$0x0], $0xffff  }
0x34f: {  	v29 =	vadd.s32 $0x7400, v5;
	s26 =	sor.u32 s14, s25;
	v15 =	vld.idx.msk [tilespmem:v24+s3+$0x0], $0xffff;
	[tilespmem:s0+$0x0] =	vst v11  }
0x350: {  	v30 =	vadd.s32 $0x7600, v1;
	s28 =	sadd.s32 $0x16480, s18;
	v2 =	vld.idx.msk [tilespmem:v25+s3+$0x0], $0xffff;
	s1 =	sor.u32 s13, s25;
	[tilespmem:s26+$0x0] =	vst v10  }
0x351: {  	v31 =	vadd.s32 $0x7600, v0;
	s29 =	sor.u32 s16, s28;
	[tilespmem:s1+$0x0] =	vst v7;
	v12 =	vld.idx.msk [tilespmem:v26+s3+$0x0], $0xffff  }
0x352: {  	v32 =	vadd.s32 $0x7600, v4;
	s30 =	sadd.s32 $0x16500, s12;
	s0 =	sor.u32 s17, s28;
	v8 =	vld.idx.msk [tilespmem:v27+s3+$0x0], $0xffff;
	[tilespmem:s29+$0x0] =	vst v13  }
0x353: {  	v33 =	vadd.s32 $0x7600, v3;
	s31 =	sor.u32 s11, s30;
	[tilespmem:s0+$0x0] =	vst v9;
	v13 =	vld.idx.msk [tilespmem:v28+s3+$0x0], $0xffff  }
0x354: {  	v34 =	vadd.s32 $0x7600, v6;
	s2 =	sadd.s32 $0x16500, s15;
	[tilespmem:s31+$0x0] =	vst v15;
	s1 =	sor.u32 s10, s30;
	v11 =	vld.idx.msk [tilespmem:v29+s3+$0x0], $0xffff  }
0x355: {  	v35 =	vadd.s32 $0x7600, v5;
	s4 =	sor.u32 s14, s2;
	v15 =	vld.idx.msk [tilespmem:v30+s3+$0x0], $0xffff;
	[tilespmem:s1+$0x0] =	vst v2  }
0x356: {  	v36 =	vadd.s32 $0x7800, v1;
	s5 =	sadd.s32 $0x16500, s18;
	v10 =	vld.idx.msk [tilespmem:v31+s3+$0x0], $0xffff;
	s0 =	sor.u32 s13, s2;
	[tilespmem:s4+$0x0] =	vst v12  }
0x357: {  	v37 =	vadd.s32 $0x7800, v0;
	s6 =	sor.u32 s16, s5;
	[tilespmem:s0+$0x0] =	vst v8;
	v7 =	vld.idx.msk [tilespmem:v32+s3+$0x0], $0xffff  }
0x358: {  	v38 =	vadd.s32 $0x7800, v4;
	s7 =	sadd.s32 $0x16580, s12;
	s1 =	sor.u32 s17, s5;
	v9 =	vld.idx.msk [tilespmem:v33+s3+$0x0], $0xffff;
	[tilespmem:s6+$0x0] =	vst v13  }
0x359: {  	v39 =	vadd.s32 $0x7800, v3;
	s8 =	sor.u32 s11, s7;
	[tilespmem:s1+$0x0] =	vst v11;
	v13 =	vld.idx.msk [tilespmem:v34+s3+$0x0], $0xffff  }
0x35a: {  	v40 =	vadd.s32 $0x7800, v6;
	s9 =	sadd.s32 $0x16580, s15;
	[tilespmem:s8+$0x0] =	vst v15;
	s0 =	sor.u32 s10, s7;
	v2 =	vld.idx.msk [tilespmem:v35+s3+$0x0], $0xffff  }
0x35b: {  	v41 =	vadd.s32 $0x7800, v5;
	s19 =	sor.u32 s14, s9;
	v15 =	vld.idx.msk [tilespmem:v36+s3+$0x0], $0xffff;
	[tilespmem:s0+$0x0] =	vst v10  }
0x35c: {  	v42 =	vadd.s32 $0x7A00, v1;
	s20 =	sadd.s32 $0x16580, s18;
	v12 =	vld.idx.msk [tilespmem:v37+s3+$0x0], $0xffff;
	s1 =	sor.u32 s13, s9;
	[tilespmem:s19+$0x0] =	vst v7  }
0x35d: {  	v43 =	vadd.s32 $0x7A00, v0;
	s21 =	sor.u32 s16, s20;
	[tilespmem:s1+$0x0] =	vst v9;
	v8 =	vld.idx.msk [tilespmem:v38+s3+$0x0], $0xffff  }
0x35e: {  	v44 =	vadd.s32 $0x7A00, v4;
	s22 =	sadd.s32 $0x16600, s12;
	s0 =	sor.u32 s17, s20;
	v11 =	vld.idx.msk [tilespmem:v39+s3+$0x0], $0xffff;
	[tilespmem:s21+$0x0] =	vst v13  }
0x35f: {  	v45 =	vadd.s32 $0x7A00, v3;
	s23 =	sor.u32 s11, s22;
	[tilespmem:s0+$0x0] =	vst v2;
	v13 =	vld.idx.msk [tilespmem:v40+s3+$0x0], $0xffff  }
0x360: {  	v46 =	vadd.s32 $0x7A00, v6;
	s24 =	sadd.s32 $0x16600, s15;
	[tilespmem:s23+$0x0] =	vst v15;
	s1 =	sor.u32 s10, s22;
	v10 =	vld.idx.msk [tilespmem:v41+s3+$0x0], $0xffff  }
0x361: {  	v47 =	vadd.s32 $0x7A00, v5;
	s25 =	sor.u32 s14, s24;
	v15 =	vld.idx.msk [tilespmem:v42+s3+$0x0], $0xffff;
	[tilespmem:s1+$0x0] =	vst v12  }
0x362: {  	v48 =	vadd.s32 $0x7C00, v1;
	s26 =	sadd.s32 $0x16600, s18;
	v7 =	vld.idx.msk [tilespmem:v43+s3+$0x0], $0xffff;
	s0 =	sor.u32 s13, s24;
	[tilespmem:s25+$0x0] =	vst v8  }
0x363: {  	v49 =	vadd.s32 $0x7C00, v0;
	s28 =	sor.u32 s16, s26;
	[tilespmem:s0+$0x0] =	vst v11;
	v9 =	vld.idx.msk [tilespmem:v44+s3+$0x0], $0xffff  }
0x364: {  	v50 =	vadd.s32 $0x7C00, v4;
	s29 =	sadd.s32 $0x16680, s12;
	s1 =	sor.u32 s17, s26;
	v2 =	vld.idx.msk [tilespmem:v45+s3+$0x0], $0xffff;
	[tilespmem:s28+$0x0] =	vst v13  }
0x365: {  	v51 =	vadd.s32 $0x7C00, v3;
	s30 =	sor.u32 s11, s29;
	[tilespmem:s1+$0x0] =	vst v10;
	v13 =	vld.idx.msk [tilespmem:v46+s3+$0x0], $0xffff  }
0x366: {  	v52 =	vadd.s32 $0x7C00, v6;
	s31 =	sadd.s32 $0x16680, s15;
	[tilespmem:s30+$0x0] =	vst v15;
	s0 =	sor.u32 s10, s29;
	v12 =	vld.idx.msk [tilespmem:v47+s3+$0x0], $0xffff  }
0x367: {  	v53 =	vadd.s32 $0x7C00, v5;
	s2 =	sor.u32 s14, s31;
	v15 =	vld.idx.msk [tilespmem:v48+s3+$0x0], $0xffff;
	[tilespmem:s0+$0x0] =	vst v7  }
0x368: {  	v54 =	vadd.s32 $0x7E00, v1;
	s5 =	sadd.s32 $0x16680, s18;
	s4 =	sor.u32 s13, s31;
	v8 =	vld.idx.msk [tilespmem:v49+s3+$0x0], $0xffff;
	[tilespmem:s2+$0x0] =	vst v9  }
0x369: {  	v55 =	vadd.s32 $0x7E00, v0;
	s6 =	sor.u32 s16, s5;
	[tilespmem:s4+$0x0] =	vst v2;
	v9 =	vld.idx.msk [tilespmem:v50+s3+$0x0], $0xffff  }
0x36a: {  	v56 =	vadd.s32 $0x7E00, v4;
	s7 =	sadd.s32 $0x16700, s12;
	s1 =	sor.u32 s17, s5;
	v57 =	vld.idx.msk [tilespmem:v51+s3+$0x0], $0xffff;
	[tilespmem:s6+$0x0] =	vst v13  }
0x36b: {  	v58 =	vadd.s32 $0x7E00, v3;
	s8 =	sor.u32 s11, s7;
	[tilespmem:s1+$0x0] =	vst v12;
	v59 =	vld.idx.msk [tilespmem:v52+s3+$0x0], $0xffff  }
0x36c: {  	v60 =	vadd.s32 $0x7E00, v6;
	s9 =	sadd.s32 $0x16700, s15;
	s0 =	sor.u32 s10, s7;
	[tilespmem:s8+$0x0] =	vst v15;
	v7 =	vld.idx.msk [tilespmem:v53+s3+$0x0], $0xffff  }
0x36d: {  	v61 =	vadd.s32 $0x7E00, v5;
	s19 =	sor.u32 s14, s9;
	v1 =	vld.idx.msk [tilespmem:v54+s3+$0x0], $0xffff;
	[tilespmem:s0+$0x0] =	vst v8  }
0x36e: {  	s20 =	sadd.s32 $0x16700, s18;
	v0 =	vld.idx.msk [tilespmem:v55+s3+$0x0], $0xffff;
	s1 =	sor.u32 s13, s9;
	[tilespmem:s19+$0x0] =	vst v9  }
0x36f: {  	s21 =	sor.u32 s16, s20;
	[tilespmem:s1+$0x0] =	vst v57;
	v2 =	vld.idx.msk [tilespmem:v56+s3+$0x0], $0xffff  }
0x370: {  	s22 =	sadd.s32 $0x16780, s12;
	s0 =	sor.u32 s17, s20;
	v3 =	vld.idx.msk [tilespmem:v58+s3+$0x0], $0xffff;
	[tilespmem:s21+$0x0] =	vst v59  }
0x371: {  	s23 =	sor.u32 s11, s22;
	[tilespmem:s0+$0x0] =	vst v7;
	v62 =	vld.idx.msk [tilespmem:v60+s3+$0x0], $0xffff  }
0x372: {  	s24 =	sadd.s32 $0x16780, s15;
	[tilespmem:s23+$0x0] =	vst v1;
	s1 =	sor.u32 s10, s22;
	v63 =	vld.idx.msk [tilespmem:v61+s3+$0x0], $0xffff  }
0x373: {  	s25 =	sor.u32 s14, s24;
	[tilespmem:s1+$0x0] =	vst v0  }
0x374: {  	s26 =	sadd.s32 $0x16780, s18;
	s0 =	sor.u32 s13, s24;
	[tilespmem:s25+$0x0] =	vst v2  }
0x375: {  	s28 =	sor.u32 s16, s26;
	[tilespmem:s0+$0x0] =	vst v3  }
0x376: {  	s1 =	sor.u32 s17, s26;
	[tilespmem:s28+$0x0] =	vst v62  }
0x377: {  	[tilespmem:s1+$0x0] =	vst v63  }
0x378: {  	s29 =	simm.s32 $0x8400;
	s2 =	simm.s32 $0x1;
	s0 =	rddreg [dreg:$0x5]  }
0x379: {  	[hbm4b:s0+s3] =	stream.linear.scatter [tilespmem:s29], [sflag:$0x1], $0x10000, $0x38;
	[tilespmem:$0x18400] =	vst v63  }
0x37a: {  	_ =	swait.ge [sflag:s2], $0x10000  }
0x37b: {  	s30 =	rddreg [dreg:$0x7]  }
0x37c: {  	s31 =	rddreg [dreg:$0x6];
	s1 =	sadd.s32 $0x1, s30  }
0x37d: {  	p0 =	sne.s32 s1, s31  }
.Ltmp1:
0x37e: {  	_ = 	snop;
	(pc) =	sbr.rel @p0 .LBB2_1-.Ltmp1, $3  }
0x37f: {  	_ =	sdelay $0x1  }
0x380: {  	[sflag:s2] =	ssyncset.done $0x0  }
0x381: {  	[sflag:s2] =	ssyncadd.s32 $0xFFFF0000  }
0x382: {  	_ =	sfence.sel $0x180000  }
0x383: {  	[bflag:$0x0] =	sbarrier.arrive $0xFFFF  }
0x384: {  	_ =	strace $0x90000047  }
0x385: {  	s0 =	stileid.u32;
	[bflag:$0x2] =	sbarrier.arrive $0xFFFF  }
0x386: {  	p0 =	sne.s32 s0, $0x0;
	s0 =	rddreg [dreg:$0x2]  }
0x387: {  	s0 =	sadd.s32 @!p0 $0x100000, s0  }
0x388: {  	[sflag:s0] =	ssyncadd.tile.s32 @!p0 $0x1;
	_ =	shalt  }
.Lfunc_end2:
_tile_overlayer_lowered:
.L_overlay_start_2:
0x389: {  	(tag) =	ssettag $0x2  }
0x38a: {  	s0 =	rddreg [dreg:$0x0];
	s2 =	stileid.u32  }
0x38b: {  	s1 =	rddreg [dreg:$0x1];
	p0 =	sne.s32 s2, $0x0  }
0x38c: {  	s3 =	rddreg [dreg:$0x2];
	[bflag:$0x3] =	sbarrier.arrive $0xFFFF;
	s2 =	simm.s32 @!p0 $0x1C01  }
0x38d: {  	[timem:s3], [sflag:s2] =	dma.local @!p0 [hbm:s0], s1  }
0x38e: {  	s0 =	simm.s32 @!p0 $0x1  }
0x38f: {  	_ =	swait.ge @!p0 [sflag:s0], s1  }
0x390: {  	s1 =	ssub.s32 @!p0 $0x0, s1;
	[sflag:s0] =	ssyncset.done @!p0 $0x0  }
0x391: {  	[sflag:s0] =	ssyncadd.s32 @!p0 s1  }
0x392: {  	[bflag:$0x3] =	sbarrier.arrive $0xFFFF  }
0x393: {  	_ =	shalt  }

</sc_bundles>
